<compile_context>
chip_gen: v7x
topology: tpu7x:2x2x1
jax: 0.10.2.dev20260603
libtpu: 0.0.44.dev20260713+nightly
codegen_flags: <defaults>
</compile_context>

<pallas_src>
import functools

import jax
import jax.numpy as jnp
from jax import lax
from jax.experimental import pallas as pl
from jax.experimental.pallas import tpu as pltpu
from jax.experimental.pallas import tpu_sc as plsc

_P = 64
_B = 16
_E = 512
_NEG = 0.01

_GDN = lax.GatherDimensionNumbers(
    offset_dims=(), collapsed_slice_dims=(0,), start_index_map=(0,))


def _bcast_lane(v, j):
    idx = jnp.full((16, 1), j, jnp.int32)
    return lax.gather(v, idx, _GDN, (1,),
                      mode=lax.GatherScatterMode.PROMISE_IN_BOUNDS)


def _adj_body(edge_ref, zero_ref, out_ref, src_v, dst_v, c_v):
    wid = lax.axis_index("s")
    base = wid * (2 * _E)
    pltpu.sync_copy(edge_ref.at[pl.ds(base, _E)], src_v)
    pltpu.sync_copy(edge_ref.at[pl.ds(base + _E, _E)], dst_v)
    pltpu.sync_copy(zero_ref, c_v)

    lanes = lax.iota(jnp.int32, 16)

    def edge_body(e, carry):
        s = src_v[pl.ds(e * 16, 16)]
        d = dst_v[pl.ds(e * 16, 16)]
        flat = d * _P + s
        cnt = jnp.zeros((16,), jnp.int32)
        seen = jnp.zeros((16,), jnp.bool_)
        for j in range(16):
            eq = flat == _bcast_lane(flat, j)
            cnt = cnt + jnp.where(eq, 1, 0).astype(jnp.int32)
            seen = jnp.logical_or(seen, jnp.logical_and(eq, lanes > j))
        plsc.addupdate_scatter(c_v, [flat], cnt.astype(jnp.float32),
                               mask=jnp.logical_not(seen))
        return carry

    lax.fori_loop(0, _E // 16, edge_body, 0)
    pltpu.sync_copy(c_v, out_ref.at[pl.ds(wid * (_P * _P), _P * _P)])


@functools.cache
def _adj_counts_fn():
    return functools.partial(pl.kernel,
        out_type=jax.ShapeDtypeStruct((_B * _P * _P,), jnp.float32),
        mesh=plsc.VectorSubcoreMesh(core_axis_name="c", subcore_axis_name="s",
                                    num_cores=1, num_subcores=16),
        compiler_params=pltpu.CompilerParams(needs_layout_passes=False),
        scratch_types=[
            pltpu.VMEM((_E,), jnp.int32),
            pltpu.VMEM((_E,), jnp.int32),
            pltpu.VMEM((_P * _P,), jnp.float32),
        ],
    )(_adj_body)


def _lin_body(x_ref, w_ref, b_ref, o_ref, *, act):
    acc = lax.dot_general(x_ref[...], w_ref[...], (((1,), (1,)), ((), ())),
                          preferred_element_type=jnp.float32)
    acc = acc + b_ref[...]
    if act:
        acc = jnp.where(acc >= 0, acc, _NEG * acc)
    o_ref[...] = acc


def _linear(x, w, bvec, act, bn):
    m, k = x.shape
    n = w.shape[0]
    return pl.pallas_call(
        functools.partial(_lin_body, act=act),
        grid=(n // bn,),
        in_specs=[
            pl.BlockSpec((m, k), lambda i: (0, 0)),
            pl.BlockSpec((bn, k), lambda i: (i, 0)),
            pl.BlockSpec((1, bn), lambda i: (0, i)),
        ],
        out_specs=pl.BlockSpec((m, bn), lambda i: (0, i)),
        out_shape=jax.ShapeDtypeStruct((m, n), jnp.float32),
    )(x, w, bvec.reshape(1, n))



def _head_body(x_ref, c_ref, w1_ref, b1_ref, w2_ref, b2_ref,
               f1_ref, f1b_ref, f2_ref, f2b_ref, o_ref):
    ii = lax.broadcasted_iota(jnp.int32, (_P, _P), 0)
    jj = lax.broadcasted_iota(jnp.int32, (_P, _P), 1)
    eye = jnp.where(ii == jj, 1.0, 0.0).astype(jnp.float32)
    ones_row = jnp.ones((1, _P), jnp.float32)
    gs = []
    for s in range(_B):
        C = c_ref[s, 0] + eye
        dinv = lax.rsqrt(jnp.sum(C, axis=1, keepdims=True))
        m = lax.dot_general(x_ref[s], w1_ref[...], (((1,), (1,)), ((), ())),
                            preferred_element_type=jnp.float32)
        t = lax.dot_general(C, dinv * m, (((1,), (0,)), ((), ())),
                            preferred_element_type=jnp.float32)
        h = dinv * t + b1_ref[...]
        h = jnp.where(h >= 0, h, _NEG * h)
        m = lax.dot_general(h, w2_ref[...], (((1,), (1,)), ((), ())),
                            preferred_element_type=jnp.float32)
        t = lax.dot_general(C, dinv * m, (((1,), (0,)), ((), ())),
                            preferred_element_type=jnp.float32)
        h = dinv * t + b2_ref[...]
        h = jnp.where(h >= 0, h, _NEG * h)
        gs.append(lax.dot_general(ones_row, h, (((1,), (0,)), ((), ())),
                                  preferred_element_type=jnp.float32))
    g_all = jnp.concatenate(gs, axis=0) * (1.0 / _P)
    z = lax.dot_general(g_all, f1_ref[...], (((1,), (1,)), ((), ())),
                        preferred_element_type=jnp.float32) + f1b_ref[...]
    z = jnp.where(z >= 0, z, _NEG * z)
    y = lax.dot_general(z, f2_ref[...], (((1,), (1,)), ((), ())),
                        preferred_element_type=jnp.float32) + f2b_ref[...]
    acc = jnp.zeros((_B, _P), jnp.float32)
    for k in range(_P):
        acc = acc + lax.slice(y, (0, k * _P), (_B, (k + 1) * _P))
        o_ref[:, k * _P:(k + 1) * _P] = jax.nn.sigmoid(acc)


def _head(x3r, counts4, w1, b1, w2, b2, f1, f1b, f2, f2b):
    return pl.pallas_call(
        _head_body,
        out_shape=jax.ShapeDtypeStruct((_B, _P * _P), jnp.float32),
    )(x3r, counts4, w1, b1, w2, b2, f1, f1b, f2, f2b)


def kernel(b, edge_index, enc_W1, enc_b1, enc_W2, enc_b2, enc_W3, enc_b3,
           conv1_W, conv1_b, conv2_W, conv2_b, fc1_W, fc1_b, fc2_W, fc2_b):
    x = b.reshape(_B, -1)
    x1 = _linear(x, enc_W1, enc_b1, act=True, bn=1024)
    x2 = _linear(x1, enc_W2, enc_b2, act=True, bn=1024)
    x3 = _linear(x2, enc_W3, enc_b3, act=False, bn=512)
    x3r = x3.reshape(_B, _P, 2 * _P)

    edge_flat = edge_index.astype(jnp.int32).reshape(-1)
    counts = _adj_counts_fn()(edge_flat, jnp.zeros((_P * _P,), jnp.float32))
    counts4 = counts.reshape(_B, 1, _P, _P)

    y = _head(x3r, counts4,
              conv1_W, conv1_b.reshape(1, -1),
              conv2_W, conv2_b.reshape(1, -1),
              fc1_W, fc1_b.reshape(1, -1),
              fc2_W, fc2_b.reshape(1, -1))
    return y.reshape(_B, _P, _P)

# --- scband reference (transcript-rebuilt; emitter-appended) ---
"""Pipeline reference for scband-gnnhypernetwork-10677288698538 (READ-ONLY COPY).

The authoritative reference and input builder live on the scoring server;
editing this copy changes nothing except your own understanding.
"""

import jax, jax.numpy as jnp
import numpy as np

P = 64
M = 16
H = 32
HYP = (64, 64)
B = 16
E = 512


def _lin_init(k, out_d, in_d):
    kw, kb = jax.random.split(k)
    bound = 1.0 / np.sqrt(in_d)
    W = jax.random.uniform(kw, (out_d, in_d), minval=-bound, maxval=bound, dtype=jnp.float32)
    b = jax.random.uniform(kb, (out_d,), minval=-bound, maxval=bound, dtype=jnp.float32)
    return W, b


def setup_inputs(seed: int = 0) -> dict:
    key = jax.random.key(seed)
    ks = jax.random.split(key, 10)
    enc_W1, enc_b1 = _lin_init(ks[0], P * H, P * M)
    enc_W2, enc_b2 = _lin_init(ks[1], 2 * P * H, P * H)
    enc_W3, enc_b3 = _lin_init(ks[2], 4 * P * H, 2 * P * H)
    conv1_W, conv1_b = _lin_init(ks[3], 2 * H, 4 * H)
    conv2_W, conv2_b = _lin_init(ks[4], 2 * H, 2 * H)
    fc1_W, fc1_b = _lin_init(ks[5], H, 2 * H)
    fc2_W = jax.random.normal(ks[6], (int(np.prod(HYP)), H), dtype=jnp.float32) * 1e-7
    fc2_b = jnp.full((int(np.prod(HYP)),), -10.0, dtype=jnp.float32)
    b = jax.random.normal(ks[7], (B, P, M), dtype=jnp.float32)
    edge_index = jax.random.randint(ks[8], (B, 2, E), 0, P, dtype=jnp.int64)
    return {
        'b': b, 'edge_index': edge_index,
        'enc_W1': enc_W1, 'enc_b1': enc_b1,
        'enc_W2': enc_W2, 'enc_b2': enc_b2,
        'enc_W3': enc_W3, 'enc_b3': enc_b3,
        'conv1_W': conv1_W, 'conv1_b': conv1_b,
        'conv2_W': conv2_W, 'conv2_b': conv2_b,
        'fc1_W': fc1_W, 'fc1_b': fc1_b,
        'fc2_W': fc2_W, 'fc2_b': fc2_b,
    }


def _gcn_conv(x, edge_index, W, bias):
    # PyG GCNConv semantics: x' = D^{-1/2} (A + I) D^{-1/2} (x W^T) + bias
    n = x.shape[0]
    loops = jnp.arange(n, dtype=edge_index.dtype)
    src = jnp.concatenate([edge_index[0], loops])
    dst = jnp.concatenate([edge_index[1], loops])
    deg = jnp.zeros((n,), dtype=x.dtype).at[dst].add(1.0)
    dinv = jax.lax.rsqrt(deg)
    norm = dinv[src] * dinv[dst]
    h = x @ W.T
    out = jnp.zeros((n, h.shape[1]), dtype=x.dtype).at[dst].add(h[src] * norm[:, None])
    return out + bias


def reference(b, edge_index, enc_W1, enc_b1, enc_W2, enc_b2, enc_W3, enc_b3,
              conv1_W, conv1_b, conv2_W, conv2_b, fc1_W, fc1_b, fc2_W, fc2_b):
    bs = b.shape[0]
    x = b.reshape(bs, -1)
    x = jax.nn.leaky_relu(x @ enc_W1.T + enc_b1)
    x = jax.nn.leaky_relu(x @ enc_W2.T + enc_b2)
    x = x @ enc_W3.T + enc_b3
    x = x.reshape(bs, P, -1)

    def get_hyp(xi, ei):
        h = jax.nn.leaky_relu(_gcn_conv(xi, ei, conv1_W, conv1_b))
        h = jax.nn.leaky_relu(_gcn_conv(h, ei, conv2_W, conv2_b))
        g = jnp.mean(h, axis=0)  # global_mean_pool with single graph
        g = jax.nn.leaky_relu(g @ fc1_W.T + fc1_b)
        g = g @ fc2_W.T + fc2_b
        return g.reshape(HYP)

    hyp = jnp.stack([get_hyp(x[i], edge_index[i]) for i in range(bs)])
    hyp = jnp.cumsum(hyp, axis=1)
    return jax.nn.sigmoid(hyp)

if __name__ == "__main__":
    import jax
    _d = setup_inputs()
    print(jax.jit(kernel)(*tuple(_d.values())))

</pallas_src>

<mosaic_0001>
#map = affine_map<(d0, d1) -> (0)>
module attributes {stable_mosaic.version = 14 : i64} {
  func.func @_adj_body(%arg0: i32, %arg1: i32, %arg2: memref<16384xi32, #tpu.memory_space<hbm>>, %arg3: memref<4096xf32, #tpu.memory_space<hbm>>, %arg4: memref<65536xf32, #tpu.memory_space<hbm>>, %arg5: memref<512xi32, #tpu.memory_space<vmem>>, %arg6: memref<512xi32, #tpu.memory_space<vmem>>, %arg7: memref<4096xf32, #tpu.memory_space<vmem>>) attributes {dimension_semantics = [#tpu.dimension_semantics<core_parallel>, #tpu.dimension_semantics<subcore_parallel>], iteration_bounds = array<i64: 1, 16>, scalar_prefetch = 0 : i64, scratch_operands = 3 : i64, tpu.core_type = #tpu.core_type<sc_vector_subcore>, window_params = [{transform_indices = #map}, {transform_indices = #map}, {transform_indices = #map}]} {
    %mul3A = arith.constant 1024 : i32
    %mul3A_0 = arith.muli %arg1, %mul3A : i32
    "tpu.region"() ({
      %run_scoped3A = tpu.sem_alloc : memref<!tpu.dma_semaphore, #tpu.memory_space<semaphore_mem>>
      %dma_start3A = tpu.memref_slice %arg2[%mul3A_0] : memref<16384xi32, #tpu.memory_space<hbm>> -> memref<512xi32, #tpu.memory_space<hbm>>
      %dma_start3A_9 = tpu.memref_slice %arg2[%mul3A_0] : memref<16384xi32, #tpu.memory_space<hbm>> -> memref<512xi32, #tpu.memory_space<hbm>>
      tpu.enqueue_dma source(%dma_start3A_9 : memref<512xi32, #tpu.memory_space<hbm>>) target(%arg5 : memref<512xi32, #tpu.memory_space<vmem>>) target_semaphore(%run_scoped3A : memref<!tpu.dma_semaphore, #tpu.memory_space<semaphore_mem>>)
      %dma_wait3A = tpu.memref_slice %arg2[%mul3A_0] : memref<16384xi32, #tpu.memory_space<hbm>> -> memref<512xi32, #tpu.memory_space<hbm>>
      %dma_wait3A_10 = tpu.memref_slice %arg2[%mul3A_0] : memref<16384xi32, #tpu.memory_space<hbm>> -> memref<512xi32, #tpu.memory_space<hbm>>
      tpu.wait_dma2 semaphore(%run_scoped3A : memref<!tpu.dma_semaphore, #tpu.memory_space<semaphore_mem>>) src(%dma_wait3A_10 : memref<512xi32, #tpu.memory_space<hbm>>) dst(%arg5 : memref<512xi32, #tpu.memory_space<vmem>>)
      tpu.yield
    }) : () -> ()
    %add3A = arith.constant 512 : i32
    %add3A_1 = arith.addi %mul3A_0, %add3A : i32
    "tpu.region"() ({
      %run_scoped3A = tpu.sem_alloc : memref<!tpu.dma_semaphore, #tpu.memory_space<semaphore_mem>>
      %dma_start3A = tpu.memref_slice %arg2[%add3A_1] : memref<16384xi32, #tpu.memory_space<hbm>> -> memref<512xi32, #tpu.memory_space<hbm>>
      %dma_start3A_9 = tpu.memref_slice %arg2[%add3A_1] : memref<16384xi32, #tpu.memory_space<hbm>> -> memref<512xi32, #tpu.memory_space<hbm>>
      tpu.enqueue_dma source(%dma_start3A_9 : memref<512xi32, #tpu.memory_space<hbm>>) target(%arg6 : memref<512xi32, #tpu.memory_space<vmem>>) target_semaphore(%run_scoped3A : memref<!tpu.dma_semaphore, #tpu.memory_space<semaphore_mem>>)
      %dma_wait3A = tpu.memref_slice %arg2[%add3A_1] : memref<16384xi32, #tpu.memory_space<hbm>> -> memref<512xi32, #tpu.memory_space<hbm>>
      %dma_wait3A_10 = tpu.memref_slice %arg2[%add3A_1] : memref<16384xi32, #tpu.memory_space<hbm>> -> memref<512xi32, #tpu.memory_space<hbm>>
      tpu.wait_dma2 semaphore(%run_scoped3A : memref<!tpu.dma_semaphore, #tpu.memory_space<semaphore_mem>>) src(%dma_wait3A_10 : memref<512xi32, #tpu.memory_space<hbm>>) dst(%arg6 : memref<512xi32, #tpu.memory_space<vmem>>)
      tpu.yield
    }) : () -> ()
    "tpu.region"() ({
      %run_scoped3A = tpu.sem_alloc : memref<!tpu.dma_semaphore, #tpu.memory_space<semaphore_mem>>
      tpu.enqueue_dma source(%arg3 : memref<4096xf32, #tpu.memory_space<hbm>>) target(%arg7 : memref<4096xf32, #tpu.memory_space<vmem>>) target_semaphore(%run_scoped3A : memref<!tpu.dma_semaphore, #tpu.memory_space<semaphore_mem>>)
      tpu.wait_dma2 semaphore(%run_scoped3A : memref<!tpu.dma_semaphore, #tpu.memory_space<semaphore_mem>>) src(%arg3 : memref<4096xf32, #tpu.memory_space<hbm>>) dst(%arg7 : memref<4096xf32, #tpu.memory_space<vmem>>)
      tpu.yield
    }) : () -> ()
    %iota3A = tpu.iota {dimensions = array<i32: 0>} : vector<16xi32>
    %scan3A = arith.constant 0 : i32
    %scan3A_2 = arith.constant 0 : i32
    %scan3A_3 = arith.constant 32 : i32
    %scan3A_4 = arith.addi %scan3A_2, %scan3A_3 : i32
    %scan3A_5 = arith.constant 1 : i32
    scf.for %scan3A_9 = %scan3A_2 to %scan3A_4 step %scan3A_5  : i32 {
      %mul3A_10 = arith.constant 16 : i32
      %mul3A_11 = arith.muli %scan3A_9, %mul3A_10 : i32
      %get3A = arith.index_cast %mul3A_11 : i32 to index
      %get3A_12 = tpu.vector_load %arg5[%get3A] {strides = array<i32>} : memref<512xi32, #tpu.memory_space<vmem>>, vector<16xi32>,
      %mul3A_13 = arith.constant 16 : i32
      %mul3A_14 = arith.muli %scan3A_9, %mul3A_13 : i32
      %get3A_15 = arith.index_cast %mul3A_14 : i32 to index
      %get3A_16 = tpu.vector_load %arg6[%get3A_15] {strides = array<i32>} : memref<512xi32, #tpu.memory_space<vmem>>, vector<16xi32>,
      %mul3A_17 = arith.constant 64 : i32
      %mul3A_18 = vector.broadcast %mul3A_17 : i32 to vector<16xi32>
      %mul3A_19 = arith.muli %get3A_16, %mul3A_18 : vector<16xi32>
      %add3A_20 = arith.addi %mul3A_19, %get3A_12 : vector<16xi32>
      %broadcast_in_dim3A = arith.constant 0 : i32
      %broadcast_in_dim3A_21 = vector.broadcast %broadcast_in_dim3A : i32 to vector<16xi32>
      %broadcast_in_dim3A_22 = arith.constant false
      %broadcast_in_dim3A_23 = vector.broadcast %broadcast_in_dim3A_22 : i1 to vector<16xi1>
      %broadcast_in_dim3A_24 = arith.constant 0 : i32
      %broadcast_in_dim3A_25 = vector.broadcast %broadcast_in_dim3A_24 : i32 to vector<16x1xi32>
      %gather3A = vector.shape_cast %broadcast_in_dim3A_25 : vector<16x1xi32> to vector<16xi32>
      %gather3A_26 = tpu.dynamic_gather %add3A_20[%gather3A] in [0] : vector<16xi32>, vector<16xi32> -> vector<16xi32>
      %eq3A = arith.cmpi eq, %add3A_20, %gather3A_26 : vector<16xi32>
      %jit3A = arith.constant 1 : i32
      %jit3A_27 = arith.constant 0 : i32
      %broadcast_in_dim3A_28 = vector.broadcast %jit3A : i32 to vector<16xi32>
      %broadcast_in_dim3A_29 = vector.broadcast %jit3A_27 : i32 to vector<16xi32>
      %select_n3A = arith.select %eq3A, %broadcast_in_dim3A_28, %broadcast_in_dim3A_29 : vector<16xi1>, vector<16xi32>
      %add3A_30 = arith.addi %broadcast_in_dim3A_21, %select_n3A : vector<16xi32>
      %gt3A = arith.constant 0 : i32
      %gt3A_31 = vector.broadcast %gt3A : i32 to vector<16xi32>
      %gt3A_32 = arith.cmpi sgt, %iota3A, %gt3A_31 : vector<16xi32>
      %and3A = arith.andi %eq3A, %gt3A_32 : vector<16xi1>
      %or3A = arith.ori %broadcast_in_dim3A_23, %and3A : vector<16xi1>
      %broadcast_in_dim3A_33 = arith.constant 1 : i32
      %broadcast_in_dim3A_34 = vector.broadcast %broadcast_in_dim3A_33 : i32 to vector<16x1xi32>
      %gather3A_35 = vector.shape_cast %broadcast_in_dim3A_34 : vector<16x1xi32> to vector<16xi32>
      %gather3A_36 = tpu.dynamic_gather %add3A_20[%gather3A_35] in [0] : vector<16xi32>, vector<16xi32> -> vector<16xi32>
      %eq3A_37 = arith.cmpi eq, %add3A_20, %gather3A_36 : vector<16xi32>
      %jit3A_38 = arith.constant 1 : i32
      %jit3A_39 = arith.constant 0 : i32
      %broadcast_in_dim3A_40 = vector.broadcast %jit3A_38 : i32 to vector<16xi32>
      %broadcast_in_dim3A_41 = vector.broadcast %jit3A_39 : i32 to vector<16xi32>
      %select_n3A_42 = arith.select %eq3A_37, %broadcast_in_dim3A_40, %broadcast_in_dim3A_41 : vector<16xi1>, vector<16xi32>
      %add3A_43 = arith.addi %add3A_30, %select_n3A_42 : vector<16xi32>
      %gt3A_44 = arith.constant 1 : i32
      %gt3A_45 = vector.broadcast %gt3A_44 : i32 to vector<16xi32>
      %gt3A_46 = arith.cmpi sgt, %iota3A, %gt3A_45 : vector<16xi32>
      %and3A_47 = arith.andi %eq3A_37, %gt3A_46 : vector<16xi1>
      %or3A_48 = arith.ori %or3A, %and3A_47 : vector<16xi1>
      %broadcast_in_dim3A_49 = arith.constant 2 : i32
      %broadcast_in_dim3A_50 = vector.broadcast %broadcast_in_dim3A_49 : i32 to vector<16x1xi32>
      %gather3A_51 = vector.shape_cast %broadcast_in_dim3A_50 : vector<16x1xi32> to vector<16xi32>
      %gather3A_52 = tpu.dynamic_gather %add3A_20[%gather3A_51] in [0] : vector<16xi32>, vector<16xi32> -> vector<16xi32>
      %eq3A_53 = arith.cmpi eq, %add3A_20, %gather3A_52 : vector<16xi32>
      %jit3A_54 = arith.constant 1 : i32
      %jit3A_55 = arith.constant 0 : i32
      %broadcast_in_dim3A_56 = vector.broadcast %jit3A_54 : i32 to vector<16xi32>
      %broadcast_in_dim3A_57 = vector.broadcast %jit3A_55 : i32 to vector<16xi32>
      %select_n3A_58 = arith.select %eq3A_53, %broadcast_in_dim3A_56, %broadcast_in_dim3A_57 : vector<16xi1>, vector<16xi32>
      %add3A_59 = arith.addi %add3A_43, %select_n3A_58 : vector<16xi32>
      %gt3A_60 = arith.constant 2 : i32
      %gt3A_61 = vector.broadcast %gt3A_60 : i32 to vector<16xi32>
      %gt3A_62 = arith.cmpi sgt, %iota3A, %gt3A_61 : vector<16xi32>
      %and3A_63 = arith.andi %eq3A_53, %gt3A_62 : vector<16xi1>
      %or3A_64 = arith.ori %or3A_48, %and3A_63 : vector<16xi1>
      %broadcast_in_dim3A_65 = arith.constant 3 : i32
      %broadcast_in_dim3A_66 = vector.broadcast %broadcast_in_dim3A_65 : i32 to vector<16x1xi32>
      %gather3A_67 = vector.shape_cast %broadcast_in_dim3A_66 : vector<16x1xi32> to vector<16xi32>
      %gather3A_68 = tpu.dynamic_gather %add3A_20[%gather3A_67] in [0] : vector<16xi32>, vector<16xi32> -> vector<16xi32>
      %eq3A_69 = arith.cmpi eq, %add3A_20, %gather3A_68 : vector<16xi32>
      %jit3A_70 = arith.constant 1 : i32
      %jit3A_71 = arith.constant 0 : i32
      %broadcast_in_dim3A_72 = vector.broadcast %jit3A_70 : i32 to vector<16xi32>
      %broadcast_in_dim3A_73 = vector.broadcast %jit3A_71 : i32 to vector<16xi32>
      %select_n3A_74 = arith.select %eq3A_69, %broadcast_in_dim3A_72, %broadcast_in_dim3A_73 : vector<16xi1>, vector<16xi32>
      %add3A_75 = arith.addi %add3A_59, %select_n3A_74 : vector<16xi32>
      %gt3A_76 = arith.constant 3 : i32
      %gt3A_77 = vector.broadcast %gt3A_76 : i32 to vector<16xi32>
      %gt3A_78 = arith.cmpi sgt, %iota3A, %gt3A_77 : vector<16xi32>
      %and3A_79 = arith.andi %eq3A_69, %gt3A_78 : vector<16xi1>
      %or3A_80 = arith.ori %or3A_64, %and3A_79 : vector<16xi1>
      %broadcast_in_dim3A_81 = arith.constant 4 : i32
      %broadcast_in_dim3A_82 = vector.broadcast %broadcast_in_dim3A_81 : i32 to vector<16x1xi32>
      %gather3A_83 = vector.shape_cast %broadcast_in_dim3A_82 : vector<16x1xi32> to vector<16xi32>
      %gather3A_84 = tpu.dynamic_gather %add3A_20[%gather3A_83] in [0] : vector<16xi32>, vector<16xi32> -> vector<16xi32>
      %eq3A_85 = arith.cmpi eq, %add3A_20, %gather3A_84 : vector<16xi32>
      %jit3A_86 = arith.constant 1 : i32
      %jit3A_87 = arith.constant 0 : i32
      %broadcast_in_dim3A_88 = vector.broadcast %jit3A_86 : i32 to vector<16xi32>
      %broadcast_in_dim3A_89 = vector.broadcast %jit3A_87 : i32 to vector<16xi32>
      %select_n3A_90 = arith.select %eq3A_85, %broadcast_in_dim3A_88, %broadcast_in_dim3A_89 : vector<16xi1>, vector<16xi32>
      %add3A_91 = arith.addi %add3A_75, %select_n3A_90 : vector<16xi32>
      %gt3A_92 = arith.constant 4 : i32
      %gt3A_93 = vector.broadcast %gt3A_92 : i32 to vector<16xi32>
      %gt3A_94 = arith.cmpi sgt, %iota3A, %gt3A_93 : vector<16xi32>
      %and3A_95 = arith.andi %eq3A_85, %gt3A_94 : vector<16xi1>
      %or3A_96 = arith.ori %or3A_80, %and3A_95 : vector<16xi1>
      %broadcast_in_dim3A_97 = arith.constant 5 : i32
      %broadcast_in_dim3A_98 = vector.broadcast %broadcast_in_dim3A_97 : i32 to vector<16x1xi32>
      %gather3A_99 = vector.shape_cast %broadcast_in_dim3A_98 : vector<16x1xi32> to vector<16xi32>
      %gather3A_100 = tpu.dynamic_gather %add3A_20[%gather3A_99] in [0] : vector<16xi32>, vector<16xi32> -> vector<16xi32>
      %eq3A_101 = arith.cmpi eq, %add3A_20, %gather3A_100 : vector<16xi32>
      %jit3A_102 = arith.constant 1 : i32
      %jit3A_103 = arith.constant 0 : i32
      %broadcast_in_dim3A_104 = vector.broadcast %jit3A_102 : i32 to vector<16xi32>
      %broadcast_in_dim3A_105 = vector.broadcast %jit3A_103 : i32 to vector<16xi32>
      %select_n3A_106 = arith.select %eq3A_101, %broadcast_in_dim3A_104, %broadcast_in_dim3A_105 : vector<16xi1>, vector<16xi32>
      %add3A_107 = arith.addi %add3A_91, %select_n3A_106 : vector<16xi32>
      %gt3A_108 = arith.constant 5 : i32
      %gt3A_109 = vector.broadcast %gt3A_108 : i32 to vector<16xi32>
      %gt3A_110 = arith.cmpi sgt, %iota3A, %gt3A_109 : vector<16xi32>
      %and3A_111 = arith.andi %eq3A_101, %gt3A_110 : vector<16xi1>
      %or3A_112 = arith.ori %or3A_96, %and3A_111 : vector<16xi1>
      %broadcast_in_dim3A_113 = arith.constant 6 : i32
      %broadcast_in_dim3A_114 = vector.broadcast %broadcast_in_dim3A_113 : i32 to vector<16x1xi32>
      %gather3A_115 = vector.shape_cast %broadcast_in_dim3A_114 : vector<16x1xi32> to vector<16xi32>
      %gather3A_116 = tpu.dynamic_gather %add3A_20[%gather3A_115] in [0] : vector<16xi32>, vector<16xi32> -> vector<16xi32>
      %eq3A_117 = arith.cmpi eq, %add3A_20, %gather3A_116 : vector<16xi32>
      %jit3A_118 = arith.constant 1 : i32
      %jit3A_119 = arith.constant 0 : i32
      %broadcast_in_dim3A_120 = vector.broadcast %jit3A_118 : i32 to vector<16xi32>
      %broadcast_in_dim3A_121 = vector.broadcast %jit3A_119 : i32 to vector<16xi32>
      %select_n3A_122 = arith.select %eq3A_117, %broadcast_in_dim3A_120, %broadcast_in_dim3A_121 : vector<16xi1>, vector<16xi32>
      %add3A_123 = arith.addi %add3A_107, %select_n3A_122 : vector<16xi32>
      %gt3A_124 = arith.constant 6 : i32
      %gt3A_125 = vector.broadcast %gt3A_124 : i32 to vector<16xi32>
      %gt3A_126 = arith.cmpi sgt, %iota3A, %gt3A_125 : vector<16xi32>
      %and3A_127 = arith.andi %eq3A_117, %gt3A_126 : vector<16xi1>
      %or3A_128 = arith.ori %or3A_112, %and3A_127 : vector<16xi1>
      %broadcast_in_dim3A_129 = arith.constant 7 : i32
      %broadcast_in_dim3A_130 = vector.broadcast %broadcast_in_dim3A_129 : i32 to vector<16x1xi32>
      %gather3A_131 = vector.shape_cast %broadcast_in_dim3A_130 : vector<16x1xi32> to vector<16xi32>
      %gather3A_132 = tpu.dynamic_gather %add3A_20[%gather3A_131] in [0] : vector<16xi32>, vector<16xi32> -> vector<16xi32>
      %eq3A_133 = arith.cmpi eq, %add3A_20, %gather3A_132 : vector<16xi32>
      %jit3A_134 = arith.constant 1 : i32
      %jit3A_135 = arith.constant 0 : i32
      %broadcast_in_dim3A_136 = vector.broadcast %jit3A_134 : i32 to vector<16xi32>
      %broadcast_in_dim3A_137 = vector.broadcast %jit3A_135 : i32 to vector<16xi32>
      %select_n3A_138 = arith.select %eq3A_133, %broadcast_in_dim3A_136, %broadcast_in_dim3A_137 : vector<16xi1>, vector<16xi32>
      %add3A_139 = arith.addi %add3A_123, %select_n3A_138 : vector<16xi32>
      %gt3A_140 = arith.constant 7 : i32
      %gt3A_141 = vector.broadcast %gt3A_140 : i32 to vector<16xi32>
      %gt3A_142 = arith.cmpi sgt, %iota3A, %gt3A_141 : vector<16xi32>
      %and3A_143 = arith.andi %eq3A_133, %gt3A_142 : vector<16xi1>
      %or3A_144 = arith.ori %or3A_128, %and3A_143 : vector<16xi1>
      %broadcast_in_dim3A_145 = arith.constant 8 : i32
      %broadcast_in_dim3A_146 = vector.broadcast %broadcast_in_dim3A_145 : i32 to vector<16x1xi32>
      %gather3A_147 = vector.shape_cast %broadcast_in_dim3A_146 : vector<16x1xi32> to vector<16xi32>
      %gather3A_148 = tpu.dynamic_gather %add3A_20[%gather3A_147] in [0] : vector<16xi32>, vector<16xi32> -> vector<16xi32>
      %eq3A_149 = arith.cmpi eq, %add3A_20, %gather3A_148 : vector<16xi32>
      %jit3A_150 = arith.constant 1 : i32
      %jit3A_151 = arith.constant 0 : i32
      %broadcast_in_dim3A_152 = vector.broadcast %jit3A_150 : i32 to vector<16xi32>
      %broadcast_in_dim3A_153 = vector.broadcast %jit3A_151 : i32 to vector<16xi32>
      %select_n3A_154 = arith.select %eq3A_149, %broadcast_in_dim3A_152, %broadcast_in_dim3A_153 : vector<16xi1>, vector<16xi32>
      %add3A_155 = arith.addi %add3A_139, %select_n3A_154 : vector<16xi32>
      %gt3A_156 = arith.constant 8 : i32
      %gt3A_157 = vector.broadcast %gt3A_156 : i32 to vector<16xi32>
      %gt3A_158 = arith.cmpi sgt, %iota3A, %gt3A_157 : vector<16xi32>
      %and3A_159 = arith.andi %eq3A_149, %gt3A_158 : vector<16xi1>
      %or3A_160 = arith.ori %or3A_144, %and3A_159 : vector<16xi1>
      %broadcast_in_dim3A_161 = arith.constant 9 : i32
      %broadcast_in_dim3A_162 = vector.broadcast %broadcast_in_dim3A_161 : i32 to vector<16x1xi32>
      %gather3A_163 = vector.shape_cast %broadcast_in_dim3A_162 : vector<16x1xi32> to vector<16xi32>
      %gather3A_164 = tpu.dynamic_gather %add3A_20[%gather3A_163] in [0] : vector<16xi32>, vector<16xi32> -> vector<16xi32>
      %eq3A_165 = arith.cmpi eq, %add3A_20, %gather3A_164 : vector<16xi32>
      %jit3A_166 = arith.constant 1 : i32
      %jit3A_167 = arith.constant 0 : i32
      %broadcast_in_dim3A_168 = vector.broadcast %jit3A_166 : i32 to vector<16xi32>
      %broadcast_in_dim3A_169 = vector.broadcast %jit3A_167 : i32 to vector<16xi32>
      %select_n3A_170 = arith.select %eq3A_165, %broadcast_in_dim3A_168, %broadcast_in_dim3A_169 : vector<16xi1>, vector<16xi32>
      %add3A_171 = arith.addi %add3A_155, %select_n3A_170 : vector<16xi32>
      %gt3A_172 = arith.constant 9 : i32
      %gt3A_173 = vector.broadcast %gt3A_172 : i32 to vector<16xi32>
      %gt3A_174 = arith.cmpi sgt, %iota3A, %gt3A_173 : vector<16xi32>
      %and3A_175 = arith.andi %eq3A_165, %gt3A_174 : vector<16xi1>
      %or3A_176 = arith.ori %or3A_160, %and3A_175 : vector<16xi1>
      %broadcast_in_dim3A_177 = arith.constant 10 : i32
      %broadcast_in_dim3A_178 = vector.broadcast %broadcast_in_dim3A_177 : i32 to vector<16x1xi32>
      %gather3A_179 = vector.shape_cast %broadcast_in_dim3A_178 : vector<16x1xi32> to vector<16xi32>
      %gather3A_180 = tpu.dynamic_gather %add3A_20[%gather3A_179] in [0] : vector<16xi32>, vector<16xi32> -> vector<16xi32>
      %eq3A_181 = arith.cmpi eq, %add3A_20, %gather3A_180 : vector<16xi32>
      %jit3A_182 = arith.constant 1 : i32
      %jit3A_183 = arith.constant 0 : i32
      %broadcast_in_dim3A_184 = vector.broadcast %jit3A_182 : i32 to vector<16xi32>
      %broadcast_in_dim3A_185 = vector.broadcast %jit3A_183 : i32 to vector<16xi32>
      %select_n3A_186 = arith.select %eq3A_181, %broadcast_in_dim3A_184, %broadcast_in_dim3A_185 : vector<16xi1>, vector<16xi32>
      %add3A_187 = arith.addi %add3A_171, %select_n3A_186 : vector<16xi32>
      %gt3A_188 = arith.constant 10 : i32
      %gt3A_189 = vector.broadcast %gt3A_188 : i32 to vector<16xi32>
      %gt3A_190 = arith.cmpi sgt, %iota3A, %gt3A_189 : vector<16xi32>
      %and3A_191 = arith.andi %eq3A_181, %gt3A_190 : vector<16xi1>
      %or3A_192 = arith.ori %or3A_176, %and3A_191 : vector<16xi1>
      %broadcast_in_dim3A_193 = arith.constant 11 : i32
      %broadcast_in_dim3A_194 = vector.broadcast %broadcast_in_dim3A_193 : i32 to vector<16x1xi32>
      %gather3A_195 = vector.shape_cast %broadcast_in_dim3A_194 : vector<16x1xi32> to vector<16xi32>
      %gather3A_196 = tpu.dynamic_gather %add3A_20[%gather3A_195] in [0] : vector<16xi32>, vector<16xi32> -> vector<16xi32>
      %eq3A_197 = arith.cmpi eq, %add3A_20, %gather3A_196 : vector<16xi32>
      %jit3A_198 = arith.constant 1 : i32
      %jit3A_199 = arith.constant 0 : i32
      %broadcast_in_dim3A_200 = vector.broadcast %jit3A_198 : i32 to vector<16xi32>
      %broadcast_in_dim3A_201 = vector.broadcast %jit3A_199 : i32 to vector<16xi32>
      %select_n3A_202 = arith.select %eq3A_197, %broadcast_in_dim3A_200, %broadcast_in_dim3A_201 : vector<16xi1>, vector<16xi32>
      %add3A_203 = arith.addi %add3A_187, %select_n3A_202 : vector<16xi32>
      %gt3A_204 = arith.constant 11 : i32
      %gt3A_205 = vector.broadcast %gt3A_204 : i32 to vector<16xi32>
      %gt3A_206 = arith.cmpi sgt, %iota3A, %gt3A_205 : vector<16xi32>
      %and3A_207 = arith.andi %eq3A_197, %gt3A_206 : vector<16xi1>
      %or3A_208 = arith.ori %or3A_192, %and3A_207 : vector<16xi1>
      %broadcast_in_dim3A_209 = arith.constant 12 : i32
      %broadcast_in_dim3A_210 = vector.broadcast %broadcast_in_dim3A_209 : i32 to vector<16x1xi32>
      %gather3A_211 = vector.shape_cast %broadcast_in_dim3A_210 : vector<16x1xi32> to vector<16xi32>
      %gather3A_212 = tpu.dynamic_gather %add3A_20[%gather3A_211] in [0] : vector<16xi32>, vector<16xi32> -> vector<16xi32>
      %eq3A_213 = arith.cmpi eq, %add3A_20, %gather3A_212 : vector<16xi32>
      %jit3A_214 = arith.constant 1 : i32
      %jit3A_215 = arith.constant 0 : i32
      %broadcast_in_dim3A_216 = vector.broadcast %jit3A_214 : i32 to vector<16xi32>
      %broadcast_in_dim3A_217 = vector.broadcast %jit3A_215 : i32 to vector<16xi32>
      %select_n3A_218 = arith.select %eq3A_213, %broadcast_in_dim3A_216, %broadcast_in_dim3A_217 : vector<16xi1>, vector<16xi32>
      %add3A_219 = arith.addi %add3A_203, %select_n3A_218 : vector<16xi32>
      %gt3A_220 = arith.constant 12 : i32
      %gt3A_221 = vector.broadcast %gt3A_220 : i32 to vector<16xi32>
      %gt3A_222 = arith.cmpi sgt, %iota3A, %gt3A_221 : vector<16xi32>
      %and3A_223 = arith.andi %eq3A_213, %gt3A_222 : vector<16xi1>
      %or3A_224 = arith.ori %or3A_208, %and3A_223 : vector<16xi1>
      %broadcast_in_dim3A_225 = arith.constant 13 : i32
      %broadcast_in_dim3A_226 = vector.broadcast %broadcast_in_dim3A_225 : i32 to vector<16x1xi32>
      %gather3A_227 = vector.shape_cast %broadcast_in_dim3A_226 : vector<16x1xi32> to vector<16xi32>
      %gather3A_228 = tpu.dynamic_gather %add3A_20[%gather3A_227] in [0] : vector<16xi32>, vector<16xi32> -> vector<16xi32>
      %eq3A_229 = arith.cmpi eq, %add3A_20, %gather3A_228 : vector<16xi32>
      %jit3A_230 = arith.constant 1 : i32
      %jit3A_231 = arith.constant 0 : i32
      %broadcast_in_dim3A_232 = vector.broadcast %jit3A_230 : i32 to vector<16xi32>
      %broadcast_in_dim3A_233 = vector.broadcast %jit3A_231 : i32 to vector<16xi32>
      %select_n3A_234 = arith.select %eq3A_229, %broadcast_in_dim3A_232, %broadcast_in_dim3A_233 : vector<16xi1>, vector<16xi32>
      %add3A_235 = arith.addi %add3A_219, %select_n3A_234 : vector<16xi32>
      %gt3A_236 = arith.constant 13 : i32
      %gt3A_237 = vector.broadcast %gt3A_236 : i32 to vector<16xi32>
      %gt3A_238 = arith.cmpi sgt, %iota3A, %gt3A_237 : vector<16xi32>
      %and3A_239 = arith.andi %eq3A_229, %gt3A_238 : vector<16xi1>
      %or3A_240 = arith.ori %or3A_224, %and3A_239 : vector<16xi1>
      %broadcast_in_dim3A_241 = arith.constant 14 : i32
      %broadcast_in_dim3A_242 = vector.broadcast %broadcast_in_dim3A_241 : i32 to vector<16x1xi32>
      %gather3A_243 = vector.shape_cast %broadcast_in_dim3A_242 : vector<16x1xi32> to vector<16xi32>
      %gather3A_244 = tpu.dynamic_gather %add3A_20[%gather3A_243] in [0] : vector<16xi32>, vector<16xi32> -> vector<16xi32>
      %eq3A_245 = arith.cmpi eq, %add3A_20, %gather3A_244 : vector<16xi32>
      %jit3A_246 = arith.constant 1 : i32
      %jit3A_247 = arith.constant 0 : i32
      %broadcast_in_dim3A_248 = vector.broadcast %jit3A_246 : i32 to vector<16xi32>
      %broadcast_in_dim3A_249 = vector.broadcast %jit3A_247 : i32 to vector<16xi32>
      %select_n3A_250 = arith.select %eq3A_245, %broadcast_in_dim3A_248, %broadcast_in_dim3A_249 : vector<16xi1>, vector<16xi32>
      %add3A_251 = arith.addi %add3A_235, %select_n3A_250 : vector<16xi32>
      %gt3A_252 = arith.constant 14 : i32
      %gt3A_253 = vector.broadcast %gt3A_252 : i32 to vector<16xi32>
      %gt3A_254 = arith.cmpi sgt, %iota3A, %gt3A_253 : vector<16xi32>
      %and3A_255 = arith.andi %eq3A_245, %gt3A_254 : vector<16xi1>
      %or3A_256 = arith.ori %or3A_240, %and3A_255 : vector<16xi1>
      %broadcast_in_dim3A_257 = arith.constant 15 : i32
      %broadcast_in_dim3A_258 = vector.broadcast %broadcast_in_dim3A_257 : i32 to vector<16x1xi32>
      %gather3A_259 = vector.shape_cast %broadcast_in_dim3A_258 : vector<16x1xi32> to vector<16xi32>
      %gather3A_260 = tpu.dynamic_gather %add3A_20[%gather3A_259] in [0] : vector<16xi32>, vector<16xi32> -> vector<16xi32>
      %eq3A_261 = arith.cmpi eq, %add3A_20, %gather3A_260 : vector<16xi32>
      %jit3A_262 = arith.constant 1 : i32
      %jit3A_263 = arith.constant 0 : i32
      %broadcast_in_dim3A_264 = vector.broadcast %jit3A_262 : i32 to vector<16xi32>
      %broadcast_in_dim3A_265 = vector.broadcast %jit3A_263 : i32 to vector<16xi32>
      %select_n3A_266 = arith.select %eq3A_261, %broadcast_in_dim3A_264, %broadcast_in_dim3A_265 : vector<16xi1>, vector<16xi32>
      %add3A_267 = arith.addi %add3A_251, %select_n3A_266 : vector<16xi32>
      %gt3A_268 = arith.constant 15 : i32
      %gt3A_269 = vector.broadcast %gt3A_268 : i32 to vector<16xi32>
      %gt3A_270 = arith.cmpi sgt, %iota3A, %gt3A_269 : vector<16xi32>
      %and3A_271 = arith.andi %eq3A_261, %gt3A_270 : vector<16xi1>
      %or3A_272 = arith.ori %or3A_256, %and3A_271 : vector<16xi1>
      %convert_element_type3A = arith.sitofp %add3A_267 : vector<16xi32> to vector<16xf32>
      %not3A = arith.constant dense<true> : vector<16xi1>
      %not3A_273 = arith.xori %or3A_272, %not3A : vector<16xi1>
      tpu.vector_store_idx %arg7[%add3A_20], %convert_element_type3A masked %not3A_273 {add = true} : memref<4096xf32, #tpu.memory_space<vmem>>[vector<16xi32>], vector<16xf32>, vector<16xi1>
    }
    %scan3A_6 = arith.constant 32 : i32
    %mul3A_7 = arith.constant 4096 : i32
    %mul3A_8 = arith.muli %arg1, %mul3A_7 : i32
    "tpu.region"() ({
      %run_scoped3A = tpu.sem_alloc : memref<!tpu.dma_semaphore, #tpu.memory_space<semaphore_mem>>
      %dma_start3A = tpu.memref_slice %arg4[%mul3A_8] : memref<65536xf32, #tpu.memory_space<hbm>> -> memref<4096xf32, #tpu.memory_space<hbm>>
      %dma_start3A_9 = tpu.memref_slice %arg4[%mul3A_8] : memref<65536xf32, #tpu.memory_space<hbm>> -> memref<4096xf32, #tpu.memory_space<hbm>>
      tpu.enqueue_dma source(%arg7 : memref<4096xf32, #tpu.memory_space<vmem>>) target(%dma_start3A_9 : memref<4096xf32, #tpu.memory_space<hbm>>) target_semaphore(%run_scoped3A : memref<!tpu.dma_semaphore, #tpu.memory_space<semaphore_mem>>)
      %dma_wait3A = tpu.memref_slice %arg4[%mul3A_8] : memref<65536xf32, #tpu.memory_space<hbm>> -> memref<4096xf32, #tpu.memory_space<hbm>>
      %dma_wait3A_10 = tpu.memref_slice %arg4[%mul3A_8] : memref<65536xf32, #tpu.memory_space<hbm>> -> memref<4096xf32, #tpu.memory_space<hbm>>
      tpu.wait_dma2 semaphore(%run_scoped3A : memref<!tpu.dma_semaphore, #tpu.memory_space<semaphore_mem>>) src(%arg7 : memref<4096xf32, #tpu.memory_space<vmem>>) dst(%dma_wait3A_10 : memref<4096xf32, #tpu.memory_space<hbm>>)
      tpu.yield
    }) : () -> ()
    return
  }
}

module attributes {stable_mosaic.version = 14 : i64} {
  func.func @_lin_body(%arg0: i32, %arg1: memref<16x1024xf32, #tpu.memory_space<vmem>>, %arg2: memref<1024x1024xf32, #tpu.memory_space<vmem>>, %arg3: memref<1x1024xf32, #tpu.memory_space<vmem>>, %arg4: memref<16x1024xf32, #tpu.memory_space<vmem>>) attributes {dimension_semantics = [#tpu.dimension_semantics<arbitrary>], iteration_bounds = array<i64: 2>, scalar_prefetch = 0 : i64, scratch_operands = 0 : i64, tpu.core_type = #tpu.core_type<tc>, window_params = [{pipeline_mode = #tpu.pipeline_mode<synchronous>, transform_indices = @transform_0, window_bounds = array<i64: 16, 1024>}, {transform_indices = @transform_1, window_bounds = array<i64: 1024, 1024>}, {transform_indices = @transform_2, window_bounds = array<i64: 1, 1024>}, {transform_indices = @transform_3, window_bounds = array<i64: 16, 1024>}]} {
    %get3A = arith.constant 0 : index
    %get3A_0 = arith.constant 0 : index
    %get3A_1 = vector.load %arg1[%get3A, %get3A_0] : memref<16x1024xf32, #tpu.memory_space<vmem>>, vector<16x1024xf32>
    %get3A_2 = arith.constant 0 : index
    %get3A_3 = arith.constant 0 : index
    %get3A_4 = vector.load %arg2[%get3A_2, %get3A_3] : memref<1024x1024xf32, #tpu.memory_space<vmem>>, vector<1024x1024xf32>
    %dot_general3A = arith.constant dense<0.000000e+00> : vector<16x1024xf32>
    %dot_general3A_5 = tpu.matmul %get3A_1, %get3A_4, %dot_general3A {dimension_numbers = #tpu.dot_dimension_numbers<[1], [1], [0], [0], [0, 0, 1, 0], [], []>, transpose_lhs_hint = false} : vector<16x1024xf32>, vector<1024x1024xf32>, vector<16x1024xf32> -> vector<16x1024xf32>
    %get3A_6 = arith.constant 0 : index
    %get3A_7 = arith.constant 0 : index
    %get3A_8 = vector.load %arg3[%get3A_6, %get3A_7] : memref<1x1024xf32, #tpu.memory_space<vmem>>, vector<1x1024xf32>
    %add3A = vector.broadcast %get3A_8 : vector<1x1024xf32> to vector<16x1024xf32>
    %add3A_9 = arith.addf %dot_general3A_5, %add3A : vector<16x1024xf32>
    %ge3A = arith.constant 0.000000e+00 : f32
    %ge3A_10 = vector.broadcast %ge3A : f32 to vector<16x1024xf32>
    %ge3A_11 = arith.cmpf oge, %add3A_9, %ge3A_10 : vector<16x1024xf32>
    %mul3A = arith.constant 0.00999999977 : f32
    %mul3A_12 = vector.broadcast %mul3A : f32 to vector<16x1024xf32>
    %mul3A_13 = arith.mulf %mul3A_12, %add3A_9 : vector<16x1024xf32>
    %select_n3A = arith.select %ge3A_11, %add3A_9, %mul3A_13 : vector<16x1024xi1>, vector<16x1024xf32>
    %swap3A = arith.constant 0 : index
    %swap3A_14 = arith.constant 0 : index
    %swap3A_15 = vector.load %arg4[%swap3A, %swap3A_14] : memref<16x1024xf32, #tpu.memory_space<vmem>>, vector<16x1024xf32>
    tpu.vector_store %arg4[%swap3A, %swap3A_14], %select_n3A {strides = array<i32>} : memref<16x1024xf32, #tpu.memory_space<vmem>>, vector<16x1024xf32>,
    return
  }
  func.func @transform_0(%arg0: i32) -> (i32, i32) {
    %c0_i32 = arith.constant 0 : i32
    %c0_i32_0 = arith.constant 0 : i32
    %c0_i32_1 = arith.constant 0 : i32
    return %c0_i32, %c0_i32_0 : i32, i32
  }
  func.func @transform_1(%arg0: i32) -> (i32, i32) {
    %c0_i32 = arith.constant 0 : i32
    %c0_i32_0 = arith.constant 0 : i32
    return %arg0, %c0_i32 : i32, i32
  }
  func.func @transform_2(%arg0: i32) -> (i32, i32) {
    %c0_i32 = arith.constant 0 : i32
    %c0_i32_0 = arith.constant 0 : i32
    return %c0_i32, %arg0 : i32, i32
  }
  func.func @transform_3(%arg0: i32) -> (i32, i32) {
    %c0_i32 = arith.constant 0 : i32
    %c0_i32_0 = arith.constant 0 : i32
    return %c0_i32, %arg0 : i32, i32
  }
}

module attributes {stable_mosaic.version = 14 : i64} {
  func.func @_lin_body(%arg0: i32, %arg1: memref<16x2048xf32, #tpu.memory_space<vmem>>, %arg2: memref<1024x2048xf32, #tpu.memory_space<vmem>>, %arg3: memref<1x1024xf32, #tpu.memory_space<vmem>>, %arg4: memref<16x1024xf32, #tpu.memory_space<vmem>>) attributes {dimension_semantics = [#tpu.dimension_semantics<arbitrary>], iteration_bounds = array<i64: 4>, scalar_prefetch = 0 : i64, scratch_operands = 0 : i64, tpu.core_type = #tpu.core_type<tc>, window_params = [{pipeline_mode = #tpu.pipeline_mode<synchronous>, transform_indices = @transform_0, window_bounds = array<i64: 16, 2048>}, {transform_indices = @transform_1, window_bounds = array<i64: 1024, 2048>}, {transform_indices = @transform_2, window_bounds = array<i64: 1, 1024>}, {transform_indices = @transform_3, window_bounds = array<i64: 16, 1024>}]} {
    %get3A = arith.constant 0 : index
    %get3A_0 = arith.constant 0 : index
    %get3A_1 = vector.load %arg1[%get3A, %get3A_0] : memref<16x2048xf32, #tpu.memory_space<vmem>>, vector<16x2048xf32>
    %get3A_2 = arith.constant 0 : index
    %get3A_3 = arith.constant 0 : index
    %get3A_4 = vector.load %arg2[%get3A_2, %get3A_3] : memref<1024x2048xf32, #tpu.memory_space<vmem>>, vector<1024x2048xf32>
    %dot_general3A = arith.constant dense<0.000000e+00> : vector<16x1024xf32>
    %dot_general3A_5 = tpu.matmul %get3A_1, %get3A_4, %dot_general3A {dimension_numbers = #tpu.dot_dimension_numbers<[1], [1], [0], [0], [0, 0, 1, 0], [], []>, transpose_lhs_hint = false} : vector<16x2048xf32>, vector<1024x2048xf32>, vector<16x1024xf32> -> vector<16x1024xf32>
    %get3A_6 = arith.constant 0 : index
    %get3A_7 = arith.constant 0 : index
    %get3A_8 = vector.load %arg3[%get3A_6, %get3A_7] : memref<1x1024xf32, #tpu.memory_space<vmem>>, vector<1x1024xf32>
    %add3A = vector.broadcast %get3A_8 : vector<1x1024xf32> to vector<16x1024xf32>
    %add3A_9 = arith.addf %dot_general3A_5, %add3A : vector<16x1024xf32>
    %ge3A = arith.constant 0.000000e+00 : f32
    %ge3A_10 = vector.broadcast %ge3A : f32 to vector<16x1024xf32>
    %ge3A_11 = arith.cmpf oge, %add3A_9, %ge3A_10 : vector<16x1024xf32>
    %mul3A = arith.constant 0.00999999977 : f32
    %mul3A_12 = vector.broadcast %mul3A : f32 to vector<16x1024xf32>
    %mul3A_13 = arith.mulf %mul3A_12, %add3A_9 : vector<16x1024xf32>
    %select_n3A = arith.select %ge3A_11, %add3A_9, %mul3A_13 : vector<16x1024xi1>, vector<16x1024xf32>
    %swap3A = arith.constant 0 : index
    %swap3A_14 = arith.constant 0 : index
    %swap3A_15 = vector.load %arg4[%swap3A, %swap3A_14] : memref<16x1024xf32, #tpu.memory_space<vmem>>, vector<16x1024xf32>
    tpu.vector_store %arg4[%swap3A, %swap3A_14], %select_n3A {strides = array<i32>} : memref<16x1024xf32, #tpu.memory_space<vmem>>, vector<16x1024xf32>,
    return
  }
  func.func @transform_0(%arg0: i32) -> (i32, i32) {
    %c0_i32 = arith.constant 0 : i32
    %c0_i32_0 = arith.constant 0 : i32
    %c0_i32_1 = arith.constant 0 : i32
    return %c0_i32, %c0_i32_0 : i32, i32
  }
  func.func @transform_1(%arg0: i32) -> (i32, i32) {
    %c0_i32 = arith.constant 0 : i32
    %c0_i32_0 = arith.constant 0 : i32
    return %arg0, %c0_i32 : i32, i32
  }
  func.func @transform_2(%arg0: i32) -> (i32, i32) {
    %c0_i32 = arith.constant 0 : i32
    %c0_i32_0 = arith.constant 0 : i32
    return %c0_i32, %arg0 : i32, i32
  }
  func.func @transform_3(%arg0: i32) -> (i32, i32) {
    %c0_i32 = arith.constant 0 : i32
    %c0_i32_0 = arith.constant 0 : i32
    return %c0_i32, %arg0 : i32, i32
  }
}

module attributes {stable_mosaic.version = 14 : i64} {
  func.func @_lin_body(%arg0: i32, %arg1: memref<16x4096xf32, #tpu.memory_space<vmem>>, %arg2: memref<512x4096xf32, #tpu.memory_space<vmem>>, %arg3: memref<1x512xf32, #tpu.memory_space<vmem>>, %arg4: memref<16x512xf32, #tpu.memory_space<vmem>>) attributes {dimension_semantics = [#tpu.dimension_semantics<arbitrary>], iteration_bounds = array<i64: 16>, scalar_prefetch = 0 : i64, scratch_operands = 0 : i64, tpu.core_type = #tpu.core_type<tc>, window_params = [{pipeline_mode = #tpu.pipeline_mode<synchronous>, transform_indices = @transform_0, window_bounds = array<i64: 16, 4096>}, {transform_indices = @transform_1, window_bounds = array<i64: 512, 4096>}, {transform_indices = @transform_2, window_bounds = array<i64: 1, 512>}, {transform_indices = @transform_3, window_bounds = array<i64: 16, 512>}]} {
    %get3A = arith.constant 0 : index
    %get3A_0 = arith.constant 0 : index
    %get3A_1 = vector.load %arg1[%get3A, %get3A_0] : memref<16x4096xf32, #tpu.memory_space<vmem>>, vector<16x4096xf32>
    %get3A_2 = arith.constant 0 : index
    %get3A_3 = arith.constant 0 : index
    %get3A_4 = vector.load %arg2[%get3A_2, %get3A_3] : memref<512x4096xf32, #tpu.memory_space<vmem>>, vector<512x4096xf32>
    %dot_general3A = arith.constant dense<0.000000e+00> : vector<16x512xf32>
    %dot_general3A_5 = tpu.matmul %get3A_1, %get3A_4, %dot_general3A {dimension_numbers = #tpu.dot_dimension_numbers<[1], [1], [0], [0], [0, 0, 1, 0], [], []>, transpose_lhs_hint = false} : vector<16x4096xf32>, vector<512x4096xf32>, vector<16x512xf32> -> vector<16x512xf32>
    %get3A_6 = arith.constant 0 : index
    %get3A_7 = arith.constant 0 : index
    %get3A_8 = vector.load %arg3[%get3A_6, %get3A_7] : memref<1x512xf32, #tpu.memory_space<vmem>>, vector<1x512xf32>
    %add3A = vector.broadcast %get3A_8 : vector<1x512xf32> to vector<16x512xf32>
    %add3A_9 = arith.addf %dot_general3A_5, %add3A : vector<16x512xf32>
    %swap3A = arith.constant 0 : index
    %swap3A_10 = arith.constant 0 : index
    %swap3A_11 = vector.load %arg4[%swap3A, %swap3A_10] : memref<16x512xf32, #tpu.memory_space<vmem>>, vector<16x512xf32>
    tpu.vector_store %arg4[%swap3A, %swap3A_10], %add3A_9 {strides = array<i32>} : memref<16x512xf32, #tpu.memory_space<vmem>>, vector<16x512xf32>,
    return
  }
  func.func @transform_0(%arg0: i32) -> (i32, i32) {
    %c0_i32 = arith.constant 0 : i32
    %c0_i32_0 = arith.constant 0 : i32
    %c0_i32_1 = arith.constant 0 : i32
    return %c0_i32, %c0_i32_0 : i32, i32
  }
  func.func @transform_1(%arg0: i32) -> (i32, i32) {
    %c0_i32 = arith.constant 0 : i32
    %c0_i32_0 = arith.constant 0 : i32
    return %arg0, %c0_i32 : i32, i32
  }
  func.func @transform_2(%arg0: i32) -> (i32, i32) {
    %c0_i32 = arith.constant 0 : i32
    %c0_i32_0 = arith.constant 0 : i32
    return %c0_i32, %arg0 : i32, i32
  }
  func.func @transform_3(%arg0: i32) -> (i32, i32) {
    %c0_i32 = arith.constant 0 : i32
    %c0_i32_0 = arith.constant 0 : i32
    return %c0_i32, %arg0 : i32, i32
  }
}

module attributes {stable_mosaic.version = 14 : i64} {
  func.func @_head_body(%arg0: memref<16x64x128xf32, #tpu.memory_space<vmem>>, %arg1: memref<16x1x64x64xf32, #tpu.memory_space<vmem>>, %arg2: memref<64x128xf32, #tpu.memory_space<vmem>>, %arg3: memref<1x64xf32, #tpu.memory_space<vmem>>, %arg4: memref<64x64xf32, #tpu.memory_space<vmem>>, %arg5: memref<1x64xf32, #tpu.memory_space<vmem>>, %arg6: memref<32x64xf32, #tpu.memory_space<vmem>>, %arg7: memref<1x32xf32, #tpu.memory_space<vmem>>, %arg8: memref<4096x32xf32, #tpu.memory_space<vmem>>, %arg9: memref<1x4096xf32, #tpu.memory_space<vmem>>, %arg10: memref<16x4096xf32, #tpu.memory_space<vmem>>) attributes {dimension_semantics = [], scalar_prefetch = 0 : i64, scratch_operands = 0 : i64, tpu.core_type = #tpu.core_type<tc>} {
    %iota3A = tpu.iota {dimensions = array<i32: 0>} : vector<64x64xi32>
    %iota3A_0 = tpu.iota {dimensions = array<i32: 1>} : vector<64x64xi32>
    %eq3A = arith.cmpi eq, %iota3A, %iota3A_0 : vector<64x64xi32>
    %jit3A = arith.constant 1.000000e+00 : f32
    %jit3A_1 = arith.constant 0.000000e+00 : f32
    %broadcast_in_dim3A = vector.broadcast %jit3A : f32 to vector<64x64xf32>
    %broadcast_in_dim3A_2 = vector.broadcast %jit3A_1 : f32 to vector<64x64xf32>
    %select_n3A = arith.select %eq3A, %broadcast_in_dim3A, %broadcast_in_dim3A_2 : vector<64x64xi1>, vector<64x64xf32>
    %broadcast_in_dim3A_3 = arith.constant 1.000000e+00 : f32
    %broadcast_in_dim3A_4 = vector.broadcast %broadcast_in_dim3A_3 : f32 to vector<1x64xf32>
    %get3A = arith.constant 0 : index
    %get3A_5 = arith.constant 0 : index
    %get3A_6 = arith.constant 0 : index
    %get3A_7 = arith.constant 0 : index
    %get3A_8 = vector.load %arg1[%get3A, %get3A_5, %get3A_6, %get3A_7] : memref<16x1x64x64xf32, #tpu.memory_space<vmem>>, vector<1x1x64x64xf32>
    %get3A_9 = vector.shape_cast %get3A_8 : vector<1x1x64x64xf32> to vector<64x64xf32>
    %add3A = arith.addf %get3A_9, %select_n3A : vector<64x64xf32>
    %reduce_sum3A = arith.constant dense<0.000000e+00> : vector<64xf32>
    %reduce_sum3A_10 = vector.multi_reduction <add>, %add3A, %reduce_sum3A [1] : vector<64x64xf32> to vector<64xf32>
    %broadcast_in_dim3A_11 = vector.shape_cast %reduce_sum3A_10 : vector<64xf32> to vector<64x1xf32>
    %rsqrt3A = math.rsqrt %broadcast_in_dim3A_11 : vector<64x1xf32>
    %get3A_12 = arith.constant 0 : index
    %get3A_13 = arith.constant 0 : index
    %get3A_14 = arith.constant 0 : index
    %get3A_15 = vector.load %arg0[%get3A_12, %get3A_13, %get3A_14] : memref<16x64x128xf32, #tpu.memory_space<vmem>>, vector<1x64x128xf32>
    %get3A_16 = vector.shape_cast %get3A_15 : vector<1x64x128xf32> to vector<64x128xf32>
    %get3A_17 = arith.constant 0 : index
    %get3A_18 = arith.constant 0 : index
    %get3A_19 = vector.load %arg2[%get3A_17, %get3A_18] : memref<64x128xf32, #tpu.memory_space<vmem>>, vector<64x128xf32>
    %dot_general3A = arith.constant dense<0.000000e+00> : vector<64x64xf32>
    %dot_general3A_20 = tpu.matmul %get3A_16, %get3A_19, %dot_general3A {dimension_numbers = #tpu.dot_dimension_numbers<[1], [1], [0], [0], [0, 0, 1, 0], [], []>, transpose_lhs_hint = false} : vector<64x128xf32>, vector<64x128xf32>, vector<64x64xf32> -> vector<64x64xf32>
    %mul3A = vector.broadcast %rsqrt3A : vector<64x1xf32> to vector<64x64xf32>
    %mul3A_21 = arith.mulf %mul3A, %dot_general3A_20 : vector<64x64xf32>
    %dot_general3A_22 = arith.constant dense<0.000000e+00> : vector<64x64xf32>
    %dot_general3A_23 = tpu.matmul %add3A, %mul3A_21, %dot_general3A_22 {dimension_numbers = #tpu.dot_dimension_numbers<[1], [0], [0], [1], [0, 0, 1, 1], [], []>, transpose_lhs_hint = false} : vector<64x64xf32>, vector<64x64xf32>, vector<64x64xf32> -> vector<64x64xf32>
    %mul3A_24 = vector.broadcast %rsqrt3A : vector<64x1xf32> to vector<64x64xf32>
    %mul3A_25 = arith.mulf %mul3A_24, %dot_general3A_23 : vector<64x64xf32>
    %get3A_26 = arith.constant 0 : index
    %get3A_27 = arith.constant 0 : index
    %get3A_28 = vector.load %arg3[%get3A_26, %get3A_27] : memref<1x64xf32, #tpu.memory_space<vmem>>, vector<1x64xf32>
    %add3A_29 = vector.broadcast %get3A_28 : vector<1x64xf32> to vector<64x64xf32>
    %add3A_30 = arith.addf %mul3A_25, %add3A_29 : vector<64x64xf32>
    %ge3A = arith.constant 0.000000e+00 : f32
    %ge3A_31 = vector.broadcast %ge3A : f32 to vector<64x64xf32>
    %ge3A_32 = arith.cmpf oge, %add3A_30, %ge3A_31 : vector<64x64xf32>
    %mul3A_33 = arith.constant 0.00999999977 : f32
    %mul3A_34 = vector.broadcast %mul3A_33 : f32 to vector<64x64xf32>
    %mul3A_35 = arith.mulf %mul3A_34, %add3A_30 : vector<64x64xf32>
    %select_n3A_36 = arith.select %ge3A_32, %add3A_30, %mul3A_35 : vector<64x64xi1>, vector<64x64xf32>
    %get3A_37 = arith.constant 0 : index
    %get3A_38 = arith.constant 0 : index
    %get3A_39 = vector.load %arg4[%get3A_37, %get3A_38] : memref<64x64xf32, #tpu.memory_space<vmem>>, vector<64x64xf32>
    %dot_general3A_40 = arith.constant dense<0.000000e+00> : vector<64x64xf32>
    %dot_general3A_41 = tpu.matmul %select_n3A_36, %get3A_39, %dot_general3A_40 {dimension_numbers = #tpu.dot_dimension_numbers<[1], [1], [0], [0], [0, 0, 1, 0], [], []>, transpose_lhs_hint = false} : vector<64x64xf32>, vector<64x64xf32>, vector<64x64xf32> -> vector<64x64xf32>
    %mul3A_42 = vector.broadcast %rsqrt3A : vector<64x1xf32> to vector<64x64xf32>
    %mul3A_43 = arith.mulf %mul3A_42, %dot_general3A_41 : vector<64x64xf32>
    %dot_general3A_44 = arith.constant dense<0.000000e+00> : vector<64x64xf32>
    %dot_general3A_45 = tpu.matmul %add3A, %mul3A_43, %dot_general3A_44 {dimension_numbers = #tpu.dot_dimension_numbers<[1], [0], [0], [1], [0, 0, 1, 1], [], []>, transpose_lhs_hint = false} : vector<64x64xf32>, vector<64x64xf32>, vector<64x64xf32> -> vector<64x64xf32>
    %mul3A_46 = vector.broadcast %rsqrt3A : vector<64x1xf32> to vector<64x64xf32>
    %mul3A_47 = arith.mulf %mul3A_46, %dot_general3A_45 : vector<64x64xf32>
    %get3A_48 = arith.constant 0 : index
    %get3A_49 = arith.constant 0 : index
    %get3A_50 = vector.load %arg5[%get3A_48, %get3A_49] : memref<1x64xf32, #tpu.memory_space<vmem>>, vector<1x64xf32>
    %add3A_51 = vector.broadcast %get3A_50 : vector<1x64xf32> to vector<64x64xf32>
    %add3A_52 = arith.addf %mul3A_47, %add3A_51 : vector<64x64xf32>
    %ge3A_53 = arith.constant 0.000000e+00 : f32
    %ge3A_54 = vector.broadcast %ge3A_53 : f32 to vector<64x64xf32>
    %ge3A_55 = arith.cmpf oge, %add3A_52, %ge3A_54 : vector<64x64xf32>
    %mul3A_56 = arith.constant 0.00999999977 : f32
    %mul3A_57 = vector.broadcast %mul3A_56 : f32 to vector<64x64xf32>
    %mul3A_58 = arith.mulf %mul3A_57, %add3A_52 : vector<64x64xf32>
    %select_n3A_59 = arith.select %ge3A_55, %add3A_52, %mul3A_58 : vector<64x64xi1>, vector<64x64xf32>
    %dot_general3A_60 = arith.constant dense<0.000000e+00> : vector<1x64xf32>
    %dot_general3A_61 = tpu.matmul %broadcast_in_dim3A_4, %select_n3A_59, %dot_general3A_60 {dimension_numbers = #tpu.dot_dimension_numbers<[1], [0], [0], [1], [0, 0, 1, 1], [], []>, transpose_lhs_hint = false} : vector<1x64xf32>, vector<64x64xf32>, vector<1x64xf32> -> vector<1x64xf32>
    %get3A_62 = arith.constant 1 : index
    %get3A_63 = arith.constant 0 : index
    %get3A_64 = arith.constant 0 : index
    %get3A_65 = arith.constant 0 : index
    %get3A_66 = vector.load %arg1[%get3A_62, %get3A_63, %get3A_64, %get3A_65] : memref<16x1x64x64xf32, #tpu.memory_space<vmem>>, vector<1x1x64x64xf32>
    %get3A_67 = vector.shape_cast %get3A_66 : vector<1x1x64x64xf32> to vector<64x64xf32>
    %add3A_68 = arith.addf %get3A_67, %select_n3A : vector<64x64xf32>
    %reduce_sum3A_69 = arith.constant dense<0.000000e+00> : vector<64xf32>
    %reduce_sum3A_70 = vector.multi_reduction <add>, %add3A_68, %reduce_sum3A_69 [1] : vector<64x64xf32> to vector<64xf32>
    %broadcast_in_dim3A_71 = vector.shape_cast %reduce_sum3A_70 : vector<64xf32> to vector<64x1xf32>
    %rsqrt3A_72 = math.rsqrt %broadcast_in_dim3A_71 : vector<64x1xf32>
    %get3A_73 = arith.constant 1 : index
    %get3A_74 = arith.constant 0 : index
    %get3A_75 = arith.constant 0 : index
    %get3A_76 = vector.load %arg0[%get3A_73, %get3A_74, %get3A_75] : memref<16x64x128xf32, #tpu.memory_space<vmem>>, vector<1x64x128xf32>
    %get3A_77 = vector.shape_cast %get3A_76 : vector<1x64x128xf32> to vector<64x128xf32>
    %get3A_78 = arith.constant 0 : index
    %get3A_79 = arith.constant 0 : index
    %get3A_80 = vector.load %arg2[%get3A_78, %get3A_79] : memref<64x128xf32, #tpu.memory_space<vmem>>, vector<64x128xf32>
    %dot_general3A_81 = arith.constant dense<0.000000e+00> : vector<64x64xf32>
    %dot_general3A_82 = tpu.matmul %get3A_77, %get3A_80, %dot_general3A_81 {dimension_numbers = #tpu.dot_dimension_numbers<[1], [1], [0], [0], [0, 0, 1, 0], [], []>, transpose_lhs_hint = false} : vector<64x128xf32>, vector<64x128xf32>, vector<64x64xf32> -> vector<64x64xf32>
    %mul3A_83 = vector.broadcast %rsqrt3A_72 : vector<64x1xf32> to vector<64x64xf32>
    %mul3A_84 = arith.mulf %mul3A_83, %dot_general3A_82 : vector<64x64xf32>
    %dot_general3A_85 = arith.constant dense<0.000000e+00> : vector<64x64xf32>
    %dot_general3A_86 = tpu.matmul %add3A_68, %mul3A_84, %dot_general3A_85 {dimension_numbers = #tpu.dot_dimension_numbers<[1], [0], [0], [1], [0, 0, 1, 1], [], []>, transpose_lhs_hint = false} : vector<64x64xf32>, vector<64x64xf32>, vector<64x64xf32> -> vector<64x64xf32>
    %mul3A_87 = vector.broadcast %rsqrt3A_72 : vector<64x1xf32> to vector<64x64xf32>
    %mul3A_88 = arith.mulf %mul3A_87, %dot_general3A_86 : vector<64x64xf32>
    %get3A_89 = arith.constant 0 : index
    %get3A_90 = arith.constant 0 : index
    %get3A_91 = vector.load %arg3[%get3A_89, %get3A_90] : memref<1x64xf32, #tpu.memory_space<vmem>>, vector<1x64xf32>
    %add3A_92 = vector.broadcast %get3A_91 : vector<1x64xf32> to vector<64x64xf32>
    %add3A_93 = arith.addf %mul3A_88, %add3A_92 : vector<64x64xf32>
    %ge3A_94 = arith.constant 0.000000e+00 : f32
    %ge3A_95 = vector.broadcast %ge3A_94 : f32 to vector<64x64xf32>
    %ge3A_96 = arith.cmpf oge, %add3A_93, %ge3A_95 : vector<64x64xf32>
    %mul3A_97 = arith.constant 0.00999999977 : f32
    %mul3A_98 = vector.broadcast %mul3A_97 : f32 to vector<64x64xf32>
    %mul3A_99 = arith.mulf %mul3A_98, %add3A_93 : vector<64x64xf32>
    %select_n3A_100 = arith.select %ge3A_96, %add3A_93, %mul3A_99 : vector<64x64xi1>, vector<64x64xf32>
    %get3A_101 = arith.constant 0 : index
    %get3A_102 = arith.constant 0 : index
    %get3A_103 = vector.load %arg4[%get3A_101, %get3A_102] : memref<64x64xf32, #tpu.memory_space<vmem>>, vector<64x64xf32>
    %dot_general3A_104 = arith.constant dense<0.000000e+00> : vector<64x64xf32>
    %dot_general3A_105 = tpu.matmul %select_n3A_100, %get3A_103, %dot_general3A_104 {dimension_numbers = #tpu.dot_dimension_numbers<[1], [1], [0], [0], [0, 0, 1, 0], [], []>, transpose_lhs_hint = false} : vector<64x64xf32>, vector<64x64xf32>, vector<64x64xf32> -> vector<64x64xf32>
    %mul3A_106 = vector.broadcast %rsqrt3A_72 : vector<64x1xf32> to vector<64x64xf32>
    %mul3A_107 = arith.mulf %mul3A_106, %dot_general3A_105 : vector<64x64xf32>
    %dot_general3A_108 = arith.constant dense<0.000000e+00> : vector<64x64xf32>
    %dot_general3A_109 = tpu.matmul %add3A_68, %mul3A_107, %dot_general3A_108 {dimension_numbers = #tpu.dot_dimension_numbers<[1], [0], [0], [1], [0, 0, 1, 1], [], []>, transpose_lhs_hint = false} : vector<64x64xf32>, vector<64x64xf32>, vector<64x64xf32> -> vector<64x64xf32>
    %mul3A_110 = vector.broadcast %rsqrt3A_72 : vector<64x1xf32> to vector<64x64xf32>
    %mul3A_111 = arith.mulf %mul3A_110, %dot_general3A_109 : vector<64x64xf32>
    %get3A_112 = arith.constant 0 : index
    %get3A_113 = arith.constant 0 : index
    %get3A_114 = vector.load %arg5[%get3A_112, %get3A_113] : memref<1x64xf32, #tpu.memory_space<vmem>>, vector<1x64xf32>
    %add3A_115 = vector.broadcast %get3A_114 : vector<1x64xf32> to vector<64x64xf32>
    %add3A_116 = arith.addf %mul3A_111, %add3A_115 : vector<64x64xf32>
    %ge3A_117 = arith.constant 0.000000e+00 : f32
    %ge3A_118 = vector.broadcast %ge3A_117 : f32 to vector<64x64xf32>
    %ge3A_119 = arith.cmpf oge, %add3A_116, %ge3A_118 : vector<64x64xf32>
    %mul3A_120 = arith.constant 0.00999999977 : f32
    %mul3A_121 = vector.broadcast %mul3A_120 : f32 to vector<64x64xf32>
    %mul3A_122 = arith.mulf %mul3A_121, %add3A_116 : vector<64x64xf32>
    %select_n3A_123 = arith.select %ge3A_119, %add3A_116, %mul3A_122 : vector<64x64xi1>, vector<64x64xf32>
    %dot_general3A_124 = arith.constant dense<0.000000e+00> : vector<1x64xf32>
    %dot_general3A_125 = tpu.matmul %broadcast_in_dim3A_4, %select_n3A_123, %dot_general3A_124 {dimension_numbers = #tpu.dot_dimension_numbers<[1], [0], [0], [1], [0, 0, 1, 1], [], []>, transpose_lhs_hint = false} : vector<1x64xf32>, vector<64x64xf32>, vector<1x64xf32> -> vector<1x64xf32>
    %get3A_126 = arith.constant 2 : index
    %get3A_127 = arith.constant 0 : index
    %get3A_128 = arith.constant 0 : index
    %get3A_129 = arith.constant 0 : index
    %get3A_130 = vector.load %arg1[%get3A_126, %get3A_127, %get3A_128, %get3A_129] : memref<16x1x64x64xf32, #tpu.memory_space<vmem>>, vector<1x1x64x64xf32>
    %get3A_131 = vector.shape_cast %get3A_130 : vector<1x1x64x64xf32> to vector<64x64xf32>
    %add3A_132 = arith.addf %get3A_131, %select_n3A : vector<64x64xf32>
    %reduce_sum3A_133 = arith.constant dense<0.000000e+00> : vector<64xf32>
    %reduce_sum3A_134 = vector.multi_reduction <add>, %add3A_132, %reduce_sum3A_133 [1] : vector<64x64xf32> to vector<64xf32>
    %broadcast_in_dim3A_135 = vector.shape_cast %reduce_sum3A_134 : vector<64xf32> to vector<64x1xf32>
    %rsqrt3A_136 = math.rsqrt %broadcast_in_dim3A_135 : vector<64x1xf32>
    %get3A_137 = arith.constant 2 : index
    %get3A_138 = arith.constant 0 : index
    %get3A_139 = arith.constant 0 : index
    %get3A_140 = vector.load %arg0[%get3A_137, %get3A_138, %get3A_139] : memref<16x64x128xf32, #tpu.memory_space<vmem>>, vector<1x64x128xf32>
    %get3A_141 = vector.shape_cast %get3A_140 : vector<1x64x128xf32> to vector<64x128xf32>
    %get3A_142 = arith.constant 0 : index
    %get3A_143 = arith.constant 0 : index
    %get3A_144 = vector.load %arg2[%get3A_142, %get3A_143] : memref<64x128xf32, #tpu.memory_space<vmem>>, vector<64x128xf32>
    %dot_general3A_145 = arith.constant dense<0.000000e+00> : vector<64x64xf32>
    %dot_general3A_146 = tpu.matmul %get3A_141, %get3A_144, %dot_general3A_145 {dimension_numbers = #tpu.dot_dimension_numbers<[1], [1], [0], [0], [0, 0, 1, 0], [], []>, transpose_lhs_hint = false} : vector<64x128xf32>, vector<64x128xf32>, vector<64x64xf32> -> vector<64x64xf32>
    %mul3A_147 = vector.broadcast %rsqrt3A_136 : vector<64x1xf32> to vector<64x64xf32>
    %mul3A_148 = arith.mulf %mul3A_147, %dot_general3A_146 : vector<64x64xf32>
    %dot_general3A_149 = arith.constant dense<0.000000e+00> : vector<64x64xf32>
    %dot_general3A_150 = tpu.matmul %add3A_132, %mul3A_148, %dot_general3A_149 {dimension_numbers = #tpu.dot_dimension_numbers<[1], [0], [0], [1], [0, 0, 1, 1], [], []>, transpose_lhs_hint = false} : vector<64x64xf32>, vector<64x64xf32>, vector<64x64xf32> -> vector<64x64xf32>
    %mul3A_151 = vector.broadcast %rsqrt3A_136 : vector<64x1xf32> to vector<64x64xf32>
    %mul3A_152 = arith.mulf %mul3A_151, %dot_general3A_150 : vector<64x64xf32>
    %get3A_153 = arith.constant 0 : index
    %get3A_154 = arith.constant 0 : index
    %get3A_155 = vector.load %arg3[%get3A_153, %get3A_154] : memref<1x64xf32, #tpu.memory_space<vmem>>, vector<1x64xf32>
    %add3A_156 = vector.broadcast %get3A_155 : vector<1x64xf32> to vector<64x64xf32>
    %add3A_157 = arith.addf %mul3A_152, %add3A_156 : vector<64x64xf32>
    %ge3A_158 = arith.constant 0.000000e+00 : f32
    %ge3A_159 = vector.broadcast %ge3A_158 : f32 to vector<64x64xf32>
    %ge3A_160 = arith.cmpf oge, %add3A_157, %ge3A_159 : vector<64x64xf32>
    %mul3A_161 = arith.constant 0.00999999977 : f32
    %mul3A_162 = vector.broadcast %mul3A_161 : f32 to vector<64x64xf32>
    %mul3A_163 = arith.mulf %mul3A_162, %add3A_157 : vector<64x64xf32>
    %select_n3A_164 = arith.select %ge3A_160, %add3A_157, %mul3A_163 : vector<64x64xi1>, vector<64x64xf32>
    %get3A_165 = arith.constant 0 : index
    %get3A_166 = arith.constant 0 : index
    %get3A_167 = vector.load %arg4[%get3A_165, %get3A_166] : memref<64x64xf32, #tpu.memory_space<vmem>>, vector<64x64xf32>
    %dot_general3A_168 = arith.constant dense<0.000000e+00> : vector<64x64xf32>
    %dot_general3A_169 = tpu.matmul %select_n3A_164, %get3A_167, %dot_general3A_168 {dimension_numbers = #tpu.dot_dimension_numbers<[1], [1], [0], [0], [0, 0, 1, 0], [], []>, transpose_lhs_hint = false} : vector<64x64xf32>, vector<64x64xf32>, vector<64x64xf32> -> vector<64x64xf32>
    %mul3A_170 = vector.broadcast %rsqrt3A_136 : vector<64x1xf32> to vector<64x64xf32>
    %mul3A_171 = arith.mulf %mul3A_170, %dot_general3A_169 : vector<64x64xf32>
    %dot_general3A_172 = arith.constant dense<0.000000e+00> : vector<64x64xf32>
    %dot_general3A_173 = tpu.matmul %add3A_132, %mul3A_171, %dot_general3A_172 {dimension_numbers = #tpu.dot_dimension_numbers<[1], [0], [0], [1], [0, 0, 1, 1], [], []>, transpose_lhs_hint = false} : vector<64x64xf32>, vector<64x64xf32>, vector<64x64xf32> -> vector<64x64xf32>
    %mul3A_174 = vector.broadcast %rsqrt3A_136 : vector<64x1xf32> to vector<64x64xf32>
    %mul3A_175 = arith.mulf %mul3A_174, %dot_general3A_173 : vector<64x64xf32>
    %get3A_176 = arith.constant 0 : index
    %get3A_177 = arith.constant 0 : index
    %get3A_178 = vector.load %arg5[%get3A_176, %get3A_177] : memref<1x64xf32, #tpu.memory_space<vmem>>, vector<1x64xf32>
    %add3A_179 = vector.broadcast %get3A_178 : vector<1x64xf32> to vector<64x64xf32>
    %add3A_180 = arith.addf %mul3A_175, %add3A_179 : vector<64x64xf32>
    %ge3A_181 = arith.constant 0.000000e+00 : f32
    %ge3A_182 = vector.broadcast %ge3A_181 : f32 to vector<64x64xf32>
    %ge3A_183 = arith.cmpf oge, %add3A_180, %ge3A_182 : vector<64x64xf32>
    %mul3A_184 = arith.constant 0.00999999977 : f32
    %mul3A_185 = vector.broadcast %mul3A_184 : f32 to vector<64x64xf32>
    %mul3A_186 = arith.mulf %mul3A_185, %add3A_180 : vector<64x64xf32>
    %select_n3A_187 = arith.select %ge3A_183, %add3A_180, %mul3A_186 : vector<64x64xi1>, vector<64x64xf32>
    %dot_general3A_188 = arith.constant dense<0.000000e+00> : vector<1x64xf32>
    %dot_general3A_189 = tpu.matmul %broadcast_in_dim3A_4, %select_n3A_187, %dot_general3A_188 {dimension_numbers = #tpu.dot_dimension_numbers<[1], [0], [0], [1], [0, 0, 1, 1], [], []>, transpose_lhs_hint = false} : vector<1x64xf32>, vector<64x64xf32>, vector<1x64xf32> -> vector<1x64xf32>
    %get3A_190 = arith.constant 3 : index
    %get3A_191 = arith.constant 0 : index
    %get3A_192 = arith.constant 0 : index
    %get3A_193 = arith.constant 0 : index
    %get3A_194 = vector.load %arg1[%get3A_190, %get3A_191, %get3A_192, %get3A_193] : memref<16x1x64x64xf32, #tpu.memory_space<vmem>>, vector<1x1x64x64xf32>
    %get3A_195 = vector.shape_cast %get3A_194 : vector<1x1x64x64xf32> to vector<64x64xf32>
    %add3A_196 = arith.addf %get3A_195, %select_n3A : vector<64x64xf32>
    %reduce_sum3A_197 = arith.constant dense<0.000000e+00> : vector<64xf32>
    %reduce_sum3A_198 = vector.multi_reduction <add>, %add3A_196, %reduce_sum3A_197 [1] : vector<64x64xf32> to vector<64xf32>
    %broadcast_in_dim3A_199 = vector.shape_cast %reduce_sum3A_198 : vector<64xf32> to vector<64x1xf32>
    %rsqrt3A_200 = math.rsqrt %broadcast_in_dim3A_199 : vector<64x1xf32>
    %get3A_201 = arith.constant 3 : index
    %get3A_202 = arith.constant 0 : index
    %get3A_203 = arith.constant 0 : index
    %get3A_204 = vector.load %arg0[%get3A_201, %get3A_202, %get3A_203] : memref<16x64x128xf32, #tpu.memory_space<vmem>>, vector<1x64x128xf32>
    %get3A_205 = vector.shape_cast %get3A_204 : vector<1x64x128xf32> to vector<64x128xf32>
    %get3A_206 = arith.constant 0 : index
    %get3A_207 = arith.constant 0 : index
    %get3A_208 = vector.load %arg2[%get3A_206, %get3A_207] : memref<64x128xf32, #tpu.memory_space<vmem>>, vector<64x128xf32>
    %dot_general3A_209 = arith.constant dense<0.000000e+00> : vector<64x64xf32>
    %dot_general3A_210 = tpu.matmul %get3A_205, %get3A_208, %dot_general3A_209 {dimension_numbers = #tpu.dot_dimension_numbers<[1], [1], [0], [0], [0, 0, 1, 0], [], []>, transpose_lhs_hint = false} : vector<64x128xf32>, vector<64x128xf32>, vector<64x64xf32> -> vector<64x64xf32>
    %mul3A_211 = vector.broadcast %rsqrt3A_200 : vector<64x1xf32> to vector<64x64xf32>
    %mul3A_212 = arith.mulf %mul3A_211, %dot_general3A_210 : vector<64x64xf32>
    %dot_general3A_213 = arith.constant dense<0.000000e+00> : vector<64x64xf32>
    %dot_general3A_214 = tpu.matmul %add3A_196, %mul3A_212, %dot_general3A_213 {dimension_numbers = #tpu.dot_dimension_numbers<[1], [0], [0], [1], [0, 0, 1, 1], [], []>, transpose_lhs_hint = false} : vector<64x64xf32>, vector<64x64xf32>, vector<64x64xf32> -> vector<64x64xf32>
    %mul3A_215 = vector.broadcast %rsqrt3A_200 : vector<64x1xf32> to vector<64x64xf32>
    %mul3A_216 = arith.mulf %mul3A_215, %dot_general3A_214 : vector<64x64xf32>
    %get3A_217 = arith.constant 0 : index
    %get3A_218 = arith.constant 0 : index
    %get3A_219 = vector.load %arg3[%get3A_217, %get3A_218] : memref<1x64xf32, #tpu.memory_space<vmem>>, vector<1x64xf32>
    %add3A_220 = vector.broadcast %get3A_219 : vector<1x64xf32> to vector<64x64xf32>
    %add3A_221 = arith.addf %mul3A_216, %add3A_220 : vector<64x64xf32>
    %ge3A_222 = arith.constant 0.000000e+00 : f32
    %ge3A_223 = vector.broadcast %ge3A_222 : f32 to vector<64x64xf32>
    %ge3A_224 = arith.cmpf oge, %add3A_221, %ge3A_223 : vector<64x64xf32>
    %mul3A_225 = arith.constant 0.00999999977 : f32
    %mul3A_226 = vector.broadcast %mul3A_225 : f32 to vector<64x64xf32>
    %mul3A_227 = arith.mulf %mul3A_226, %add3A_221 : vector<64x64xf32>
    %select_n3A_228 = arith.select %ge3A_224, %add3A_221, %mul3A_227 : vector<64x64xi1>, vector<64x64xf32>
    %get3A_229 = arith.constant 0 : index
    %get3A_230 = arith.constant 0 : index
    %get3A_231 = vector.load %arg4[%get3A_229, %get3A_230] : memref<64x64xf32, #tpu.memory_space<vmem>>, vector<64x64xf32>
    %dot_general3A_232 = arith.constant dense<0.000000e+00> : vector<64x64xf32>
    %dot_general3A_233 = tpu.matmul %select_n3A_228, %get3A_231, %dot_general3A_232 {dimension_numbers = #tpu.dot_dimension_numbers<[1], [1], [0], [0], [0, 0, 1, 0], [], []>, transpose_lhs_hint = false} : vector<64x64xf32>, vector<64x64xf32>, vector<64x64xf32> -> vector<64x64xf32>
    %mul3A_234 = vector.broadcast %rsqrt3A_200 : vector<64x1xf32> to vector<64x64xf32>
    %mul3A_235 = arith.mulf %mul3A_234, %dot_general3A_233 : vector<64x64xf32>
    %dot_general3A_236 = arith.constant dense<0.000000e+00> : vector<64x64xf32>
    %dot_general3A_237 = tpu.matmul %add3A_196, %mul3A_235, %dot_general3A_236 {dimension_numbers = #tpu.dot_dimension_numbers<[1], [0], [0], [1], [0, 0, 1, 1], [], []>, transpose_lhs_hint = false} : vector<64x64xf32>, vector<64x64xf32>, vector<64x64xf32> -> vector<64x64xf32>
    %mul3A_238 = vector.broadcast %rsqrt3A_200 : vector<64x1xf32> to vector<64x64xf32>
    %mul3A_239 = arith.mulf %mul3A_238, %dot_general3A_237 : vector<64x64xf32>
    %get3A_240 = arith.constant 0 : index
    %get3A_241 = arith.constant 0 : index
    %get3A_242 = vector.load %arg5[%get3A_240, %get3A_241] : memref<1x64xf32, #tpu.memory_space<vmem>>, vector<1x64xf32>
    %add3A_243 = vector.broadcast %get3A_242 : vector<1x64xf32> to vector<64x64xf32>
    %add3A_244 = arith.addf %mul3A_239, %add3A_243 : vector<64x64xf32>
    %ge3A_245 = arith.constant 0.000000e+00 : f32
    %ge3A_246 = vector.broadcast %ge3A_245 : f32 to vector<64x64xf32>
    %ge3A_247 = arith.cmpf oge, %add3A_244, %ge3A_246 : vector<64x64xf32>
    %mul3A_248 = arith.constant 0.00999999977 : f32
    %mul3A_249 = vector.broadcast %mul3A_248 : f32 to vector<64x64xf32>
    %mul3A_250 = arith.mulf %mul3A_249, %add3A_244 : vector<64x64xf32>
    %select_n3A_251 = arith.select %ge3A_247, %add3A_244, %mul3A_250 : vector<64x64xi1>, vector<64x64xf32>
    %dot_general3A_252 = arith.constant dense<0.000000e+00> : vector<1x64xf32>
    %dot_general3A_253 = tpu.matmul %broadcast_in_dim3A_4, %select_n3A_251, %dot_general3A_252 {dimension_numbers = #tpu.dot_dimension_numbers<[1], [0], [0], [1], [0, 0, 1, 1], [], []>, transpose_lhs_hint = false} : vector<1x64xf32>, vector<64x64xf32>, vector<1x64xf32> -> vector<1x64xf32>
    %get3A_254 = arith.constant 4 : index
    %get3A_255 = arith.constant 0 : index
    %get3A_256 = arith.constant 0 : index
    %get3A_257 = arith.constant 0 : index
    %get3A_258 = vector.load %arg1[%get3A_254, %get3A_255, %get3A_256, %get3A_257] : memref<16x1x64x64xf32, #tpu.memory_space<vmem>>, vector<1x1x64x64xf32>
    %get3A_259 = vector.shape_cast %get3A_258 : vector<1x1x64x64xf32> to vector<64x64xf32>
    %add3A_260 = arith.addf %get3A_259, %select_n3A : vector<64x64xf32>
    %reduce_sum3A_261 = arith.constant dense<0.000000e+00> : vector<64xf32>
    %reduce_sum3A_262 = vector.multi_reduction <add>, %add3A_260, %reduce_sum3A_261 [1] : vector<64x64xf32> to vector<64xf32>
    %broadcast_in_dim3A_263 = vector.shape_cast %reduce_sum3A_262 : vector<64xf32> to vector<64x1xf32>
    %rsqrt3A_264 = math.rsqrt %broadcast_in_dim3A_263 : vector<64x1xf32>
    %get3A_265 = arith.constant 4 : index
    %get3A_266 = arith.constant 0 : index
    %get3A_267 = arith.constant 0 : index
    %get3A_268 = vector.load %arg0[%get3A_265, %get3A_266, %get3A_267] : memref<16x64x128xf32, #tpu.memory_space<vmem>>, vector<1x64x128xf32>
    %get3A_269 = vector.shape_cast %get3A_268 : vector<1x64x128xf32> to vector<64x128xf32>
    %get3A_270 = arith.constant 0 : index
    %get3A_271 = arith.constant 0 : index
    %get3A_272 = vector.load %arg2[%get3A_270, %get3A_271] : memref<64x128xf32, #tpu.memory_space<vmem>>, vector<64x128xf32>
    %dot_general3A_273 = arith.constant dense<0.000000e+00> : vector<64x64xf32>
    %dot_general3A_274 = tpu.matmul %get3A_269, %get3A_272, %dot_general3A_273 {dimension_numbers = #tpu.dot_dimension_numbers<[1], [1], [0], [0], [0, 0, 1, 0], [], []>, transpose_lhs_hint = false} : vector<64x128xf32>, vector<64x128xf32>, vector<64x64xf32> -> vector<64x64xf32>
    %mul3A_275 = vector.broadcast %rsqrt3A_264 : vector<64x1xf32> to vector<64x64xf32>
    %mul3A_276 = arith.mulf %mul3A_275, %dot_general3A_274 : vector<64x64xf32>
    %dot_general3A_277 = arith.constant dense<0.000000e+00> : vector<64x64xf32>
    %dot_general3A_278 = tpu.matmul %add3A_260, %mul3A_276, %dot_general3A_277 {dimension_numbers = #tpu.dot_dimension_numbers<[1], [0], [0], [1], [0, 0, 1, 1], [], []>, transpose_lhs_hint = false} : vector<64x64xf32>, vector<64x64xf32>, vector<64x64xf32> -> vector<64x64xf32>
    %mul3A_279 = vector.broadcast %rsqrt3A_264 : vector<64x1xf32> to vector<64x64xf32>
    %mul3A_280 = arith.mulf %mul3A_279, %dot_general3A_278 : vector<64x64xf32>
    %get3A_281 = arith.constant 0 : index
    %get3A_282 = arith.constant 0 : index
    %get3A_283 = vector.load %arg3[%get3A_281, %get3A_282] : memref<1x64xf32, #tpu.memory_space<vmem>>, vector<1x64xf32>
    %add3A_284 = vector.broadcast %get3A_283 : vector<1x64xf32> to vector<64x64xf32>
    %add3A_285 = arith.addf %mul3A_280, %add3A_284 : vector<64x64xf32>
    %ge3A_286 = arith.constant 0.000000e+00 : f32
    %ge3A_287 = vector.broadcast %ge3A_286 : f32 to vector<64x64xf32>
    %ge3A_288 = arith.cmpf oge, %add3A_285, %ge3A_287 : vector<64x64xf32>
    %mul3A_289 = arith.constant 0.00999999977 : f32
    %mul3A_290 = vector.broadcast %mul3A_289 : f32 to vector<64x64xf32>
    %mul3A_291 = arith.mulf %mul3A_290, %add3A_285 : vector<64x64xf32>
    %select_n3A_292 = arith.select %ge3A_288, %add3A_285, %mul3A_291 : vector<64x64xi1>, vector<64x64xf32>
    %get3A_293 = arith.constant 0 : index
    %get3A_294 = arith.constant 0 : index
    %get3A_295 = vector.load %arg4[%get3A_293, %get3A_294] : memref<64x64xf32, #tpu.memory_space<vmem>>, vector<64x64xf32>
    %dot_general3A_296 = arith.constant dense<0.000000e+00> : vector<64x64xf32>
    %dot_general3A_297 = tpu.matmul %select_n3A_292, %get3A_295, %dot_general3A_296 {dimension_numbers = #tpu.dot_dimension_numbers<[1], [1], [0], [0], [0, 0, 1, 0], [], []>, transpose_lhs_hint = false} : vector<64x64xf32>, vector<64x64xf32>, vector<64x64xf32> -> vector<64x64xf32>
    %mul3A_298 = vector.broadcast %rsqrt3A_264 : vector<64x1xf32> to vector<64x64xf32>
    %mul3A_299 = arith.mulf %mul3A_298, %dot_general3A_297 : vector<64x64xf32>
    %dot_general3A_300 = arith.constant dense<0.000000e+00> : vector<64x64xf32>
    %dot_general3A_301 = tpu.matmul %add3A_260, %mul3A_299, %dot_general3A_300 {dimension_numbers = #tpu.dot_dimension_numbers<[1], [0], [0], [1], [0, 0, 1, 1], [], []>, transpose_lhs_hint = false} : vector<64x64xf32>, vector<64x64xf32>, vector<64x64xf32> -> vector<64x64xf32>
    %mul3A_302 = vector.broadcast %rsqrt3A_264 : vector<64x1xf32> to vector<64x64xf32>
    %mul3A_303 = arith.mulf %mul3A_302, %dot_general3A_301 : vector<64x64xf32>
    %get3A_304 = arith.constant 0 : index
    %get3A_305 = arith.constant 0 : index
    %get3A_306 = vector.load %arg5[%get3A_304, %get3A_305] : memref<1x64xf32, #tpu.memory_space<vmem>>, vector<1x64xf32>
    %add3A_307 = vector.broadcast %get3A_306 : vector<1x64xf32> to vector<64x64xf32>
    %add3A_308 = arith.addf %mul3A_303, %add3A_307 : vector<64x64xf32>
    %ge3A_309 = arith.constant 0.000000e+00 : f32
    %ge3A_310 = vector.broadcast %ge3A_309 : f32 to vector<64x64xf32>
    %ge3A_311 = arith.cmpf oge, %add3A_308, %ge3A_310 : vector<64x64xf32>
    %mul3A_312 = arith.constant 0.00999999977 : f32
    %mul3A_313 = vector.broadcast %mul3A_312 : f32 to vector<64x64xf32>
    %mul3A_314 = arith.mulf %mul3A_313, %add3A_308 : vector<64x64xf32>
    %select_n3A_315 = arith.select %ge3A_311, %add3A_308, %mul3A_314 : vector<64x64xi1>, vector<64x64xf32>
    %dot_general3A_316 = arith.constant dense<0.000000e+00> : vector<1x64xf32>
    %dot_general3A_317 = tpu.matmul %broadcast_in_dim3A_4, %select_n3A_315, %dot_general3A_316 {dimension_numbers = #tpu.dot_dimension_numbers<[1], [0], [0], [1], [0, 0, 1, 1], [], []>, transpose_lhs_hint = false} : vector<1x64xf32>, vector<64x64xf32>, vector<1x64xf32> -> vector<1x64xf32>
    %get3A_318 = arith.constant 5 : index
    %get3A_319 = arith.constant 0 : index
    %get3A_320 = arith.constant 0 : index
    %get3A_321 = arith.constant 0 : index
    %get3A_322 = vector.load %arg1[%get3A_318, %get3A_319, %get3A_320, %get3A_321] : memref<16x1x64x64xf32, #tpu.memory_space<vmem>>, vector<1x1x64x64xf32>
    %get3A_323 = vector.shape_cast %get3A_322 : vector<1x1x64x64xf32> to vector<64x64xf32>
    %add3A_324 = arith.addf %get3A_323, %select_n3A : vector<64x64xf32>
    %reduce_sum3A_325 = arith.constant dense<0.000000e+00> : vector<64xf32>
    %reduce_sum3A_326 = vector.multi_reduction <add>, %add3A_324, %reduce_sum3A_325 [1] : vector<64x64xf32> to vector<64xf32>
    %broadcast_in_dim3A_327 = vector.shape_cast %reduce_sum3A_326 : vector<64xf32> to vector<64x1xf32>
    %rsqrt3A_328 = math.rsqrt %broadcast_in_dim3A_327 : vector<64x1xf32>
    %get3A_329 = arith.constant 5 : index
    %get3A_330 = arith.constant 0 : index
    %get3A_331 = arith.constant 0 : index
    %get3A_332 = vector.load %arg0[%get3A_329, %get3A_330, %get3A_331] : memref<16x64x128xf32, #tpu.memory_space<vmem>>, vector<1x64x128xf32>
    %get3A_333 = vector.shape_cast %get3A_332 : vector<1x64x128xf32> to vector<64x128xf32>
    %get3A_334 = arith.constant 0 : index
    %get3A_335 = arith.constant 0 : index
    %get3A_336 = vector.load %arg2[%get3A_334, %get3A_335] : memref<64x128xf32, #tpu.memory_space<vmem>>, vector<64x128xf32>
    %dot_general3A_337 = arith.constant dense<0.000000e+00> : vector<64x64xf32>
    %dot_general3A_338 = tpu.matmul %get3A_333, %get3A_336, %dot_general3A_337 {dimension_numbers = #tpu.dot_dimension_numbers<[1], [1], [0], [0], [0, 0, 1, 0], [], []>, transpose_lhs_hint = false} : vector<64x128xf32>, vector<64x128xf32>, vector<64x64xf32> -> vector<64x64xf32>
    %mul3A_339 = vector.broadcast %rsqrt3A_328 : vector<64x1xf32> to vector<64x64xf32>
    %mul3A_340 = arith.mulf %mul3A_339, %dot_general3A_338 : vector<64x64xf32>
    %dot_general3A_341 = arith.constant dense<0.000000e+00> : vector<64x64xf32>
    %dot_general3A_342 = tpu.matmul %add3A_324, %mul3A_340, %dot_general3A_341 {dimension_numbers = #tpu.dot_dimension_numbers<[1], [0], [0], [1], [0, 0, 1, 1], [], []>, transpose_lhs_hint = false} : vector<64x64xf32>, vector<64x64xf32>, vector<64x64xf32> -> vector<64x64xf32>
    %mul3A_343 = vector.broadcast %rsqrt3A_328 : vector<64x1xf32> to vector<64x64xf32>
    %mul3A_344 = arith.mulf %mul3A_343, %dot_general3A_342 : vector<64x64xf32>
    %get3A_345 = arith.constant 0 : index
    %get3A_346 = arith.constant 0 : index
    %get3A_347 = vector.load %arg3[%get3A_345, %get3A_346] : memref<1x64xf32, #tpu.memory_space<vmem>>, vector<1x64xf32>
    %add3A_348 = vector.broadcast %get3A_347 : vector<1x64xf32> to vector<64x64xf32>
    %add3A_349 = arith.addf %mul3A_344, %add3A_348 : vector<64x64xf32>
    %ge3A_350 = arith.constant 0.000000e+00 : f32
    %ge3A_351 = vector.broadcast %ge3A_350 : f32 to vector<64x64xf32>
    %ge3A_352 = arith.cmpf oge, %add3A_349, %ge3A_351 : vector<64x64xf32>
    %mul3A_353 = arith.constant 0.00999999977 : f32
    %mul3A_354 = vector.broadcast %mul3A_353 : f32 to vector<64x64xf32>
    %mul3A_355 = arith.mulf %mul3A_354, %add3A_349 : vector<64x64xf32>
    %select_n3A_356 = arith.select %ge3A_352, %add3A_349, %mul3A_355 : vector<64x64xi1>, vector<64x64xf32>
    %get3A_357 = arith.constant 0 : index
    %get3A_358 = arith.constant 0 : index
    %get3A_359 = vector.load %arg4[%get3A_357, %get3A_358] : memref<64x64xf32, #tpu.memory_space<vmem>>, vector<64x64xf32>
    %dot_general3A_360 = arith.constant dense<0.000000e+00> : vector<64x64xf32>
    %dot_general3A_361 = tpu.matmul %select_n3A_356, %get3A_359, %dot_general3A_360 {dimension_numbers = #tpu.dot_dimension_numbers<[1], [1], [0], [0], [0, 0, 1, 0], [], []>, transpose_lhs_hint = false} : vector<64x64xf32>, vector<64x64xf32>, vector<64x64xf32> -> vector<64x64xf32>
    %mul3A_362 = vector.broadcast %rsqrt3A_328 : vector<64x1xf32> to vector<64x64xf32>
    %mul3A_363 = arith.mulf %mul3A_362, %dot_general3A_361 : vector<64x64xf32>
    %dot_general3A_364 = arith.constant dense<0.000000e+00> : vector<64x64xf32>
    %dot_general3A_365 = tpu.matmul %add3A_324, %mul3A_363, %dot_general3A_364 {dimension_numbers = #tpu.dot_dimension_numbers<[1], [0], [0], [1], [0, 0, 1, 1], [], []>, transpose_lhs_hint = false} : vector<64x64xf32>, vector<64x64xf32>, vector<64x64xf32> -> vector<64x64xf32>
    %mul3A_366 = vector.broadcast %rsqrt3A_328 : vector<64x1xf32> to vector<64x64xf32>
    %mul3A_367 = arith.mulf %mul3A_366, %dot_general3A_365 : vector<64x64xf32>
    %get3A_368 = arith.constant 0 : index
    %get3A_369 = arith.constant 0 : index
    %get3A_370 = vector.load %arg5[%get3A_368, %get3A_369] : memref<1x64xf32, #tpu.memory_space<vmem>>, vector<1x64xf32>
    %add3A_371 = vector.broadcast %get3A_370 : vector<1x64xf32> to vector<64x64xf32>
    %add3A_372 = arith.addf %mul3A_367, %add3A_371 : vector<64x64xf32>
    %ge3A_373 = arith.constant 0.000000e+00 : f32
    %ge3A_374 = vector.broadcast %ge3A_373 : f32 to vector<64x64xf32>
    %ge3A_375 = arith.cmpf oge, %add3A_372, %ge3A_374 : vector<64x64xf32>
    %mul3A_376 = arith.constant 0.00999999977 : f32
    %mul3A_377 = vector.broadcast %mul3A_376 : f32 to vector<64x64xf32>
    %mul3A_378 = arith.mulf %mul3A_377, %add3A_372 : vector<64x64xf32>
    %select_n3A_379 = arith.select %ge3A_375, %add3A_372, %mul3A_378 : vector<64x64xi1>, vector<64x64xf32>
    %dot_general3A_380 = arith.constant dense<0.000000e+00> : vector<1x64xf32>
    %dot_general3A_381 = tpu.matmul %broadcast_in_dim3A_4, %select_n3A_379, %dot_general3A_380 {dimension_numbers = #tpu.dot_dimension_numbers<[1], [0], [0], [1], [0, 0, 1, 1], [], []>, transpose_lhs_hint = false} : vector<1x64xf32>, vector<64x64xf32>, vector<1x64xf32> -> vector<1x64xf32>
    %get3A_382 = arith.constant 6 : index
    %get3A_383 = arith.constant 0 : index
    %get3A_384 = arith.constant 0 : index
    %get3A_385 = arith.constant 0 : index
    %get3A_386 = vector.load %arg1[%get3A_382, %get3A_383, %get3A_384, %get3A_385] : memref<16x1x64x64xf32, #tpu.memory_space<vmem>>, vector<1x1x64x64xf32>
    %get3A_387 = vector.shape_cast %get3A_386 : vector<1x1x64x64xf32> to vector<64x64xf32>
    %add3A_388 = arith.addf %get3A_387, %select_n3A : vector<64x64xf32>
    %reduce_sum3A_389 = arith.constant dense<0.000000e+00> : vector<64xf32>
    %reduce_sum3A_390 = vector.multi_reduction <add>, %add3A_388, %reduce_sum3A_389 [1] : vector<64x64xf32> to vector<64xf32>
    %broadcast_in_dim3A_391 = vector.shape_cast %reduce_sum3A_390 : vector<64xf32> to vector<64x1xf32>
    %rsqrt3A_392 = math.rsqrt %broadcast_in_dim3A_391 : vector<64x1xf32>
    %get3A_393 = arith.constant 6 : index
    %get3A_394 = arith.constant 0 : index
    %get3A_395 = arith.constant 0 : index
    %get3A_396 = vector.load %arg0[%get3A_393, %get3A_394, %get3A_395] : memref<16x64x128xf32, #tpu.memory_space<vmem>>, vector<1x64x128xf32>
    %get3A_397 = vector.shape_cast %get3A_396 : vector<1x64x128xf32> to vector<64x128xf32>
    %get3A_398 = arith.constant 0 : index
    %get3A_399 = arith.constant 0 : index
    %get3A_400 = vector.load %arg2[%get3A_398, %get3A_399] : memref<64x128xf32, #tpu.memory_space<vmem>>, vector<64x128xf32>
    %dot_general3A_401 = arith.constant dense<0.000000e+00> : vector<64x64xf32>
    %dot_general3A_402 = tpu.matmul %get3A_397, %get3A_400, %dot_general3A_401 {dimension_numbers = #tpu.dot_dimension_numbers<[1], [1], [0], [0], [0, 0, 1, 0], [], []>, transpose_lhs_hint = false} : vector<64x128xf32>, vector<64x128xf32>, vector<64x64xf32> -> vector<64x64xf32>
    %mul3A_403 = vector.broadcast %rsqrt3A_392 : vector<64x1xf32> to vector<64x64xf32>
    %mul3A_404 = arith.mulf %mul3A_403, %dot_general3A_402 : vector<64x64xf32>
    %dot_general3A_405 = arith.constant dense<0.000000e+00> : vector<64x64xf32>
    %dot_general3A_406 = tpu.matmul %add3A_388, %mul3A_404, %dot_general3A_405 {dimension_numbers = #tpu.dot_dimension_numbers<[1], [0], [0], [1], [0, 0, 1, 1], [], []>, transpose_lhs_hint = false} : vector<64x64xf32>, vector<64x64xf32>, vector<64x64xf32> -> vector<64x64xf32>
    %mul3A_407 = vector.broadcast %rsqrt3A_392 : vector<64x1xf32> to vector<64x64xf32>
    %mul3A_408 = arith.mulf %mul3A_407, %dot_general3A_406 : vector<64x64xf32>
    %get3A_409 = arith.constant 0 : index
    %get3A_410 = arith.constant 0 : index
    %get3A_411 = vector.load %arg3[%get3A_409, %get3A_410] : memref<1x64xf32, #tpu.memory_space<vmem>>, vector<1x64xf32>
    %add3A_412 = vector.broadcast %get3A_411 : vector<1x64xf32> to vector<64x64xf32>
    %add3A_413 = arith.addf %mul3A_408, %add3A_412 : vector<64x64xf32>
    %ge3A_414 = arith.constant 0.000000e+00 : f32
    %ge3A_415 = vector.broadcast %ge3A_414 : f32 to vector<64x64xf32>
    %ge3A_416 = arith.cmpf oge, %add3A_413, %ge3A_415 : vector<64x64xf32>
    %mul3A_417 = arith.constant 0.00999999977 : f32
    %mul3A_418 = vector.broadcast %mul3A_417 : f32 to vector<64x64xf32>
    %mul3A_419 = arith.mulf %mul3A_418, %add3A_413 : vector<64x64xf32>
    %select_n3A_420 = arith.select %ge3A_416, %add3A_413, %mul3A_419 : vector<64x64xi1>, vector<64x64xf32>
    %get3A_421 = arith.constant 0 : index
    %get3A_422 = arith.constant 0 : index
    %get3A_423 = vector.load %arg4[%get3A_421, %get3A_422] : memref<64x64xf32, #tpu.memory_space<vmem>>, vector<64x64xf32>
    %dot_general3A_424 = arith.constant dense<0.000000e+00> : vector<64x64xf32>
    %dot_general3A_425 = tpu.matmul %select_n3A_420, %get3A_423, %dot_general3A_424 {dimension_numbers = #tpu.dot_dimension_numbers<[1], [1], [0], [0], [0, 0, 1, 0], [], []>, transpose_lhs_hint = false} : vector<64x64xf32>, vector<64x64xf32>, vector<64x64xf32> -> vector<64x64xf32>
    %mul3A_426 = vector.broadcast %rsqrt3A_392 : vector<64x1xf32> to vector<64x64xf32>
    %mul3A_427 = arith.mulf %mul3A_426, %dot_general3A_425 : vector<64x64xf32>
    %dot_general3A_428 = arith.constant dense<0.000000e+00> : vector<64x64xf32>
    %dot_general3A_429 = tpu.matmul %add3A_388, %mul3A_427, %dot_general3A_428 {dimension_numbers = #tpu.dot_dimension_numbers<[1], [0], [0], [1], [0, 0, 1, 1], [], []>, transpose_lhs_hint = false} : vector<64x64xf32>, vector<64x64xf32>, vector<64x64xf32> -> vector<64x64xf32>
    %mul3A_430 = vector.broadcast %rsqrt3A_392 : vector<64x1xf32> to vector<64x64xf32>
    %mul3A_431 = arith.mulf %mul3A_430, %dot_general3A_429 : vector<64x64xf32>
    %get3A_432 = arith.constant 0 : index
    %get3A_433 = arith.constant 0 : index
    %get3A_434 = vector.load %arg5[%get3A_432, %get3A_433] : memref<1x64xf32, #tpu.memory_space<vmem>>, vector<1x64xf32>
    %add3A_435 = vector.broadcast %get3A_434 : vector<1x64xf32> to vector<64x64xf32>
    %add3A_436 = arith.addf %mul3A_431, %add3A_435 : vector<64x64xf32>
    %ge3A_437 = arith.constant 0.000000e+00 : f32
    %ge3A_438 = vector.broadcast %ge3A_437 : f32 to vector<64x64xf32>
    %ge3A_439 = arith.cmpf oge, %add3A_436, %ge3A_438 : vector<64x64xf32>
    %mul3A_440 = arith.constant 0.00999999977 : f32
    %mul3A_441 = vector.broadcast %mul3A_440 : f32 to vector<64x64xf32>
    %mul3A_442 = arith.mulf %mul3A_441, %add3A_436 : vector<64x64xf32>
    %select_n3A_443 = arith.select %ge3A_439, %add3A_436, %mul3A_442 : vector<64x64xi1>, vector<64x64xf32>
    %dot_general3A_444 = arith.constant dense<0.000000e+00> : vector<1x64xf32>
    %dot_general3A_445 = tpu.matmul %broadcast_in_dim3A_4, %select_n3A_443, %dot_general3A_444 {dimension_numbers = #tpu.dot_dimension_numbers<[1], [0], [0], [1], [0, 0, 1, 1], [], []>, transpose_lhs_hint = false} : vector<1x64xf32>, vector<64x64xf32>, vector<1x64xf32> -> vector<1x64xf32>
    %get3A_446 = arith.constant 7 : index
    %get3A_447 = arith.constant 0 : index
    %get3A_448 = arith.constant 0 : index
    %get3A_449 = arith.constant 0 : index
    %get3A_450 = vector.load %arg1[%get3A_446, %get3A_447, %get3A_448, %get3A_449] : memref<16x1x64x64xf32, #tpu.memory_space<vmem>>, vector<1x1x64x64xf32>
    %get3A_451 = vector.shape_cast %get3A_450 : vector<1x1x64x64xf32> to vector<64x64xf32>
    %add3A_452 = arith.addf %get3A_451, %select_n3A : vector<64x64xf32>
    %reduce_sum3A_453 = arith.constant dense<0.000000e+00> : vector<64xf32>
    %reduce_sum3A_454 = vector.multi_reduction <add>, %add3A_452, %reduce_sum3A_453 [1] : vector<64x64xf32> to vector<64xf32>
    %broadcast_in_dim3A_455 = vector.shape_cast %reduce_sum3A_454 : vector<64xf32> to vector<64x1xf32>
    %rsqrt3A_456 = math.rsqrt %broadcast_in_dim3A_455 : vector<64x1xf32>
    %get3A_457 = arith.constant 7 : index
    %get3A_458 = arith.constant 0 : index
    %get3A_459 = arith.constant 0 : index
    %get3A_460 = vector.load %arg0[%get3A_457, %get3A_458, %get3A_459] : memref<16x64x128xf32, #tpu.memory_space<vmem>>, vector<1x64x128xf32>
    %get3A_461 = vector.shape_cast %get3A_460 : vector<1x64x128xf32> to vector<64x128xf32>
    %get3A_462 = arith.constant 0 : index
    %get3A_463 = arith.constant 0 : index
    %get3A_464 = vector.load %arg2[%get3A_462, %get3A_463] : memref<64x128xf32, #tpu.memory_space<vmem>>, vector<64x128xf32>
    %dot_general3A_465 = arith.constant dense<0.000000e+00> : vector<64x64xf32>
    %dot_general3A_466 = tpu.matmul %get3A_461, %get3A_464, %dot_general3A_465 {dimension_numbers = #tpu.dot_dimension_numbers<[1], [1], [0], [0], [0, 0, 1, 0], [], []>, transpose_lhs_hint = false} : vector<64x128xf32>, vector<64x128xf32>, vector<64x64xf32> -> vector<64x64xf32>
    %mul3A_467 = vector.broadcast %rsqrt3A_456 : vector<64x1xf32> to vector<64x64xf32>
    %mul3A_468 = arith.mulf %mul3A_467, %dot_general3A_466 : vector<64x64xf32>
    %dot_general3A_469 = arith.constant dense<0.000000e+00> : vector<64x64xf32>
    %dot_general3A_470 = tpu.matmul %add3A_452, %mul3A_468, %dot_general3A_469 {dimension_numbers = #tpu.dot_dimension_numbers<[1], [0], [0], [1], [0, 0, 1, 1], [], []>, transpose_lhs_hint = false} : vector<64x64xf32>, vector<64x64xf32>, vector<64x64xf32> -> vector<64x64xf32>
    %mul3A_471 = vector.broadcast %rsqrt3A_456 : vector<64x1xf32> to vector<64x64xf32>
    %mul3A_472 = arith.mulf %mul3A_471, %dot_general3A_470 : vector<64x64xf32>
    %get3A_473 = arith.constant 0 : index
    %get3A_474 = arith.constant 0 : index
    %get3A_475 = vector.load %arg3[%get3A_473, %get3A_474] : memref<1x64xf32, #tpu.memory_space<vmem>>, vector<1x64xf32>
    %add3A_476 = vector.broadcast %get3A_475 : vector<1x64xf32> to vector<64x64xf32>
    %add3A_477 = arith.addf %mul3A_472, %add3A_476 : vector<64x64xf32>
    %ge3A_478 = arith.constant 0.000000e+00 : f32
    %ge3A_479 = vector.broadcast %ge3A_478 : f32 to vector<64x64xf32>
    %ge3A_480 = arith.cmpf oge, %add3A_477, %ge3A_479 : vector<64x64xf32>
    %mul3A_481 = arith.constant 0.00999999977 : f32
    %mul3A_482 = vector.broadcast %mul3A_481 : f32 to vector<64x64xf32>
    %mul3A_483 = arith.mulf %mul3A_482, %add3A_477 : vector<64x64xf32>
    %select_n3A_484 = arith.select %ge3A_480, %add3A_477, %mul3A_483 : vector<64x64xi1>, vector<64x64xf32>
    %get3A_485 = arith.constant 0 : index
    %get3A_486 = arith.constant 0 : index
    %get3A_487 = vector.load %arg4[%get3A_485, %get3A_486] : memref<64x64xf32, #tpu.memory_space<vmem>>, vector<64x64xf32>
    %dot_general3A_488 = arith.constant dense<0.000000e+00> : vector<64x64xf32>
    %dot_general3A_489 = tpu.matmul %select_n3A_484, %get3A_487, %dot_general3A_488 {dimension_numbers = #tpu.dot_dimension_numbers<[1], [1], [0], [0], [0, 0, 1, 0], [], []>, transpose_lhs_hint = false} : vector<64x64xf32>, vector<64x64xf32>, vector<64x64xf32> -> vector<64x64xf32>
    %mul3A_490 = vector.broadcast %rsqrt3A_456 : vector<64x1xf32> to vector<64x64xf32>
    %mul3A_491 = arith.mulf %mul3A_490, %dot_general3A_489 : vector<64x64xf32>
    %dot_general3A_492 = arith.constant dense<0.000000e+00> : vector<64x64xf32>
    %dot_general3A_493 = tpu.matmul %add3A_452, %mul3A_491, %dot_general3A_492 {dimension_numbers = #tpu.dot_dimension_numbers<[1], [0], [0], [1], [0, 0, 1, 1], [], []>, transpose_lhs_hint = false} : vector<64x64xf32>, vector<64x64xf32>, vector<64x64xf32> -> vector<64x64xf32>
    %mul3A_494 = vector.broadcast %rsqrt3A_456 : vector<64x1xf32> to vector<64x64xf32>
    %mul3A_495 = arith.mulf %mul3A_494, %dot_general3A_493 : vector<64x64xf32>
    %get3A_496 = arith.constant 0 : index
    %get3A_497 = arith.constant 0 : index
    %get3A_498 = vector.load %arg5[%get3A_496, %get3A_497] : memref<1x64xf32, #tpu.memory_space<vmem>>, vector<1x64xf32>
    %add3A_499 = vector.broadcast %get3A_498 : vector<1x64xf32> to vector<64x64xf32>
    %add3A_500 = arith.addf %mul3A_495, %add3A_499 : vector<64x64xf32>
    %ge3A_501 = arith.constant 0.000000e+00 : f32
    %ge3A_502 = vector.broadcast %ge3A_501 : f32 to vector<64x64xf32>
    %ge3A_503 = arith.cmpf oge, %add3A_500, %ge3A_502 : vector<64x64xf32>
    %mul3A_504 = arith.constant 0.00999999977 : f32
    %mul3A_505 = vector.broadcast %mul3A_504 : f32 to vector<64x64xf32>
    %mul3A_506 = arith.mulf %mul3A_505, %add3A_500 : vector<64x64xf32>
    %select_n3A_507 = arith.select %ge3A_503, %add3A_500, %mul3A_506 : vector<64x64xi1>, vector<64x64xf32>
    %dot_general3A_508 = arith.constant dense<0.000000e+00> : vector<1x64xf32>
    %dot_general3A_509 = tpu.matmul %broadcast_in_dim3A_4, %select_n3A_507, %dot_general3A_508 {dimension_numbers = #tpu.dot_dimension_numbers<[1], [0], [0], [1], [0, 0, 1, 1], [], []>, transpose_lhs_hint = false} : vector<1x64xf32>, vector<64x64xf32>, vector<1x64xf32> -> vector<1x64xf32>
    %get3A_510 = arith.constant 8 : index
    %get3A_511 = arith.constant 0 : index
    %get3A_512 = arith.constant 0 : index
    %get3A_513 = arith.constant 0 : index
    %get3A_514 = vector.load %arg1[%get3A_510, %get3A_511, %get3A_512, %get3A_513] : memref<16x1x64x64xf32, #tpu.memory_space<vmem>>, vector<1x1x64x64xf32>
    %get3A_515 = vector.shape_cast %get3A_514 : vector<1x1x64x64xf32> to vector<64x64xf32>
    %add3A_516 = arith.addf %get3A_515, %select_n3A : vector<64x64xf32>
    %reduce_sum3A_517 = arith.constant dense<0.000000e+00> : vector<64xf32>
    %reduce_sum3A_518 = vector.multi_reduction <add>, %add3A_516, %reduce_sum3A_517 [1] : vector<64x64xf32> to vector<64xf32>
    %broadcast_in_dim3A_519 = vector.shape_cast %reduce_sum3A_518 : vector<64xf32> to vector<64x1xf32>
    %rsqrt3A_520 = math.rsqrt %broadcast_in_dim3A_519 : vector<64x1xf32>
    %get3A_521 = arith.constant 8 : index
    %get3A_522 = arith.constant 0 : index
    %get3A_523 = arith.constant 0 : index
    %get3A_524 = vector.load %arg0[%get3A_521, %get3A_522, %get3A_523] : memref<16x64x128xf32, #tpu.memory_space<vmem>>, vector<1x64x128xf32>
    %get3A_525 = vector.shape_cast %get3A_524 : vector<1x64x128xf32> to vector<64x128xf32>
    %get3A_526 = arith.constant 0 : index
    %get3A_527 = arith.constant 0 : index
    %get3A_528 = vector.load %arg2[%get3A_526, %get3A_527] : memref<64x128xf32, #tpu.memory_space<vmem>>, vector<64x128xf32>
    %dot_general3A_529 = arith.constant dense<0.000000e+00> : vector<64x64xf32>
    %dot_general3A_530 = tpu.matmul %get3A_525, %get3A_528, %dot_general3A_529 {dimension_numbers = #tpu.dot_dimension_numbers<[1], [1], [0], [0], [0, 0, 1, 0], [], []>, transpose_lhs_hint = false} : vector<64x128xf32>, vector<64x128xf32>, vector<64x64xf32> -> vector<64x64xf32>
    %mul3A_531 = vector.broadcast %rsqrt3A_520 : vector<64x1xf32> to vector<64x64xf32>
    %mul3A_532 = arith.mulf %mul3A_531, %dot_general3A_530 : vector<64x64xf32>
    %dot_general3A_533 = arith.constant dense<0.000000e+00> : vector<64x64xf32>
    %dot_general3A_534 = tpu.matmul %add3A_516, %mul3A_532, %dot_general3A_533 {dimension_numbers = #tpu.dot_dimension_numbers<[1], [0], [0], [1], [0, 0, 1, 1], [], []>, transpose_lhs_hint = false} : vector<64x64xf32>, vector<64x64xf32>, vector<64x64xf32> -> vector<64x64xf32>
    %mul3A_535 = vector.broadcast %rsqrt3A_520 : vector<64x1xf32> to vector<64x64xf32>
    %mul3A_536 = arith.mulf %mul3A_535, %dot_general3A_534 : vector<64x64xf32>
    %get3A_537 = arith.constant 0 : index
    %get3A_538 = arith.constant 0 : index
    %get3A_539 = vector.load %arg3[%get3A_537, %get3A_538] : memref<1x64xf32, #tpu.memory_space<vmem>>, vector<1x64xf32>
    %add3A_540 = vector.broadcast %get3A_539 : vector<1x64xf32> to vector<64x64xf32>
    %add3A_541 = arith.addf %mul3A_536, %add3A_540 : vector<64x64xf32>
    %ge3A_542 = arith.constant 0.000000e+00 : f32
    %ge3A_543 = vector.broadcast %ge3A_542 : f32 to vector<64x64xf32>
    %ge3A_544 = arith.cmpf oge, %add3A_541, %ge3A_543 : vector<64x64xf32>
    %mul3A_545 = arith.constant 0.00999999977 : f32
    %mul3A_546 = vector.broadcast %mul3A_545 : f32 to vector<64x64xf32>
    %mul3A_547 = arith.mulf %mul3A_546, %add3A_541 : vector<64x64xf32>
    %select_n3A_548 = arith.select %ge3A_544, %add3A_541, %mul3A_547 : vector<64x64xi1>, vector<64x64xf32>
    %get3A_549 = arith.constant 0 : index
    %get3A_550 = arith.constant 0 : index
    %get3A_551 = vector.load %arg4[%get3A_549, %get3A_550] : memref<64x64xf32, #tpu.memory_space<vmem>>, vector<64x64xf32>
    %dot_general3A_552 = arith.constant dense<0.000000e+00> : vector<64x64xf32>
    %dot_general3A_553 = tpu.matmul %select_n3A_548, %get3A_551, %dot_general3A_552 {dimension_numbers = #tpu.dot_dimension_numbers<[1], [1], [0], [0], [0, 0, 1, 0], [], []>, transpose_lhs_hint = false} : vector<64x64xf32>, vector<64x64xf32>, vector<64x64xf32> -> vector<64x64xf32>
    %mul3A_554 = vector.broadcast %rsqrt3A_520 : vector<64x1xf32> to vector<64x64xf32>
    %mul3A_555 = arith.mulf %mul3A_554, %dot_general3A_553 : vector<64x64xf32>
    %dot_general3A_556 = arith.constant dense<0.000000e+00> : vector<64x64xf32>
    %dot_general3A_557 = tpu.matmul %add3A_516, %mul3A_555, %dot_general3A_556 {dimension_numbers = #tpu.dot_dimension_numbers<[1], [0], [0], [1], [0, 0, 1, 1], [], []>, transpose_lhs_hint = false} : vector<64x64xf32>, vector<64x64xf32>, vector<64x64xf32> -> vector<64x64xf32>
    %mul3A_558 = vector.broadcast %rsqrt3A_520 : vector<64x1xf32> to vector<64x64xf32>
    %mul3A_559 = arith.mulf %mul3A_558, %dot_general3A_557 : vector<64x64xf32>
    %get3A_560 = arith.constant 0 : index
    %get3A_561 = arith.constant 0 : index
    %get3A_562 = vector.load %arg5[%get3A_560, %get3A_561] : memref<1x64xf32, #tpu.memory_space<vmem>>, vector<1x64xf32>
    %add3A_563 = vector.broadcast %get3A_562 : vector<1x64xf32> to vector<64x64xf32>
    %add3A_564 = arith.addf %mul3A_559, %add3A_563 : vector<64x64xf32>
    %ge3A_565 = arith.constant 0.000000e+00 : f32
    %ge3A_566 = vector.broadcast %ge3A_565 : f32 to vector<64x64xf32>
    %ge3A_567 = arith.cmpf oge, %add3A_564, %ge3A_566 : vector<64x64xf32>
    %mul3A_568 = arith.constant 0.00999999977 : f32
    %mul3A_569 = vector.broadcast %mul3A_568 : f32 to vector<64x64xf32>
    %mul3A_570 = arith.mulf %mul3A_569, %add3A_564 : vector<64x64xf32>
    %select_n3A_571 = arith.select %ge3A_567, %add3A_564, %mul3A_570 : vector<64x64xi1>, vector<64x64xf32>
    %dot_general3A_572 = arith.constant dense<0.000000e+00> : vector<1x64xf32>
    %dot_general3A_573 = tpu.matmul %broadcast_in_dim3A_4, %select_n3A_571, %dot_general3A_572 {dimension_numbers = #tpu.dot_dimension_numbers<[1], [0], [0], [1], [0, 0, 1, 1], [], []>, transpose_lhs_hint = false} : vector<1x64xf32>, vector<64x64xf32>, vector<1x64xf32> -> vector<1x64xf32>
    %get3A_574 = arith.constant 9 : index
    %get3A_575 = arith.constant 0 : index
    %get3A_576 = arith.constant 0 : index
    %get3A_577 = arith.constant 0 : index
    %get3A_578 = vector.load %arg1[%get3A_574, %get3A_575, %get3A_576, %get3A_577] : memref<16x1x64x64xf32, #tpu.memory_space<vmem>>, vector<1x1x64x64xf32>
    %get3A_579 = vector.shape_cast %get3A_578 : vector<1x1x64x64xf32> to vector<64x64xf32>
    %add3A_580 = arith.addf %get3A_579, %select_n3A : vector<64x64xf32>
    %reduce_sum3A_581 = arith.constant dense<0.000000e+00> : vector<64xf32>
    %reduce_sum3A_582 = vector.multi_reduction <add>, %add3A_580, %reduce_sum3A_581 [1] : vector<64x64xf32> to vector<64xf32>
    %broadcast_in_dim3A_583 = vector.shape_cast %reduce_sum3A_582 : vector<64xf32> to vector<64x1xf32>
    %rsqrt3A_584 = math.rsqrt %broadcast_in_dim3A_583 : vector<64x1xf32>
    %get3A_585 = arith.constant 9 : index
    %get3A_586 = arith.constant 0 : index
    %get3A_587 = arith.constant 0 : index
    %get3A_588 = vector.load %arg0[%get3A_585, %get3A_586, %get3A_587] : memref<16x64x128xf32, #tpu.memory_space<vmem>>, vector<1x64x128xf32>
    %get3A_589 = vector.shape_cast %get3A_588 : vector<1x64x128xf32> to vector<64x128xf32>
    %get3A_590 = arith.constant 0 : index
    %get3A_591 = arith.constant 0 : index
    %get3A_592 = vector.load %arg2[%get3A_590, %get3A_591] : memref<64x128xf32, #tpu.memory_space<vmem>>, vector<64x128xf32>
    %dot_general3A_593 = arith.constant dense<0.000000e+00> : vector<64x64xf32>
    %dot_general3A_594 = tpu.matmul %get3A_589, %get3A_592, %dot_general3A_593 {dimension_numbers = #tpu.dot_dimension_numbers<[1], [1], [0], [0], [0, 0, 1, 0], [], []>, transpose_lhs_hint = false} : vector<64x128xf32>, vector<64x128xf32>, vector<64x64xf32> -> vector<64x64xf32>
    %mul3A_595 = vector.broadcast %rsqrt3A_584 : vector<64x1xf32> to vector<64x64xf32>
    %mul3A_596 = arith.mulf %mul3A_595, %dot_general3A_594 : vector<64x64xf32>
    %dot_general3A_597 = arith.constant dense<0.000000e+00> : vector<64x64xf32>
    %dot_general3A_598 = tpu.matmul %add3A_580, %mul3A_596, %dot_general3A_597 {dimension_numbers = #tpu.dot_dimension_numbers<[1], [0], [0], [1], [0, 0, 1, 1], [], []>, transpose_lhs_hint = false} : vector<64x64xf32>, vector<64x64xf32>, vector<64x64xf32> -> vector<64x64xf32>
    %mul3A_599 = vector.broadcast %rsqrt3A_584 : vector<64x1xf32> to vector<64x64xf32>
    %mul3A_600 = arith.mulf %mul3A_599, %dot_general3A_598 : vector<64x64xf32>
    %get3A_601 = arith.constant 0 : index
    %get3A_602 = arith.constant 0 : index
    %get3A_603 = vector.load %arg3[%get3A_601, %get3A_602] : memref<1x64xf32, #tpu.memory_space<vmem>>, vector<1x64xf32>
    %add3A_604 = vector.broadcast %get3A_603 : vector<1x64xf32> to vector<64x64xf32>
    %add3A_605 = arith.addf %mul3A_600, %add3A_604 : vector<64x64xf32>
    %ge3A_606 = arith.constant 0.000000e+00 : f32
    %ge3A_607 = vector.broadcast %ge3A_606 : f32 to vector<64x64xf32>
    %ge3A_608 = arith.cmpf oge, %add3A_605, %ge3A_607 : vector<64x64xf32>
    %mul3A_609 = arith.constant 0.00999999977 : f32
    %mul3A_610 = vector.broadcast %mul3A_609 : f32 to vector<64x64xf32>
    %mul3A_611 = arith.mulf %mul3A_610, %add3A_605 : vector<64x64xf32>
    %select_n3A_612 = arith.select %ge3A_608, %add3A_605, %mul3A_611 : vector<64x64xi1>, vector<64x64xf32>
    %get3A_613 = arith.constant 0 : index
    %get3A_614 = arith.constant 0 : index
    %get3A_615 = vector.load %arg4[%get3A_613, %get3A_614] : memref<64x64xf32, #tpu.memory_space<vmem>>, vector<64x64xf32>
    %dot_general3A_616 = arith.constant dense<0.000000e+00> : vector<64x64xf32>
    %dot_general3A_617 = tpu.matmul %select_n3A_612, %get3A_615, %dot_general3A_616 {dimension_numbers = #tpu.dot_dimension_numbers<[1], [1], [0], [0], [0, 0, 1, 0], [], []>, transpose_lhs_hint = false} : vector<64x64xf32>, vector<64x64xf32>, vector<64x64xf32> -> vector<64x64xf32>
    %mul3A_618 = vector.broadcast %rsqrt3A_584 : vector<64x1xf32> to vector<64x64xf32>
    %mul3A_619 = arith.mulf %mul3A_618, %dot_general3A_617 : vector<64x64xf32>
    %dot_general3A_620 = arith.constant dense<0.000000e+00> : vector<64x64xf32>
    %dot_general3A_621 = tpu.matmul %add3A_580, %mul3A_619, %dot_general3A_620 {dimension_numbers = #tpu.dot_dimension_numbers<[1], [0], [0], [1], [0, 0, 1, 1], [], []>, transpose_lhs_hint = false} : vector<64x64xf32>, vector<64x64xf32>, vector<64x64xf32> -> vector<64x64xf32>
    %mul3A_622 = vector.broadcast %rsqrt3A_584 : vector<64x1xf32> to vector<64x64xf32>
    %mul3A_623 = arith.mulf %mul3A_622, %dot_general3A_621 : vector<64x64xf32>
    %get3A_624 = arith.constant 0 : index
    %get3A_625 = arith.constant 0 : index
    %get3A_626 = vector.load %arg5[%get3A_624, %get3A_625] : memref<1x64xf32, #tpu.memory_space<vmem>>, vector<1x64xf32>
    %add3A_627 = vector.broadcast %get3A_626 : vector<1x64xf32> to vector<64x64xf32>
    %add3A_628 = arith.addf %mul3A_623, %add3A_627 : vector<64x64xf32>
    %ge3A_629 = arith.constant 0.000000e+00 : f32
    %ge3A_630 = vector.broadcast %ge3A_629 : f32 to vector<64x64xf32>
    %ge3A_631 = arith.cmpf oge, %add3A_628, %ge3A_630 : vector<64x64xf32>
    %mul3A_632 = arith.constant 0.00999999977 : f32
    %mul3A_633 = vector.broadcast %mul3A_632 : f32 to vector<64x64xf32>
    %mul3A_634 = arith.mulf %mul3A_633, %add3A_628 : vector<64x64xf32>
    %select_n3A_635 = arith.select %ge3A_631, %add3A_628, %mul3A_634 : vector<64x64xi1>, vector<64x64xf32>
    %dot_general3A_636 = arith.constant dense<0.000000e+00> : vector<1x64xf32>
    %dot_general3A_637 = tpu.matmul %broadcast_in_dim3A_4, %select_n3A_635, %dot_general3A_636 {dimension_numbers = #tpu.dot_dimension_numbers<[1], [0], [0], [1], [0, 0, 1, 1], [], []>, transpose_lhs_hint = false} : vector<1x64xf32>, vector<64x64xf32>, vector<1x64xf32> -> vector<1x64xf32>
    %get3A_638 = arith.constant 10 : index
    %get3A_639 = arith.constant 0 : index
    %get3A_640 = arith.constant 0 : index
    %get3A_641 = arith.constant 0 : index
    %get3A_642 = vector.load %arg1[%get3A_638, %get3A_639, %get3A_640, %get3A_641] : memref<16x1x64x64xf32, #tpu.memory_space<vmem>>, vector<1x1x64x64xf32>
    %get3A_643 = vector.shape_cast %get3A_642 : vector<1x1x64x64xf32> to vector<64x64xf32>
    %add3A_644 = arith.addf %get3A_643, %select_n3A : vector<64x64xf32>
    %reduce_sum3A_645 = arith.constant dense<0.000000e+00> : vector<64xf32>
    %reduce_sum3A_646 = vector.multi_reduction <add>, %add3A_644, %reduce_sum3A_645 [1] : vector<64x64xf32> to vector<64xf32>
    %broadcast_in_dim3A_647 = vector.shape_cast %reduce_sum3A_646 : vector<64xf32> to vector<64x1xf32>
    %rsqrt3A_648 = math.rsqrt %broadcast_in_dim3A_647 : vector<64x1xf32>
    %get3A_649 = arith.constant 10 : index
    %get3A_650 = arith.constant 0 : index
    %get3A_651 = arith.constant 0 : index
    %get3A_652 = vector.load %arg0[%get3A_649, %get3A_650, %get3A_651] : memref<16x64x128xf32, #tpu.memory_space<vmem>>, vector<1x64x128xf32>
    %get3A_653 = vector.shape_cast %get3A_652 : vector<1x64x128xf32> to vector<64x128xf32>
    %get3A_654 = arith.constant 0 : index
    %get3A_655 = arith.constant 0 : index
    %get3A_656 = vector.load %arg2[%get3A_654, %get3A_655] : memref<64x128xf32, #tpu.memory_space<vmem>>, vector<64x128xf32>
    %dot_general3A_657 = arith.constant dense<0.000000e+00> : vector<64x64xf32>
    %dot_general3A_658 = tpu.matmul %get3A_653, %get3A_656, %dot_general3A_657 {dimension_numbers = #tpu.dot_dimension_numbers<[1], [1], [0], [0], [0, 0, 1, 0], [], []>, transpose_lhs_hint = false} : vector<64x128xf32>, vector<64x128xf32>, vector<64x64xf32> -> vector<64x64xf32>
    %mul3A_659 = vector.broadcast %rsqrt3A_648 : vector<64x1xf32> to vector<64x64xf32>
    %mul3A_660 = arith.mulf %mul3A_659, %dot_general3A_658 : vector<64x64xf32>
    %dot_general3A_661 = arith.constant dense<0.000000e+00> : vector<64x64xf32>
    %dot_general3A_662 = tpu.matmul %add3A_644, %mul3A_660, %dot_general3A_661 {dimension_numbers = #tpu.dot_dimension_numbers<[1], [0], [0], [1], [0, 0, 1, 1], [], []>, transpose_lhs_hint = false} : vector<64x64xf32>, vector<64x64xf32>, vector<64x64xf32> -> vector<64x64xf32>
    %mul3A_663 = vector.broadcast %rsqrt3A_648 : vector<64x1xf32> to vector<64x64xf32>
    %mul3A_664 = arith.mulf %mul3A_663, %dot_general3A_662 : vector<64x64xf32>
    %get3A_665 = arith.constant 0 : index
    %get3A_666 = arith.constant 0 : index
    %get3A_667 = vector.load %arg3[%get3A_665, %get3A_666] : memref<1x64xf32, #tpu.memory_space<vmem>>, vector<1x64xf32>
    %add3A_668 = vector.broadcast %get3A_667 : vector<1x64xf32> to vector<64x64xf32>
    %add3A_669 = arith.addf %mul3A_664, %add3A_668 : vector<64x64xf32>
    %ge3A_670 = arith.constant 0.000000e+00 : f32
    %ge3A_671 = vector.broadcast %ge3A_670 : f32 to vector<64x64xf32>
    %ge3A_672 = arith.cmpf oge, %add3A_669, %ge3A_671 : vector<64x64xf32>
    %mul3A_673 = arith.constant 0.00999999977 : f32
    %mul3A_674 = vector.broadcast %mul3A_673 : f32 to vector<64x64xf32>
    %mul3A_675 = arith.mulf %mul3A_674, %add3A_669 : vector<64x64xf32>
    %select_n3A_676 = arith.select %ge3A_672, %add3A_669, %mul3A_675 : vector<64x64xi1>, vector<64x64xf32>
    %get3A_677 = arith.constant 0 : index
    %get3A_678 = arith.constant 0 : index
    %get3A_679 = vector.load %arg4[%get3A_677, %get3A_678] : memref<64x64xf32, #tpu.memory_space<vmem>>, vector<64x64xf32>
    %dot_general3A_680 = arith.constant dense<0.000000e+00> : vector<64x64xf32>
    %dot_general3A_681 = tpu.matmul %select_n3A_676, %get3A_679, %dot_general3A_680 {dimension_numbers = #tpu.dot_dimension_numbers<[1], [1], [0], [0], [0, 0, 1, 0], [], []>, transpose_lhs_hint = false} : vector<64x64xf32>, vector<64x64xf32>, vector<64x64xf32> -> vector<64x64xf32>
    %mul3A_682 = vector.broadcast %rsqrt3A_648 : vector<64x1xf32> to vector<64x64xf32>
    %mul3A_683 = arith.mulf %mul3A_682, %dot_general3A_681 : vector<64x64xf32>
    %dot_general3A_684 = arith.constant dense<0.000000e+00> : vector<64x64xf32>
    %dot_general3A_685 = tpu.matmul %add3A_644, %mul3A_683, %dot_general3A_684 {dimension_numbers = #tpu.dot_dimension_numbers<[1], [0], [0], [1], [0, 0, 1, 1], [], []>, transpose_lhs_hint = false} : vector<64x64xf32>, vector<64x64xf32>, vector<64x64xf32> -> vector<64x64xf32>
    %mul3A_686 = vector.broadcast %rsqrt3A_648 : vector<64x1xf32> to vector<64x64xf32>
    %mul3A_687 = arith.mulf %mul3A_686, %dot_general3A_685 : vector<64x64xf32>
    %get3A_688 = arith.constant 0 : index
    %get3A_689 = arith.constant 0 : index
    %get3A_690 = vector.load %arg5[%get3A_688, %get3A_689] : memref<1x64xf32, #tpu.memory_space<vmem>>, vector<1x64xf32>
    %add3A_691 = vector.broadcast %get3A_690 : vector<1x64xf32> to vector<64x64xf32>
    %add3A_692 = arith.addf %mul3A_687, %add3A_691 : vector<64x64xf32>
    %ge3A_693 = arith.constant 0.000000e+00 : f32
    %ge3A_694 = vector.broadcast %ge3A_693 : f32 to vector<64x64xf32>
    %ge3A_695 = arith.cmpf oge, %add3A_692, %ge3A_694 : vector<64x64xf32>
    %mul3A_696 = arith.constant 0.00999999977 : f32
    %mul3A_697 = vector.broadcast %mul3A_696 : f32 to vector<64x64xf32>
    %mul3A_698 = arith.mulf %mul3A_697, %add3A_692 : vector<64x64xf32>
    %select_n3A_699 = arith.select %ge3A_695, %add3A_692, %mul3A_698 : vector<64x64xi1>, vector<64x64xf32>
    %dot_general3A_700 = arith.constant dense<0.000000e+00> : vector<1x64xf32>
    %dot_general3A_701 = tpu.matmul %broadcast_in_dim3A_4, %select_n3A_699, %dot_general3A_700 {dimension_numbers = #tpu.dot_dimension_numbers<[1], [0], [0], [1], [0, 0, 1, 1], [], []>, transpose_lhs_hint = false} : vector<1x64xf32>, vector<64x64xf32>, vector<1x64xf32> -> vector<1x64xf32>
    %get3A_702 = arith.constant 11 : index
    %get3A_703 = arith.constant 0 : index
    %get3A_704 = arith.constant 0 : index
    %get3A_705 = arith.constant 0 : index
    %get3A_706 = vector.load %arg1[%get3A_702, %get3A_703, %get3A_704, %get3A_705] : memref<16x1x64x64xf32, #tpu.memory_space<vmem>>, vector<1x1x64x64xf32>
    %get3A_707 = vector.shape_cast %get3A_706 : vector<1x1x64x64xf32> to vector<64x64xf32>
    %add3A_708 = arith.addf %get3A_707, %select_n3A : vector<64x64xf32>
    %reduce_sum3A_709 = arith.constant dense<0.000000e+00> : vector<64xf32>
    %reduce_sum3A_710 = vector.multi_reduction <add>, %add3A_708, %reduce_sum3A_709 [1] : vector<64x64xf32> to vector<64xf32>
    %broadcast_in_dim3A_711 = vector.shape_cast %reduce_sum3A_710 : vector<64xf32> to vector<64x1xf32>
    %rsqrt3A_712 = math.rsqrt %broadcast_in_dim3A_711 : vector<64x1xf32>
    %get3A_713 = arith.constant 11 : index
    %get3A_714 = arith.constant 0 : index
    %get3A_715 = arith.constant 0 : index
    %get3A_716 = vector.load %arg0[%get3A_713, %get3A_714, %get3A_715] : memref<16x64x128xf32, #tpu.memory_space<vmem>>, vector<1x64x128xf32>
    %get3A_717 = vector.shape_cast %get3A_716 : vector<1x64x128xf32> to vector<64x128xf32>
    %get3A_718 = arith.constant 0 : index
    %get3A_719 = arith.constant 0 : index
    %get3A_720 = vector.load %arg2[%get3A_718, %get3A_719] : memref<64x128xf32, #tpu.memory_space<vmem>>, vector<64x128xf32>
    %dot_general3A_721 = arith.constant dense<0.000000e+00> : vector<64x64xf32>
    %dot_general3A_722 = tpu.matmul %get3A_717, %get3A_720, %dot_general3A_721 {dimension_numbers = #tpu.dot_dimension_numbers<[1], [1], [0], [0], [0, 0, 1, 0], [], []>, transpose_lhs_hint = false} : vector<64x128xf32>, vector<64x128xf32>, vector<64x64xf32> -> vector<64x64xf32>
    %mul3A_723 = vector.broadcast %rsqrt3A_712 : vector<64x1xf32> to vector<64x64xf32>
    %mul3A_724 = arith.mulf %mul3A_723, %dot_general3A_722 : vector<64x64xf32>
    %dot_general3A_725 = arith.constant dense<0.000000e+00> : vector<64x64xf32>
    %dot_general3A_726 = tpu.matmul %add3A_708, %mul3A_724, %dot_general3A_725 {dimension_numbers = #tpu.dot_dimension_numbers<[1], [0], [0], [1], [0, 0, 1, 1], [], []>, transpose_lhs_hint = false} : vector<64x64xf32>, vector<64x64xf32>, vector<64x64xf32> -> vector<64x64xf32>
    %mul3A_727 = vector.broadcast %rsqrt3A_712 : vector<64x1xf32> to vector<64x64xf32>
    %mul3A_728 = arith.mulf %mul3A_727, %dot_general3A_726 : vector<64x64xf32>
    %get3A_729 = arith.constant 0 : index
    %get3A_730 = arith.constant 0 : index
    %get3A_731 = vector.load %arg3[%get3A_729, %get3A_730] : memref<1x64xf32, #tpu.memory_space<vmem>>, vector<1x64xf32>
    %add3A_732 = vector.broadcast %get3A_731 : vector<1x64xf32> to vector<64x64xf32>
    %add3A_733 = arith.addf %mul3A_728, %add3A_732 : vector<64x64xf32>
    %ge3A_734 = arith.constant 0.000000e+00 : f32
    %ge3A_735 = vector.broadcast %ge3A_734 : f32 to vector<64x64xf32>
    %ge3A_736 = arith.cmpf oge, %add3A_733, %ge3A_735 : vector<64x64xf32>
    %mul3A_737 = arith.constant 0.00999999977 : f32
    %mul3A_738 = vector.broadcast %mul3A_737 : f32 to vector<64x64xf32>
    %mul3A_739 = arith.mulf %mul3A_738, %add3A_733 : vector<64x64xf32>
    %select_n3A_740 = arith.select %ge3A_736, %add3A_733, %mul3A_739 : vector<64x64xi1>, vector<64x64xf32>
    %get3A_741 = arith.constant 0 : index
    %get3A_742 = arith.constant 0 : index
    %get3A_743 = vector.load %arg4[%get3A_741, %get3A_742] : memref<64x64xf32, #tpu.memory_space<vmem>>, vector<64x64xf32>
    %dot_general3A_744 = arith.constant dense<0.000000e+00> : vector<64x64xf32>
    %dot_general3A_745 = tpu.matmul %select_n3A_740, %get3A_743, %dot_general3A_744 {dimension_numbers = #tpu.dot_dimension_numbers<[1], [1], [0], [0], [0, 0, 1, 0], [], []>, transpose_lhs_hint = false} : vector<64x64xf32>, vector<64x64xf32>, vector<64x64xf32> -> vector<64x64xf32>
    %mul3A_746 = vector.broadcast %rsqrt3A_712 : vector<64x1xf32> to vector<64x64xf32>
    %mul3A_747 = arith.mulf %mul3A_746, %dot_general3A_745 : vector<64x64xf32>
    %dot_general3A_748 = arith.constant dense<0.000000e+00> : vector<64x64xf32>
    %dot_general3A_749 = tpu.matmul %add3A_708, %mul3A_747, %dot_general3A_748 {dimension_numbers = #tpu.dot_dimension_numbers<[1], [0], [0], [1], [0, 0, 1, 1], [], []>, transpose_lhs_hint = false} : vector<64x64xf32>, vector<64x64xf32>, vector<64x64xf32> -> vector<64x64xf32>
    %mul3A_750 = vector.broadcast %rsqrt3A_712 : vector<64x1xf32> to vector<64x64xf32>
    %mul3A_751 = arith.mulf %mul3A_750, %dot_general3A_749 : vector<64x64xf32>
    %get3A_752 = arith.constant 0 : index
    %get3A_753 = arith.constant 0 : index
    %get3A_754 = vector.load %arg5[%get3A_752, %get3A_753] : memref<1x64xf32, #tpu.memory_space<vmem>>, vector<1x64xf32>
    %add3A_755 = vector.broadcast %get3A_754 : vector<1x64xf32> to vector<64x64xf32>
    %add3A_756 = arith.addf %mul3A_751, %add3A_755 : vector<64x64xf32>
    %ge3A_757 = arith.constant 0.000000e+00 : f32
    %ge3A_758 = vector.broadcast %ge3A_757 : f32 to vector<64x64xf32>
    %ge3A_759 = arith.cmpf oge, %add3A_756, %ge3A_758 : vector<64x64xf32>
    %mul3A_760 = arith.constant 0.00999999977 : f32
    %mul3A_761 = vector.broadcast %mul3A_760 : f32 to vector<64x64xf32>
    %mul3A_762 = arith.mulf %mul3A_761, %add3A_756 : vector<64x64xf32>
    %select_n3A_763 = arith.select %ge3A_759, %add3A_756, %mul3A_762 : vector<64x64xi1>, vector<64x64xf32>
    %dot_general3A_764 = arith.constant dense<0.000000e+00> : vector<1x64xf32>
    %dot_general3A_765 = tpu.matmul %broadcast_in_dim3A_4, %select_n3A_763, %dot_general3A_764 {dimension_numbers = #tpu.dot_dimension_numbers<[1], [0], [0], [1], [0, 0, 1, 1], [], []>, transpose_lhs_hint = false} : vector<1x64xf32>, vector<64x64xf32>, vector<1x64xf32> -> vector<1x64xf32>
    %get3A_766 = arith.constant 12 : index
    %get3A_767 = arith.constant 0 : index
    %get3A_768 = arith.constant 0 : index
    %get3A_769 = arith.constant 0 : index
    %get3A_770 = vector.load %arg1[%get3A_766, %get3A_767, %get3A_768, %get3A_769] : memref<16x1x64x64xf32, #tpu.memory_space<vmem>>, vector<1x1x64x64xf32>
    %get3A_771 = vector.shape_cast %get3A_770 : vector<1x1x64x64xf32> to vector<64x64xf32>
    %add3A_772 = arith.addf %get3A_771, %select_n3A : vector<64x64xf32>
    %reduce_sum3A_773 = arith.constant dense<0.000000e+00> : vector<64xf32>
    %reduce_sum3A_774 = vector.multi_reduction <add>, %add3A_772, %reduce_sum3A_773 [1] : vector<64x64xf32> to vector<64xf32>
    %broadcast_in_dim3A_775 = vector.shape_cast %reduce_sum3A_774 : vector<64xf32> to vector<64x1xf32>
    %rsqrt3A_776 = math.rsqrt %broadcast_in_dim3A_775 : vector<64x1xf32>
    %get3A_777 = arith.constant 12 : index
    %get3A_778 = arith.constant 0 : index
    %get3A_779 = arith.constant 0 : index
    %get3A_780 = vector.load %arg0[%get3A_777, %get3A_778, %get3A_779] : memref<16x64x128xf32, #tpu.memory_space<vmem>>, vector<1x64x128xf32>
    %get3A_781 = vector.shape_cast %get3A_780 : vector<1x64x128xf32> to vector<64x128xf32>
    %get3A_782 = arith.constant 0 : index
    %get3A_783 = arith.constant 0 : index
    %get3A_784 = vector.load %arg2[%get3A_782, %get3A_783] : memref<64x128xf32, #tpu.memory_space<vmem>>, vector<64x128xf32>
    %dot_general3A_785 = arith.constant dense<0.000000e+00> : vector<64x64xf32>
    %dot_general3A_786 = tpu.matmul %get3A_781, %get3A_784, %dot_general3A_785 {dimension_numbers = #tpu.dot_dimension_numbers<[1], [1], [0], [0], [0, 0, 1, 0], [], []>, transpose_lhs_hint = false} : vector<64x128xf32>, vector<64x128xf32>, vector<64x64xf32> -> vector<64x64xf32>
    %mul3A_787 = vector.broadcast %rsqrt3A_776 : vector<64x1xf32> to vector<64x64xf32>
    %mul3A_788 = arith.mulf %mul3A_787, %dot_general3A_786 : vector<64x64xf32>
    %dot_general3A_789 = arith.constant dense<0.000000e+00> : vector<64x64xf32>
    %dot_general3A_790 = tpu.matmul %add3A_772, %mul3A_788, %dot_general3A_789 {dimension_numbers = #tpu.dot_dimension_numbers<[1], [0], [0], [1], [0, 0, 1, 1], [], []>, transpose_lhs_hint = false} : vector<64x64xf32>, vector<64x64xf32>, vector<64x64xf32> -> vector<64x64xf32>
    %mul3A_791 = vector.broadcast %rsqrt3A_776 : vector<64x1xf32> to vector<64x64xf32>
    %mul3A_792 = arith.mulf %mul3A_791, %dot_general3A_790 : vector<64x64xf32>
    %get3A_793 = arith.constant 0 : index
    %get3A_794 = arith.constant 0 : index
    %get3A_795 = vector.load %arg3[%get3A_793, %get3A_794] : memref<1x64xf32, #tpu.memory_space<vmem>>, vector<1x64xf32>
    %add3A_796 = vector.broadcast %get3A_795 : vector<1x64xf32> to vector<64x64xf32>
    %add3A_797 = arith.addf %mul3A_792, %add3A_796 : vector<64x64xf32>
    %ge3A_798 = arith.constant 0.000000e+00 : f32
    %ge3A_799 = vector.broadcast %ge3A_798 : f32 to vector<64x64xf32>
    %ge3A_800 = arith.cmpf oge, %add3A_797, %ge3A_799 : vector<64x64xf32>
    %mul3A_801 = arith.constant 0.00999999977 : f32
    %mul3A_802 = vector.broadcast %mul3A_801 : f32 to vector<64x64xf32>
    %mul3A_803 = arith.mulf %mul3A_802, %add3A_797 : vector<64x64xf32>
    %select_n3A_804 = arith.select %ge3A_800, %add3A_797, %mul3A_803 : vector<64x64xi1>, vector<64x64xf32>
    %get3A_805 = arith.constant 0 : index
    %get3A_806 = arith.constant 0 : index
    %get3A_807 = vector.load %arg4[%get3A_805, %get3A_806] : memref<64x64xf32, #tpu.memory_space<vmem>>, vector<64x64xf32>
    %dot_general3A_808 = arith.constant dense<0.000000e+00> : vector<64x64xf32>
    %dot_general3A_809 = tpu.matmul %select_n3A_804, %get3A_807, %dot_general3A_808 {dimension_numbers = #tpu.dot_dimension_numbers<[1], [1], [0], [0], [0, 0, 1, 0], [], []>, transpose_lhs_hint = false} : vector<64x64xf32>, vector<64x64xf32>, vector<64x64xf32> -> vector<64x64xf32>
    %mul3A_810 = vector.broadcast %rsqrt3A_776 : vector<64x1xf32> to vector<64x64xf32>
    %mul3A_811 = arith.mulf %mul3A_810, %dot_general3A_809 : vector<64x64xf32>
    %dot_general3A_812 = arith.constant dense<0.000000e+00> : vector<64x64xf32>
    %dot_general3A_813 = tpu.matmul %add3A_772, %mul3A_811, %dot_general3A_812 {dimension_numbers = #tpu.dot_dimension_numbers<[1], [0], [0], [1], [0, 0, 1, 1], [], []>, transpose_lhs_hint = false} : vector<64x64xf32>, vector<64x64xf32>, vector<64x64xf32> -> vector<64x64xf32>
    %mul3A_814 = vector.broadcast %rsqrt3A_776 : vector<64x1xf32> to vector<64x64xf32>
    %mul3A_815 = arith.mulf %mul3A_814, %dot_general3A_813 : vector<64x64xf32>
    %get3A_816 = arith.constant 0 : index
    %get3A_817 = arith.constant 0 : index
    %get3A_818 = vector.load %arg5[%get3A_816, %get3A_817] : memref<1x64xf32, #tpu.memory_space<vmem>>, vector<1x64xf32>
    %add3A_819 = vector.broadcast %get3A_818 : vector<1x64xf32> to vector<64x64xf32>
    %add3A_820 = arith.addf %mul3A_815, %add3A_819 : vector<64x64xf32>
    %ge3A_821 = arith.constant 0.000000e+00 : f32
    %ge3A_822 = vector.broadcast %ge3A_821 : f32 to vector<64x64xf32>
    %ge3A_823 = arith.cmpf oge, %add3A_820, %ge3A_822 : vector<64x64xf32>
    %mul3A_824 = arith.constant 0.00999999977 : f32
    %mul3A_825 = vector.broadcast %mul3A_824 : f32 to vector<64x64xf32>
    %mul3A_826 = arith.mulf %mul3A_825, %add3A_820 : vector<64x64xf32>
    %select_n3A_827 = arith.select %ge3A_823, %add3A_820, %mul3A_826 : vector<64x64xi1>, vector<64x64xf32>
    %dot_general3A_828 = arith.constant dense<0.000000e+00> : vector<1x64xf32>
    %dot_general3A_829 = tpu.matmul %broadcast_in_dim3A_4, %select_n3A_827, %dot_general3A_828 {dimension_numbers = #tpu.dot_dimension_numbers<[1], [0], [0], [1], [0, 0, 1, 1], [], []>, transpose_lhs_hint = false} : vector<1x64xf32>, vector<64x64xf32>, vector<1x64xf32> -> vector<1x64xf32>
    %get3A_830 = arith.constant 13 : index
    %get3A_831 = arith.constant 0 : index
    %get3A_832 = arith.constant 0 : index
    %get3A_833 = arith.constant 0 : index
    %get3A_834 = vector.load %arg1[%get3A_830, %get3A_831, %get3A_832, %get3A_833] : memref<16x1x64x64xf32, #tpu.memory_space<vmem>>, vector<1x1x64x64xf32>
    %get3A_835 = vector.shape_cast %get3A_834 : vector<1x1x64x64xf32> to vector<64x64xf32>
    %add3A_836 = arith.addf %get3A_835, %select_n3A : vector<64x64xf32>
    %reduce_sum3A_837 = arith.constant dense<0.000000e+00> : vector<64xf32>
    %reduce_sum3A_838 = vector.multi_reduction <add>, %add3A_836, %reduce_sum3A_837 [1] : vector<64x64xf32> to vector<64xf32>
    %broadcast_in_dim3A_839 = vector.shape_cast %reduce_sum3A_838 : vector<64xf32> to vector<64x1xf32>
    %rsqrt3A_840 = math.rsqrt %broadcast_in_dim3A_839 : vector<64x1xf32>
    %get3A_841 = arith.constant 13 : index
    %get3A_842 = arith.constant 0 : index
    %get3A_843 = arith.constant 0 : index
    %get3A_844 = vector.load %arg0[%get3A_841, %get3A_842, %get3A_843] : memref<16x64x128xf32, #tpu.memory_space<vmem>>, vector<1x64x128xf32>
    %get3A_845 = vector.shape_cast %get3A_844 : vector<1x64x128xf32> to vector<64x128xf32>
    %get3A_846 = arith.constant 0 : index
    %get3A_847 = arith.constant 0 : index
    %get3A_848 = vector.load %arg2[%get3A_846, %get3A_847] : memref<64x128xf32, #tpu.memory_space<vmem>>, vector<64x128xf32>
    %dot_general3A_849 = arith.constant dense<0.000000e+00> : vector<64x64xf32>
    %dot_general3A_850 = tpu.matmul %get3A_845, %get3A_848, %dot_general3A_849 {dimension_numbers = #tpu.dot_dimension_numbers<[1], [1], [0], [0], [0, 0, 1, 0], [], []>, transpose_lhs_hint = false} : vector<64x128xf32>, vector<64x128xf32>, vector<64x64xf32> -> vector<64x64xf32>
    %mul3A_851 = vector.broadcast %rsqrt3A_840 : vector<64x1xf32> to vector<64x64xf32>
    %mul3A_852 = arith.mulf %mul3A_851, %dot_general3A_850 : vector<64x64xf32>
    %dot_general3A_853 = arith.constant dense<0.000000e+00> : vector<64x64xf32>
    %dot_general3A_854 = tpu.matmul %add3A_836, %mul3A_852, %dot_general3A_853 {dimension_numbers = #tpu.dot_dimension_numbers<[1], [0], [0], [1], [0, 0, 1, 1], [], []>, transpose_lhs_hint = false} : vector<64x64xf32>, vector<64x64xf32>, vector<64x64xf32> -> vector<64x64xf32>
    %mul3A_855 = vector.broadcast %rsqrt3A_840 : vector<64x1xf32> to vector<64x64xf32>
    %mul3A_856 = arith.mulf %mul3A_855, %dot_general3A_854 : vector<64x64xf32>
    %get3A_857 = arith.constant 0 : index
    %get3A_858 = arith.constant 0 : index
    %get3A_859 = vector.load %arg3[%get3A_857, %get3A_858] : memref<1x64xf32, #tpu.memory_space<vmem>>, vector<1x64xf32>
    %add3A_860 = vector.broadcast %get3A_859 : vector<1x64xf32> to vector<64x64xf32>
    %add3A_861 = arith.addf %mul3A_856, %add3A_860 : vector<64x64xf32>
    %ge3A_862 = arith.constant 0.000000e+00 : f32
    %ge3A_863 = vector.broadcast %ge3A_862 : f32 to vector<64x64xf32>
    %ge3A_864 = arith.cmpf oge, %add3A_861, %ge3A_863 : vector<64x64xf32>
    %mul3A_865 = arith.constant 0.00999999977 : f32
    %mul3A_866 = vector.broadcast %mul3A_865 : f32 to vector<64x64xf32>
    %mul3A_867 = arith.mulf %mul3A_866, %add3A_861 : vector<64x64xf32>
    %select_n3A_868 = arith.select %ge3A_864, %add3A_861, %mul3A_867 : vector<64x64xi1>, vector<64x64xf32>
    %get3A_869 = arith.constant 0 : index
    %get3A_870 = arith.constant 0 : index
    %get3A_871 = vector.load %arg4[%get3A_869, %get3A_870] : memref<64x64xf32, #tpu.memory_space<vmem>>, vector<64x64xf32>
    %dot_general3A_872 = arith.constant dense<0.000000e+00> : vector<64x64xf32>
    %dot_general3A_873 = tpu.matmul %select_n3A_868, %get3A_871, %dot_general3A_872 {dimension_numbers = #tpu.dot_dimension_numbers<[1], [1], [0], [0], [0, 0, 1, 0], [], []>, transpose_lhs_hint = false} : vector<64x64xf32>, vector<64x64xf32>, vector<64x64xf32> -> vector<64x64xf32>
    %mul3A_874 = vector.broadcast %rsqrt3A_840 : vector<64x1xf32> to vector<64x64xf32>
    %mul3A_875 = arith.mulf %mul3A_874, %dot_general3A_873 : vector<64x64xf32>
    %dot_general3A_876 = arith.constant dense<0.000000e+00> : vector<64x64xf32>
    %dot_general3A_877 = tpu.matmul %add3A_836, %mul3A_875, %dot_general3A_876 {dimension_numbers = #tpu.dot_dimension_numbers<[1], [0], [0], [1], [0, 0, 1, 1], [], []>, transpose_lhs_hint = false} : vector<64x64xf32>, vector<64x64xf32>, vector<64x64xf32> -> vector<64x64xf32>
    %mul3A_878 = vector.broadcast %rsqrt3A_840 : vector<64x1xf32> to vector<64x64xf32>
    %mul3A_879 = arith.mulf %mul3A_878, %dot_general3A_877 : vector<64x64xf32>
    %get3A_880 = arith.constant 0 : index
    %get3A_881 = arith.constant 0 : index
    %get3A_882 = vector.load %arg5[%get3A_880, %get3A_881] : memref<1x64xf32, #tpu.memory_space<vmem>>, vector<1x64xf32>
    %add3A_883 = vector.broadcast %get3A_882 : vector<1x64xf32> to vector<64x64xf32>
    %add3A_884 = arith.addf %mul3A_879, %add3A_883 : vector<64x64xf32>
    %ge3A_885 = arith.constant 0.000000e+00 : f32
    %ge3A_886 = vector.broadcast %ge3A_885 : f32 to vector<64x64xf32>
    %ge3A_887 = arith.cmpf oge, %add3A_884, %ge3A_886 : vector<64x64xf32>
    %mul3A_888 = arith.constant 0.00999999977 : f32
    %mul3A_889 = vector.broadcast %mul3A_888 : f32 to vector<64x64xf32>
    %mul3A_890 = arith.mulf %mul3A_889, %add3A_884 : vector<64x64xf32>
    %select_n3A_891 = arith.select %ge3A_887, %add3A_884, %mul3A_890 : vector<64x64xi1>, vector<64x64xf32>
    %dot_general3A_892 = arith.constant dense<0.000000e+00> : vector<1x64xf32>
    %dot_general3A_893 = tpu.matmul %broadcast_in_dim3A_4, %select_n3A_891, %dot_general3A_892 {dimension_numbers = #tpu.dot_dimension_numbers<[1], [0], [0], [1], [0, 0, 1, 1], [], []>, transpose_lhs_hint = false} : vector<1x64xf32>, vector<64x64xf32>, vector<1x64xf32> -> vector<1x64xf32>
    %get3A_894 = arith.constant 14 : index
    %get3A_895 = arith.constant 0 : index
    %get3A_896 = arith.constant 0 : index
    %get3A_897 = arith.constant 0 : index
    %get3A_898 = vector.load %arg1[%get3A_894, %get3A_895, %get3A_896, %get3A_897] : memref<16x1x64x64xf32, #tpu.memory_space<vmem>>, vector<1x1x64x64xf32>
    %get3A_899 = vector.shape_cast %get3A_898 : vector<1x1x64x64xf32> to vector<64x64xf32>
    %add3A_900 = arith.addf %get3A_899, %select_n3A : vector<64x64xf32>
    %reduce_sum3A_901 = arith.constant dense<0.000000e+00> : vector<64xf32>
    %reduce_sum3A_902 = vector.multi_reduction <add>, %add3A_900, %reduce_sum3A_901 [1] : vector<64x64xf32> to vector<64xf32>
    %broadcast_in_dim3A_903 = vector.shape_cast %reduce_sum3A_902 : vector<64xf32> to vector<64x1xf32>
    %rsqrt3A_904 = math.rsqrt %broadcast_in_dim3A_903 : vector<64x1xf32>
    %get3A_905 = arith.constant 14 : index
    %get3A_906 = arith.constant 0 : index
    %get3A_907 = arith.constant 0 : index
    %get3A_908 = vector.load %arg0[%get3A_905, %get3A_906, %get3A_907] : memref<16x64x128xf32, #tpu.memory_space<vmem>>, vector<1x64x128xf32>
    %get3A_909 = vector.shape_cast %get3A_908 : vector<1x64x128xf32> to vector<64x128xf32>
    %get3A_910 = arith.constant 0 : index
    %get3A_911 = arith.constant 0 : index
    %get3A_912 = vector.load %arg2[%get3A_910, %get3A_911] : memref<64x128xf32, #tpu.memory_space<vmem>>, vector<64x128xf32>
    %dot_general3A_913 = arith.constant dense<0.000000e+00> : vector<64x64xf32>
    %dot_general3A_914 = tpu.matmul %get3A_909, %get3A_912, %dot_general3A_913 {dimension_numbers = #tpu.dot_dimension_numbers<[1], [1], [0], [0], [0, 0, 1, 0], [], []>, transpose_lhs_hint = false} : vector<64x128xf32>, vector<64x128xf32>, vector<64x64xf32> -> vector<64x64xf32>
    %mul3A_915 = vector.broadcast %rsqrt3A_904 : vector<64x1xf32> to vector<64x64xf32>
    %mul3A_916 = arith.mulf %mul3A_915, %dot_general3A_914 : vector<64x64xf32>
    %dot_general3A_917 = arith.constant dense<0.000000e+00> : vector<64x64xf32>
    %dot_general3A_918 = tpu.matmul %add3A_900, %mul3A_916, %dot_general3A_917 {dimension_numbers = #tpu.dot_dimension_numbers<[1], [0], [0], [1], [0, 0, 1, 1], [], []>, transpose_lhs_hint = false} : vector<64x64xf32>, vector<64x64xf32>, vector<64x64xf32> -> vector<64x64xf32>
    %mul3A_919 = vector.broadcast %rsqrt3A_904 : vector<64x1xf32> to vector<64x64xf32>
    %mul3A_920 = arith.mulf %mul3A_919, %dot_general3A_918 : vector<64x64xf32>
    %get3A_921 = arith.constant 0 : index
    %get3A_922 = arith.constant 0 : index
    %get3A_923 = vector.load %arg3[%get3A_921, %get3A_922] : memref<1x64xf32, #tpu.memory_space<vmem>>, vector<1x64xf32>
    %add3A_924 = vector.broadcast %get3A_923 : vector<1x64xf32> to vector<64x64xf32>
    %add3A_925 = arith.addf %mul3A_920, %add3A_924 : vector<64x64xf32>
    %ge3A_926 = arith.constant 0.000000e+00 : f32
    %ge3A_927 = vector.broadcast %ge3A_926 : f32 to vector<64x64xf32>
    %ge3A_928 = arith.cmpf oge, %add3A_925, %ge3A_927 : vector<64x64xf32>
    %mul3A_929 = arith.constant 0.00999999977 : f32
    %mul3A_930 = vector.broadcast %mul3A_929 : f32 to vector<64x64xf32>
    %mul3A_931 = arith.mulf %mul3A_930, %add3A_925 : vector<64x64xf32>
    %select_n3A_932 = arith.select %ge3A_928, %add3A_925, %mul3A_931 : vector<64x64xi1>, vector<64x64xf32>
    %get3A_933 = arith.constant 0 : index
    %get3A_934 = arith.constant 0 : index
    %get3A_935 = vector.load %arg4[%get3A_933, %get3A_934] : memref<64x64xf32, #tpu.memory_space<vmem>>, vector<64x64xf32>
    %dot_general3A_936 = arith.constant dense<0.000000e+00> : vector<64x64xf32>
    %dot_general3A_937 = tpu.matmul %select_n3A_932, %get3A_935, %dot_general3A_936 {dimension_numbers = #tpu.dot_dimension_numbers<[1], [1], [0], [0], [0, 0, 1, 0], [], []>, transpose_lhs_hint = false} : vector<64x64xf32>, vector<64x64xf32>, vector<64x64xf32> -> vector<64x64xf32>
    %mul3A_938 = vector.broadcast %rsqrt3A_904 : vector<64x1xf32> to vector<64x64xf32>
    %mul3A_939 = arith.mulf %mul3A_938, %dot_general3A_937 : vector<64x64xf32>
    %dot_general3A_940 = arith.constant dense<0.000000e+00> : vector<64x64xf32>
    %dot_general3A_941 = tpu.matmul %add3A_900, %mul3A_939, %dot_general3A_940 {dimension_numbers = #tpu.dot_dimension_numbers<[1], [0], [0], [1], [0, 0, 1, 1], [], []>, transpose_lhs_hint = false} : vector<64x64xf32>, vector<64x64xf32>, vector<64x64xf32> -> vector<64x64xf32>
    %mul3A_942 = vector.broadcast %rsqrt3A_904 : vector<64x1xf32> to vector<64x64xf32>
    %mul3A_943 = arith.mulf %mul3A_942, %dot_general3A_941 : vector<64x64xf32>
    %get3A_944 = arith.constant 0 : index
    %get3A_945 = arith.constant 0 : index
    %get3A_946 = vector.load %arg5[%get3A_944, %get3A_945] : memref<1x64xf32, #tpu.memory_space<vmem>>, vector<1x64xf32>
    %add3A_947 = vector.broadcast %get3A_946 : vector<1x64xf32> to vector<64x64xf32>
    %add3A_948 = arith.addf %mul3A_943, %add3A_947 : vector<64x64xf32>
    %ge3A_949 = arith.constant 0.000000e+00 : f32
    %ge3A_950 = vector.broadcast %ge3A_949 : f32 to vector<64x64xf32>
    %ge3A_951 = arith.cmpf oge, %add3A_948, %ge3A_950 : vector<64x64xf32>
    %mul3A_952 = arith.constant 0.00999999977 : f32
    %mul3A_953 = vector.broadcast %mul3A_952 : f32 to vector<64x64xf32>
    %mul3A_954 = arith.mulf %mul3A_953, %add3A_948 : vector<64x64xf32>
    %select_n3A_955 = arith.select %ge3A_951, %add3A_948, %mul3A_954 : vector<64x64xi1>, vector<64x64xf32>
    %dot_general3A_956 = arith.constant dense<0.000000e+00> : vector<1x64xf32>
    %dot_general3A_957 = tpu.matmul %broadcast_in_dim3A_4, %select_n3A_955, %dot_general3A_956 {dimension_numbers = #tpu.dot_dimension_numbers<[1], [0], [0], [1], [0, 0, 1, 1], [], []>, transpose_lhs_hint = false} : vector<1x64xf32>, vector<64x64xf32>, vector<1x64xf32> -> vector<1x64xf32>
    %get3A_958 = arith.constant 15 : index
    %get3A_959 = arith.constant 0 : index
    %get3A_960 = arith.constant 0 : index
    %get3A_961 = arith.constant 0 : index
    %get3A_962 = vector.load %arg1[%get3A_958, %get3A_959, %get3A_960, %get3A_961] : memref<16x1x64x64xf32, #tpu.memory_space<vmem>>, vector<1x1x64x64xf32>
    %get3A_963 = vector.shape_cast %get3A_962 : vector<1x1x64x64xf32> to vector<64x64xf32>
    %add3A_964 = arith.addf %get3A_963, %select_n3A : vector<64x64xf32>
    %reduce_sum3A_965 = arith.constant dense<0.000000e+00> : vector<64xf32>
    %reduce_sum3A_966 = vector.multi_reduction <add>, %add3A_964, %reduce_sum3A_965 [1] : vector<64x64xf32> to vector<64xf32>
    %broadcast_in_dim3A_967 = vector.shape_cast %reduce_sum3A_966 : vector<64xf32> to vector<64x1xf32>
    %rsqrt3A_968 = math.rsqrt %broadcast_in_dim3A_967 : vector<64x1xf32>
    %get3A_969 = arith.constant 15 : index
    %get3A_970 = arith.constant 0 : index
    %get3A_971 = arith.constant 0 : index
    %get3A_972 = vector.load %arg0[%get3A_969, %get3A_970, %get3A_971] : memref<16x64x128xf32, #tpu.memory_space<vmem>>, vector<1x64x128xf32>
    %get3A_973 = vector.shape_cast %get3A_972 : vector<1x64x128xf32> to vector<64x128xf32>
    %get3A_974 = arith.constant 0 : index
    %get3A_975 = arith.constant 0 : index
    %get3A_976 = vector.load %arg2[%get3A_974, %get3A_975] : memref<64x128xf32, #tpu.memory_space<vmem>>, vector<64x128xf32>
    %dot_general3A_977 = arith.constant dense<0.000000e+00> : vector<64x64xf32>
    %dot_general3A_978 = tpu.matmul %get3A_973, %get3A_976, %dot_general3A_977 {dimension_numbers = #tpu.dot_dimension_numbers<[1], [1], [0], [0], [0, 0, 1, 0], [], []>, transpose_lhs_hint = false} : vector<64x128xf32>, vector<64x128xf32>, vector<64x64xf32> -> vector<64x64xf32>
    %mul3A_979 = vector.broadcast %rsqrt3A_968 : vector<64x1xf32> to vector<64x64xf32>
    %mul3A_980 = arith.mulf %mul3A_979, %dot_general3A_978 : vector<64x64xf32>
    %dot_general3A_981 = arith.constant dense<0.000000e+00> : vector<64x64xf32>
    %dot_general3A_982 = tpu.matmul %add3A_964, %mul3A_980, %dot_general3A_981 {dimension_numbers = #tpu.dot_dimension_numbers<[1], [0], [0], [1], [0, 0, 1, 1], [], []>, transpose_lhs_hint = false} : vector<64x64xf32>, vector<64x64xf32>, vector<64x64xf32> -> vector<64x64xf32>
    %mul3A_983 = vector.broadcast %rsqrt3A_968 : vector<64x1xf32> to vector<64x64xf32>
    %mul3A_984 = arith.mulf %mul3A_983, %dot_general3A_982 : vector<64x64xf32>
    %get3A_985 = arith.constant 0 : index
    %get3A_986 = arith.constant 0 : index
    %get3A_987 = vector.load %arg3[%get3A_985, %get3A_986] : memref<1x64xf32, #tpu.memory_space<vmem>>, vector<1x64xf32>
    %add3A_988 = vector.broadcast %get3A_987 : vector<1x64xf32> to vector<64x64xf32>
    %add3A_989 = arith.addf %mul3A_984, %add3A_988 : vector<64x64xf32>
    %ge3A_990 = arith.constant 0.000000e+00 : f32
    %ge3A_991 = vector.broadcast %ge3A_990 : f32 to vector<64x64xf32>
    %ge3A_992 = arith.cmpf oge, %add3A_989, %ge3A_991 : vector<64x64xf32>
    %mul3A_993 = arith.constant 0.00999999977 : f32
    %mul3A_994 = vector.broadcast %mul3A_993 : f32 to vector<64x64xf32>
    %mul3A_995 = arith.mulf %mul3A_994, %add3A_989 : vector<64x64xf32>
    %select_n3A_996 = arith.select %ge3A_992, %add3A_989, %mul3A_995 : vector<64x64xi1>, vector<64x64xf32>
    %get3A_997 = arith.constant 0 : index
    %get3A_998 = arith.constant 0 : index
    %get3A_999 = vector.load %arg4[%get3A_997, %get3A_998] : memref<64x64xf32, #tpu.memory_space<vmem>>, vector<64x64xf32>
    %dot_general3A_1000 = arith.constant dense<0.000000e+00> : vector<64x64xf32>
    %dot_general3A_1001 = tpu.matmul %select_n3A_996, %get3A_999, %dot_general3A_1000 {dimension_numbers = #tpu.dot_dimension_numbers<[1], [1], [0], [0], [0, 0, 1, 0], [], []>, transpose_lhs_hint = false} : vector<64x64xf32>, vector<64x64xf32>, vector<64x64xf32> -> vector<64x64xf32>
    %mul3A_1002 = vector.broadcast %rsqrt3A_968 : vector<64x1xf32> to vector<64x64xf32>
    %mul3A_1003 = arith.mulf %mul3A_1002, %dot_general3A_1001 : vector<64x64xf32>
    %dot_general3A_1004 = arith.constant dense<0.000000e+00> : vector<64x64xf32>
    %dot_general3A_1005 = tpu.matmul %add3A_964, %mul3A_1003, %dot_general3A_1004 {dimension_numbers = #tpu.dot_dimension_numbers<[1], [0], [0], [1], [0, 0, 1, 1], [], []>, transpose_lhs_hint = false} : vector<64x64xf32>, vector<64x64xf32>, vector<64x64xf32> -> vector<64x64xf32>
    %mul3A_1006 = vector.broadcast %rsqrt3A_968 : vector<64x1xf32> to vector<64x64xf32>
    %mul3A_1007 = arith.mulf %mul3A_1006, %dot_general3A_1005 : vector<64x64xf32>
    %get3A_1008 = arith.constant 0 : index
    %get3A_1009 = arith.constant 0 : index
    %get3A_1010 = vector.load %arg5[%get3A_1008, %get3A_1009] : memref<1x64xf32, #tpu.memory_space<vmem>>, vector<1x64xf32>
    %add3A_1011 = vector.broadcast %get3A_1010 : vector<1x64xf32> to vector<64x64xf32>
    %add3A_1012 = arith.addf %mul3A_1007, %add3A_1011 : vector<64x64xf32>
    %ge3A_1013 = arith.constant 0.000000e+00 : f32
    %ge3A_1014 = vector.broadcast %ge3A_1013 : f32 to vector<64x64xf32>
    %ge3A_1015 = arith.cmpf oge, %add3A_1012, %ge3A_1014 : vector<64x64xf32>
    %mul3A_1016 = arith.constant 0.00999999977 : f32
    %mul3A_1017 = vector.broadcast %mul3A_1016 : f32 to vector<64x64xf32>
    %mul3A_1018 = arith.mulf %mul3A_1017, %add3A_1012 : vector<64x64xf32>
    %select_n3A_1019 = arith.select %ge3A_1015, %add3A_1012, %mul3A_1018 : vector<64x64xi1>, vector<64x64xf32>
    %dot_general3A_1020 = arith.constant dense<0.000000e+00> : vector<1x64xf32>
    %dot_general3A_1021 = tpu.matmul %broadcast_in_dim3A_4, %select_n3A_1019, %dot_general3A_1020 {dimension_numbers = #tpu.dot_dimension_numbers<[1], [0], [0], [1], [0, 0, 1, 1], [], []>, transpose_lhs_hint = false} : vector<1x64xf32>, vector<64x64xf32>, vector<1x64xf32> -> vector<1x64xf32>
    %concatenate3A = tpu.concatenate %dot_general3A_61, %dot_general3A_125, %dot_general3A_189, %dot_general3A_253, %dot_general3A_317, %dot_general3A_381, %dot_general3A_445, %dot_general3A_509, %dot_general3A_573, %dot_general3A_637, %dot_general3A_701, %dot_general3A_765, %dot_general3A_829, %dot_general3A_893, %dot_general3A_957, %dot_general3A_1021 in 0 : vector<1x64xf32>, vector<1x64xf32>, vector<1x64xf32>, vector<1x64xf32>, vector<1x64xf32>, vector<1x64xf32>, vector<1x64xf32>, vector<1x64xf32>, vector<1x64xf32>, vector<1x64xf32>, vector<1x64xf32>, vector<1x64xf32>, vector<1x64xf32>, vector<1x64xf32>, vector<1x64xf32>, vector<1x64xf32> -> vector<16x64xf32>
    %mul3A_1022 = arith.constant 1.562500e-02 : f32
    %mul3A_1023 = vector.broadcast %mul3A_1022 : f32 to vector<16x64xf32>
    %mul3A_1024 = arith.mulf %concatenate3A, %mul3A_1023 : vector<16x64xf32>
    %get3A_1025 = arith.constant 0 : index
    %get3A_1026 = arith.constant 0 : index
    %get3A_1027 = vector.load %arg6[%get3A_1025, %get3A_1026] : memref<32x64xf32, #tpu.memory_space<vmem>>, vector<32x64xf32>
    %dot_general3A_1028 = arith.constant dense<0.000000e+00> : vector<16x32xf32>
    %dot_general3A_1029 = tpu.matmul %mul3A_1024, %get3A_1027, %dot_general3A_1028 {dimension_numbers = #tpu.dot_dimension_numbers<[1], [1], [0], [0], [0, 0, 1, 0], [], []>, transpose_lhs_hint = false} : vector<16x64xf32>, vector<32x64xf32>, vector<16x32xf32> -> vector<16x32xf32>
    %get3A_1030 = arith.constant 0 : index
    %get3A_1031 = arith.constant 0 : index
    %get3A_1032 = vector.load %arg7[%get3A_1030, %get3A_1031] : memref<1x32xf32, #tpu.memory_space<vmem>>, vector<1x32xf32>
    %add3A_1033 = vector.broadcast %get3A_1032 : vector<1x32xf32> to vector<16x32xf32>
    %add3A_1034 = arith.addf %dot_general3A_1029, %add3A_1033 : vector<16x32xf32>
    %ge3A_1035 = arith.constant 0.000000e+00 : f32
    %ge3A_1036 = vector.broadcast %ge3A_1035 : f32 to vector<16x32xf32>
    %ge3A_1037 = arith.cmpf oge, %add3A_1034, %ge3A_1036 : vector<16x32xf32>
    %mul3A_1038 = arith.constant 0.00999999977 : f32
    %mul3A_1039 = vector.broadcast %mul3A_1038 : f32 to vector<16x32xf32>
    %mul3A_1040 = arith.mulf %mul3A_1039, %add3A_1034 : vector<16x32xf32>
    %select_n3A_1041 = arith.select %ge3A_1037, %add3A_1034, %mul3A_1040 : vector<16x32xi1>, vector<16x32xf32>
    %get3A_1042 = arith.constant 0 : index
    %get3A_1043 = arith.constant 0 : index
    %get3A_1044 = vector.load %arg8[%get3A_1042, %get3A_1043] : memref<4096x32xf32, #tpu.memory_space<vmem>>, vector<4096x32xf32>
    %dot_general3A_1045 = arith.constant dense<0.000000e+00> : vector<16x4096xf32>
    %dot_general3A_1046 = tpu.matmul %select_n3A_1041, %get3A_1044, %dot_general3A_1045 {dimension_numbers = #tpu.dot_dimension_numbers<[1], [1], [0], [0], [0, 0, 1, 0], [], []>, transpose_lhs_hint = false} : vector<16x32xf32>, vector<4096x32xf32>, vector<16x4096xf32> -> vector<16x4096xf32>
    %get3A_1047 = arith.constant 0 : index
    %get3A_1048 = arith.constant 0 : index
    %get3A_1049 = vector.load %arg9[%get3A_1047, %get3A_1048] : memref<1x4096xf32, #tpu.memory_space<vmem>>, vector<1x4096xf32>
    %add3A_1050 = vector.broadcast %get3A_1049 : vector<1x4096xf32> to vector<16x4096xf32>
    %add3A_1051 = arith.addf %dot_general3A_1046, %add3A_1050 : vector<16x4096xf32>
    %broadcast_in_dim3A_1052 = arith.constant 0.000000e+00 : f32
    %broadcast_in_dim3A_1053 = vector.broadcast %broadcast_in_dim3A_1052 : f32 to vector<16x64xf32>
    %slice3A = vector.extract_strided_slice %add3A_1051 {offsets = [0, 0], sizes = [16, 64], strides = [1, 1]} : vector<16x4096xf32> to vector<16x64xf32>
    %add3A_1054 = arith.addf %broadcast_in_dim3A_1053, %slice3A : vector<16x64xf32>
    %logistic3A = arith.negf %add3A_1054 : vector<16x64xf32>
    %logistic3A_1055 = math.exp %logistic3A : vector<16x64xf32>
    %logistic3A_1056 = arith.constant 1.000000e+00 : f32
    %logistic3A_1057 = vector.broadcast %logistic3A_1056 : f32 to vector<16x64xf32>
    %logistic3A_1058 = arith.addf %logistic3A_1057, %logistic3A_1055 : vector<16x64xf32>
    %logistic3A_1059 = arith.divf %logistic3A_1057, %logistic3A_1058 : vector<16x64xf32>
    %swap3A = arith.constant 0 : index
    %swap3A_1060 = arith.constant 0 : index
    %swap3A_1061 = vector.load %arg10[%swap3A, %swap3A_1060] : memref<16x4096xf32, #tpu.memory_space<vmem>>, vector<16x64xf32>
    tpu.vector_store %arg10[%swap3A, %swap3A_1060], %logistic3A_1059 {strides = array<i32>} : memref<16x4096xf32, #tpu.memory_space<vmem>>, vector<16x64xf32>,
    %slice3A_1062 = vector.extract_strided_slice %add3A_1051 {offsets = [0, 64], sizes = [16, 64], strides = [1, 1]} : vector<16x4096xf32> to vector<16x64xf32>
    %add3A_1063 = arith.addf %add3A_1054, %slice3A_1062 : vector<16x64xf32>
    %logistic3A_1064 = arith.negf %add3A_1063 : vector<16x64xf32>
    %logistic3A_1065 = math.exp %logistic3A_1064 : vector<16x64xf32>
    %logistic3A_1066 = arith.constant 1.000000e+00 : f32
    %logistic3A_1067 = vector.broadcast %logistic3A_1066 : f32 to vector<16x64xf32>
    %logistic3A_1068 = arith.addf %logistic3A_1067, %logistic3A_1065 : vector<16x64xf32>
    %logistic3A_1069 = arith.divf %logistic3A_1067, %logistic3A_1068 : vector<16x64xf32>
    %swap3A_1070 = arith.constant 0 : index
    %swap3A_1071 = arith.constant 64 : index
    %swap3A_1072 = vector.load %arg10[%swap3A_1070, %swap3A_1071] : memref<16x4096xf32, #tpu.memory_space<vmem>>, vector<16x64xf32>
    tpu.vector_store %arg10[%swap3A_1070, %swap3A_1071], %logistic3A_1069 {strides = array<i32>} : memref<16x4096xf32, #tpu.memory_space<vmem>>, vector<16x64xf32>,
    %slice3A_1073 = vector.extract_strided_slice %add3A_1051 {offsets = [0, 128], sizes = [16, 64], strides = [1, 1]} : vector<16x4096xf32> to vector<16x64xf32>
    %add3A_1074 = arith.addf %add3A_1063, %slice3A_1073 : vector<16x64xf32>
    %logistic3A_1075 = arith.negf %add3A_1074 : vector<16x64xf32>
    %logistic3A_1076 = math.exp %logistic3A_1075 : vector<16x64xf32>
    %logistic3A_1077 = arith.constant 1.000000e+00 : f32
    %logistic3A_1078 = vector.broadcast %logistic3A_1077 : f32 to vector<16x64xf32>
    %logistic3A_1079 = arith.addf %logistic3A_1078, %logistic3A_1076 : vector<16x64xf32>
    %logistic3A_1080 = arith.divf %logistic3A_1078, %logistic3A_1079 : vector<16x64xf32>
    %swap3A_1081 = arith.constant 0 : index
    %swap3A_1082 = arith.constant 128 : index
    %swap3A_1083 = vector.load %arg10[%swap3A_1081, %swap3A_1082] : memref<16x4096xf32, #tpu.memory_space<vmem>>, vector<16x64xf32>
    tpu.vector_store %arg10[%swap3A_1081, %swap3A_1082], %logistic3A_1080 {strides = array<i32>} : memref<16x4096xf32, #tpu.memory_space<vmem>>, vector<16x64xf32>,
    %slice3A_1084 = vector.extract_strided_slice %add3A_1051 {offsets = [0, 192], sizes = [16, 64], strides = [1, 1]} : vector<16x4096xf32> to vector<16x64xf32>
    %add3A_1085 = arith.addf %add3A_1074, %slice3A_1084 : vector<16x64xf32>
    %logistic3A_1086 = arith.negf %add3A_1085 : vector<16x64xf32>
    %logistic3A_1087 = math.exp %logistic3A_1086 : vector<16x64xf32>
    %logistic3A_1088 = arith.constant 1.000000e+00 : f32
    %logistic3A_1089 = vector.broadcast %logistic3A_1088 : f32 to vector<16x64xf32>
    %logistic3A_1090 = arith.addf %logistic3A_1089, %logistic3A_1087 : vector<16x64xf32>
    %logistic3A_1091 = arith.divf %logistic3A_1089, %logistic3A_1090 : vector<16x64xf32>
    %swap3A_1092 = arith.constant 0 : index
    %swap3A_1093 = arith.constant 192 : index
    %swap3A_1094 = vector.load %arg10[%swap3A_1092, %swap3A_1093] : memref<16x4096xf32, #tpu.memory_space<vmem>>, vector<16x64xf32>
    tpu.vector_store %arg10[%swap3A_1092, %swap3A_1093], %logistic3A_1091 {strides = array<i32>} : memref<16x4096xf32, #tpu.memory_space<vmem>>, vector<16x64xf32>,
    %slice3A_1095 = vector.extract_strided_slice %add3A_1051 {offsets = [0, 256], sizes = [16, 64], strides = [1, 1]} : vector<16x4096xf32> to vector<16x64xf32>
    %add3A_1096 = arith.addf %add3A_1085, %slice3A_1095 : vector<16x64xf32>
    %logistic3A_1097 = arith.negf %add3A_1096 : vector<16x64xf32>
    %logistic3A_1098 = math.exp %logistic3A_1097 : vector<16x64xf32>
    %logistic3A_1099 = arith.constant 1.000000e+00 : f32
    %logistic3A_1100 = vector.broadcast %logistic3A_1099 : f32 to vector<16x64xf32>
    %logistic3A_1101 = arith.addf %logistic3A_1100, %logistic3A_1098 : vector<16x64xf32>
    %logistic3A_1102 = arith.divf %logistic3A_1100, %logistic3A_1101 : vector<16x64xf32>
    %swap3A_1103 = arith.constant 0 : index
    %swap3A_1104 = arith.constant 256 : index
    %swap3A_1105 = vector.load %arg10[%swap3A_1103, %swap3A_1104] : memref<16x4096xf32, #tpu.memory_space<vmem>>, vector<16x64xf32>
    tpu.vector_store %arg10[%swap3A_1103, %swap3A_1104], %logistic3A_1102 {strides = array<i32>} : memref<16x4096xf32, #tpu.memory_space<vmem>>, vector<16x64xf32>,
    %slice3A_1106 = vector.extract_strided_slice %add3A_1051 {offsets = [0, 320], sizes = [16, 64], strides = [1, 1]} : vector<16x4096xf32> to vector<16x64xf32>
    %add3A_1107 = arith.addf %add3A_1096, %slice3A_1106 : vector<16x64xf32>
    %logistic3A_1108 = arith.negf %add3A_1107 : vector<16x64xf32>
    %logistic3A_1109 = math.exp %logistic3A_1108 : vector<16x64xf32>
    %logistic3A_1110 = arith.constant 1.000000e+00 : f32
    %logistic3A_1111 = vector.broadcast %logistic3A_1110 : f32 to vector<16x64xf32>
    %logistic3A_1112 = arith.addf %logistic3A_1111, %logistic3A_1109 : vector<16x64xf32>
    %logistic3A_1113 = arith.divf %logistic3A_1111, %logistic3A_1112 : vector<16x64xf32>
    %swap3A_1114 = arith.constant 0 : index
    %swap3A_1115 = arith.constant 320 : index
    %swap3A_1116 = vector.load %arg10[%swap3A_1114, %swap3A_1115] : memref<16x4096xf32, #tpu.memory_space<vmem>>, vector<16x64xf32>
    tpu.vector_store %arg10[%swap3A_1114, %swap3A_1115], %logistic3A_1113 {strides = array<i32>} : memref<16x4096xf32, #tpu.memory_space<vmem>>, vector<16x64xf32>,
    %slice3A_1117 = vector.extract_strided_slice %add3A_1051 {offsets = [0, 384], sizes = [16, 64], strides = [1, 1]} : vector<16x4096xf32> to vector<16x64xf32>
    %add3A_1118 = arith.addf %add3A_1107, %slice3A_1117 : vector<16x64xf32>
    %logistic3A_1119 = arith.negf %add3A_1118 : vector<16x64xf32>
    %logistic3A_1120 = math.exp %logistic3A_1119 : vector<16x64xf32>
    %logistic3A_1121 = arith.constant 1.000000e+00 : f32
    %logistic3A_1122 = vector.broadcast %logistic3A_1121 : f32 to vector<16x64xf32>
    %logistic3A_1123 = arith.addf %logistic3A_1122, %logistic3A_1120 : vector<16x64xf32>
    %logistic3A_1124 = arith.divf %logistic3A_1122, %logistic3A_1123 : vector<16x64xf32>
    %swap3A_1125 = arith.constant 0 : index
    %swap3A_1126 = arith.constant 384 : index
    %swap3A_1127 = vector.load %arg10[%swap3A_1125, %swap3A_1126] : memref<16x4096xf32, #tpu.memory_space<vmem>>, vector<16x64xf32>
    tpu.vector_store %arg10[%swap3A_1125, %swap3A_1126], %logistic3A_1124 {strides = array<i32>} : memref<16x4096xf32, #tpu.memory_space<vmem>>, vector<16x64xf32>,
    %slice3A_1128 = vector.extract_strided_slice %add3A_1051 {offsets = [0, 448], sizes = [16, 64], strides = [1, 1]} : vector<16x4096xf32> to vector<16x64xf32>
    %add3A_1129 = arith.addf %add3A_1118, %slice3A_1128 : vector<16x64xf32>
    %logistic3A_1130 = arith.negf %add3A_1129 : vector<16x64xf32>
    %logistic3A_1131 = math.exp %logistic3A_1130 : vector<16x64xf32>
    %logistic3A_1132 = arith.constant 1.000000e+00 : f32
    %logistic3A_1133 = vector.broadcast %logistic3A_1132 : f32 to vector<16x64xf32>
    %logistic3A_1134 = arith.addf %logistic3A_1133, %logistic3A_1131 : vector<16x64xf32>
    %logistic3A_1135 = arith.divf %logistic3A_1133, %logistic3A_1134 : vector<16x64xf32>
    %swap3A_1136 = arith.constant 0 : index
    %swap3A_1137 = arith.constant 448 : index
    %swap3A_1138 = vector.load %arg10[%swap3A_1136, %swap3A_1137] : memref<16x4096xf32, #tpu.memory_space<vmem>>, vector<16x64xf32>
    tpu.vector_store %arg10[%swap3A_1136, %swap3A_1137], %logistic3A_1135 {strides = array<i32>} : memref<16x4096xf32, #tpu.memory_space<vmem>>, vector<16x64xf32>,
    %slice3A_1139 = vector.extract_strided_slice %add3A_1051 {offsets = [0, 512], sizes = [16, 64], strides = [1, 1]} : vector<16x4096xf32> to vector<16x64xf32>
    %add3A_1140 = arith.addf %add3A_1129, %slice3A_1139 : vector<16x64xf32>
    %logistic3A_1141 = arith.negf %add3A_1140 : vector<16x64xf32>
    %logistic3A_1142 = math.exp %logistic3A_1141 : vector<16x64xf32>
    %logistic3A_1143 = arith.constant 1.000000e+00 : f32
    %logistic3A_1144 = vector.broadcast %logistic3A_1143 : f32 to vector<16x64xf32>
    %logistic3A_1145 = arith.addf %logistic3A_1144, %logistic3A_1142 : vector<16x64xf32>
    %logistic3A_1146 = arith.divf %logistic3A_1144, %logistic3A_1145 : vector<16x64xf32>
    %swap3A_1147 = arith.constant 0 : index
    %swap3A_1148 = arith.constant 512 : index
    %swap3A_1149 = vector.load %arg10[%swap3A_1147, %swap3A_1148] : memref<16x4096xf32, #tpu.memory_space<vmem>>, vector<16x64xf32>
    tpu.vector_store %arg10[%swap3A_1147, %swap3A_1148], %logistic3A_1146 {strides = array<i32>} : memref<16x4096xf32, #tpu.memory_space<vmem>>, vector<16x64xf32>,
    %slice3A_1150 = vector.extract_strided_slice %add3A_1051 {offsets = [0, 576], sizes = [16, 64], strides = [1, 1]} : vector<16x4096xf32> to vector<16x64xf32>
    %add3A_1151 = arith.addf %add3A_1140, %slice3A_1150 : vector<16x64xf32>
    %logistic3A_1152 = arith.negf %add3A_1151 : vector<16x64xf32>
    %logistic3A_1153 = math.exp %logistic3A_1152 : vector<16x64xf32>
    %logistic3A_1154 = arith.constant 1.000000e+00 : f32
    %logistic3A_1155 = vector.broadcast %logistic3A_1154 : f32 to vector<16x64xf32>
    %logistic3A_1156 = arith.addf %logistic3A_1155, %logistic3A_1153 : vector<16x64xf32>
    %logistic3A_1157 = arith.divf %logistic3A_1155, %logistic3A_1156 : vector<16x64xf32>
    %swap3A_1158 = arith.constant 0 : index
    %swap3A_1159 = arith.constant 576 : index
    %swap3A_1160 = vector.load %arg10[%swap3A_1158, %swap3A_1159] : memref<16x4096xf32, #tpu.memory_space<vmem>>, vector<16x64xf32>
    tpu.vector_store %arg10[%swap3A_1158, %swap3A_1159], %logistic3A_1157 {strides = array<i32>} : memref<16x4096xf32, #tpu.memory_space<vmem>>, vector<16x64xf32>,
    %slice3A_1161 = vector.extract_strided_slice %add3A_1051 {offsets = [0, 640], sizes = [16, 64], strides = [1, 1]} : vector<16x4096xf32> to vector<16x64xf32>
    %add3A_1162 = arith.addf %add3A_1151, %slice3A_1161 : vector<16x64xf32>
    %logistic3A_1163 = arith.negf %add3A_1162 : vector<16x64xf32>
    %logistic3A_1164 = math.exp %logistic3A_1163 : vector<16x64xf32>
    %logistic3A_1165 = arith.constant 1.000000e+00 : f32
    %logistic3A_1166 = vector.broadcast %logistic3A_1165 : f32 to vector<16x64xf32>
    %logistic3A_1167 = arith.addf %logistic3A_1166, %logistic3A_1164 : vector<16x64xf32>
    %logistic3A_1168 = arith.divf %logistic3A_1166, %logistic3A_1167 : vector<16x64xf32>
    %swap3A_1169 = arith.constant 0 : index
    %swap3A_1170 = arith.constant 640 : index
    %swap3A_1171 = vector.load %arg10[%swap3A_1169, %swap3A_1170] : memref<16x4096xf32, #tpu.memory_space<vmem>>, vector<16x64xf32>
    tpu.vector_store %arg10[%swap3A_1169, %swap3A_1170], %logistic3A_1168 {strides = array<i32>} : memref<16x4096xf32, #tpu.memory_space<vmem>>, vector<16x64xf32>,
    %slice3A_1172 = vector.extract_strided_slice %add3A_1051 {offsets = [0, 704], sizes = [16, 64], strides = [1, 1]} : vector<16x4096xf32> to vector<16x64xf32>
    %add3A_1173 = arith.addf %add3A_1162, %slice3A_1172 : vector<16x64xf32>
    %logistic3A_1174 = arith.negf %add3A_1173 : vector<16x64xf32>
    %logistic3A_1175 = math.exp %logistic3A_1174 : vector<16x64xf32>
    %logistic3A_1176 = arith.constant 1.000000e+00 : f32
    %logistic3A_1177 = vector.broadcast %logistic3A_1176 : f32 to vector<16x64xf32>
    %logistic3A_1178 = arith.addf %logistic3A_1177, %logistic3A_1175 : vector<16x64xf32>
    %logistic3A_1179 = arith.divf %logistic3A_1177, %logistic3A_1178 : vector<16x64xf32>
    %swap3A_1180 = arith.constant 0 : index
    %swap3A_1181 = arith.constant 704 : index
    %swap3A_1182 = vector.load %arg10[%swap3A_1180, %swap3A_1181] : memref<16x4096xf32, #tpu.memory_space<vmem>>, vector<16x64xf32>
    tpu.vector_store %arg10[%swap3A_1180, %swap3A_1181], %logistic3A_1179 {strides = array<i32>} : memref<16x4096xf32, #tpu.memory_space<vmem>>, vector<16x64xf32>,
    %slice3A_1183 = vector.extract_strided_slice %add3A_1051 {offsets = [0, 768], sizes = [16, 64], strides = [1, 1]} : vector<16x4096xf32> to vector<16x64xf32>
    %add3A_1184 = arith.addf %add3A_1173, %slice3A_1183 : vector<16x64xf32>
    %logistic3A_1185 = arith.negf %add3A_1184 : vector<16x64xf32>
    %logistic3A_1186 = math.exp %logistic3A_1185 : vector<16x64xf32>
    %logistic3A_1187 = arith.constant 1.000000e+00 : f32
    %logistic3A_1188 = vector.broadcast %logistic3A_1187 : f32 to vector<16x64xf32>
    %logistic3A_1189 = arith.addf %logistic3A_1188, %logistic3A_1186 : vector<16x64xf32>
    %logistic3A_1190 = arith.divf %logistic3A_1188, %logistic3A_1189 : vector<16x64xf32>
    %swap3A_1191 = arith.constant 0 : index
    %swap3A_1192 = arith.constant 768 : index
    %swap3A_1193 = vector.load %arg10[%swap3A_1191, %swap3A_1192] : memref<16x4096xf32, #tpu.memory_space<vmem>>, vector<16x64xf32>
    tpu.vector_store %arg10[%swap3A_1191, %swap3A_1192], %logistic3A_1190 {strides = array<i32>} : memref<16x4096xf32, #tpu.memory_space<vmem>>, vector<16x64xf32>,
    %slice3A_1194 = vector.extract_strided_slice %add3A_1051 {offsets = [0, 832], sizes = [16, 64], strides = [1, 1]} : vector<16x4096xf32> to vector<16x64xf32>
    %add3A_1195 = arith.addf %add3A_1184, %slice3A_1194 : vector<16x64xf32>
    %logistic3A_1196 = arith.negf %add3A_1195 : vector<16x64xf32>
    %logistic3A_1197 = math.exp %logistic3A_1196 : vector<16x64xf32>
    %logistic3A_1198 = arith.constant 1.000000e+00 : f32
    %logistic3A_1199 = vector.broadcast %logistic3A_1198 : f32 to vector<16x64xf32>
    %logistic3A_1200 = arith.addf %logistic3A_1199, %logistic3A_1197 : vector<16x64xf32>
    %logistic3A_1201 = arith.divf %logistic3A_1199, %logistic3A_1200 : vector<16x64xf32>
    %swap3A_1202 = arith.constant 0 : index
    %swap3A_1203 = arith.constant 832 : index
    %swap3A_1204 = vector.load %arg10[%swap3A_1202, %swap3A_1203] : memref<16x4096xf32, #tpu.memory_space<vmem>>, vector<16x64xf32>
    tpu.vector_store %arg10[%swap3A_1202, %swap3A_1203], %logistic3A_1201 {strides = array<i32>} : memref<16x4096xf32, #tpu.memory_space<vmem>>, vector<16x64xf32>,
    %slice3A_1205 = vector.extract_strided_slice %add3A_1051 {offsets = [0, 896], sizes = [16, 64], strides = [1, 1]} : vector<16x4096xf32> to vector<16x64xf32>
    %add3A_1206 = arith.addf %add3A_1195, %slice3A_1205 : vector<16x64xf32>
    %logistic3A_1207 = arith.negf %add3A_1206 : vector<16x64xf32>
    %logistic3A_1208 = math.exp %logistic3A_1207 : vector<16x64xf32>
    %logistic3A_1209 = arith.constant 1.000000e+00 : f32
    %logistic3A_1210 = vector.broadcast %logistic3A_1209 : f32 to vector<16x64xf32>
    %logistic3A_1211 = arith.addf %logistic3A_1210, %logistic3A_1208 : vector<16x64xf32>
    %logistic3A_1212 = arith.divf %logistic3A_1210, %logistic3A_1211 : vector<16x64xf32>
    %swap3A_1213 = arith.constant 0 : index
    %swap3A_1214 = arith.constant 896 : index
    %swap3A_1215 = vector.load %arg10[%swap3A_1213, %swap3A_1214] : memref<16x4096xf32, #tpu.memory_space<vmem>>, vector<16x64xf32>
    tpu.vector_store %arg10[%swap3A_1213, %swap3A_1214], %logistic3A_1212 {strides = array<i32>} : memref<16x4096xf32, #tpu.memory_space<vmem>>, vector<16x64xf32>,
    %slice3A_1216 = vector.extract_strided_slice %add3A_1051 {offsets = [0, 960], sizes = [16, 64], strides = [1, 1]} : vector<16x4096xf32> to vector<16x64xf32>
    %add3A_1217 = arith.addf %add3A_1206, %slice3A_1216 : vector<16x64xf32>
    %logistic3A_1218 = arith.negf %add3A_1217 : vector<16x64xf32>
    %logistic3A_1219 = math.exp %logistic3A_1218 : vector<16x64xf32>
    %logistic3A_1220 = arith.constant 1.000000e+00 : f32
    %logistic3A_1221 = vector.broadcast %logistic3A_1220 : f32 to vector<16x64xf32>
    %logistic3A_1222 = arith.addf %logistic3A_1221, %logistic3A_1219 : vector<16x64xf32>
    %logistic3A_1223 = arith.divf %logistic3A_1221, %logistic3A_1222 : vector<16x64xf32>
    %swap3A_1224 = arith.constant 0 : index
    %swap3A_1225 = arith.constant 960 : index
    %swap3A_1226 = vector.load %arg10[%swap3A_1224, %swap3A_1225] : memref<16x4096xf32, #tpu.memory_space<vmem>>, vector<16x64xf32>
    tpu.vector_store %arg10[%swap3A_1224, %swap3A_1225], %logistic3A_1223 {strides = array<i32>} : memref<16x4096xf32, #tpu.memory_space<vmem>>, vector<16x64xf32>,
    %slice3A_1227 = vector.extract_strided_slice %add3A_1051 {offsets = [0, 1024], sizes = [16, 64], strides = [1, 1]} : vector<16x4096xf32> to vector<16x64xf32>
    %add3A_1228 = arith.addf %add3A_1217, %slice3A_1227 : vector<16x64xf32>
    %logistic3A_1229 = arith.negf %add3A_1228 : vector<16x64xf32>
    %logistic3A_1230 = math.exp %logistic3A_1229 : vector<16x64xf32>
    %logistic3A_1231 = arith.constant 1.000000e+00 : f32
    %logistic3A_1232 = vector.broadcast %logistic3A_1231 : f32 to vector<16x64xf32>
    %logistic3A_1233 = arith.addf %logistic3A_1232, %logistic3A_1230 : vector<16x64xf32>
    %logistic3A_1234 = arith.divf %logistic3A_1232, %logistic3A_1233 : vector<16x64xf32>
    %swap3A_1235 = arith.constant 0 : index
    %swap3A_1236 = arith.constant 1024 : index
    %swap3A_1237 = vector.load %arg10[%swap3A_1235, %swap3A_1236] : memref<16x4096xf32, #tpu.memory_space<vmem>>, vector<16x64xf32>
    tpu.vector_store %arg10[%swap3A_1235, %swap3A_1236], %logistic3A_1234 {strides = array<i32>} : memref<16x4096xf32, #tpu.memory_space<vmem>>, vector<16x64xf32>,
    %slice3A_1238 = vector.extract_strided_slice %add3A_1051 {offsets = [0, 1088], sizes = [16, 64], strides = [1, 1]} : vector<16x4096xf32> to vector<16x64xf32>
    %add3A_1239 = arith.addf %add3A_1228, %slice3A_1238 : vector<16x64xf32>
    %logistic3A_1240 = arith.negf %add3A_1239 : vector<16x64xf32>
    %logistic3A_1241 = math.exp %logistic3A_1240 : vector<16x64xf32>
    %logistic3A_1242 = arith.constant 1.000000e+00 : f32
    %logistic3A_1243 = vector.broadcast %logistic3A_1242 : f32 to vector<16x64xf32>
    %logistic3A_1244 = arith.addf %logistic3A_1243, %logistic3A_1241 : vector<16x64xf32>
    %logistic3A_1245 = arith.divf %logistic3A_1243, %logistic3A_1244 : vector<16x64xf32>
    %swap3A_1246 = arith.constant 0 : index
    %swap3A_1247 = arith.constant 1088 : index
    %swap3A_1248 = vector.load %arg10[%swap3A_1246, %swap3A_1247] : memref<16x4096xf32, #tpu.memory_space<vmem>>, vector<16x64xf32>
    tpu.vector_store %arg10[%swap3A_1246, %swap3A_1247], %logistic3A_1245 {strides = array<i32>} : memref<16x4096xf32, #tpu.memory_space<vmem>>, vector<16x64xf32>,
    %slice3A_1249 = vector.extract_strided_slice %add3A_1051 {offsets = [0, 1152], sizes = [16, 64], strides = [1, 1]} : vector<16x4096xf32> to vector<16x64xf32>
    %add3A_1250 = arith.addf %add3A_1239, %slice3A_1249 : vector<16x64xf32>
    %logistic3A_1251 = arith.negf %add3A_1250 : vector<16x64xf32>
    %logistic3A_1252 = math.exp %logistic3A_1251 : vector<16x64xf32>
    %logistic3A_1253 = arith.constant 1.000000e+00 : f32
    %logistic3A_1254 = vector.broadcast %logistic3A_1253 : f32 to vector<16x64xf32>
    %logistic3A_1255 = arith.addf %logistic3A_1254, %logistic3A_1252 : vector<16x64xf32>
    %logistic3A_1256 = arith.divf %logistic3A_1254, %logistic3A_1255 : vector<16x64xf32>
    %swap3A_1257 = arith.constant 0 : index
    %swap3A_1258 = arith.constant 1152 : index
    %swap3A_1259 = vector.load %arg10[%swap3A_1257, %swap3A_1258] : memref<16x4096xf32, #tpu.memory_space<vmem>>, vector<16x64xf32>
    tpu.vector_store %arg10[%swap3A_1257, %swap3A_1258], %logistic3A_1256 {strides = array<i32>} : memref<16x4096xf32, #tpu.memory_space<vmem>>, vector<16x64xf32>,
    %slice3A_1260 = vector.extract_strided_slice %add3A_1051 {offsets = [0, 1216], sizes = [16, 64], strides = [1, 1]} : vector<16x4096xf32> to vector<16x64xf32>
    %add3A_1261 = arith.addf %add3A_1250, %slice3A_1260 : vector<16x64xf32>
    %logistic3A_1262 = arith.negf %add3A_1261 : vector<16x64xf32>
    %logistic3A_1263 = math.exp %logistic3A_1262 : vector<16x64xf32>
    %logistic3A_1264 = arith.constant 1.000000e+00 : f32
    %logistic3A_1265 = vector.broadcast %logistic3A_1264 : f32 to vector<16x64xf32>
    %logistic3A_1266 = arith.addf %logistic3A_1265, %logistic3A_1263 : vector<16x64xf32>
    %logistic3A_1267 = arith.divf %logistic3A_1265, %logistic3A_1266 : vector<16x64xf32>
    %swap3A_1268 = arith.constant 0 : index
    %swap3A_1269 = arith.constant 1216 : index
    %swap3A_1270 = vector.load %arg10[%swap3A_1268, %swap3A_1269] : memref<16x4096xf32, #tpu.memory_space<vmem>>, vector<16x64xf32>
    tpu.vector_store %arg10[%swap3A_1268, %swap3A_1269], %logistic3A_1267 {strides = array<i32>} : memref<16x4096xf32, #tpu.memory_space<vmem>>, vector<16x64xf32>,
    %slice3A_1271 = vector.extract_strided_slice %add3A_1051 {offsets = [0, 1280], sizes = [16, 64], strides = [1, 1]} : vector<16x4096xf32> to vector<16x64xf32>
    %add3A_1272 = arith.addf %add3A_1261, %slice3A_1271 : vector<16x64xf32>
    %logistic3A_1273 = arith.negf %add3A_1272 : vector<16x64xf32>
    %logistic3A_1274 = math.exp %logistic3A_1273 : vector<16x64xf32>
    %logistic3A_1275 = arith.constant 1.000000e+00 : f32
    %logistic3A_1276 = vector.broadcast %logistic3A_1275 : f32 to vector<16x64xf32>
    %logistic3A_1277 = arith.addf %logistic3A_1276, %logistic3A_1274 : vector<16x64xf32>
    %logistic3A_1278 = arith.divf %logistic3A_1276, %logistic3A_1277 : vector<16x64xf32>
    %swap3A_1279 = arith.constant 0 : index
    %swap3A_1280 = arith.constant 1280 : index
    %swap3A_1281 = vector.load %arg10[%swap3A_1279, %swap3A_1280] : memref<16x4096xf32, #tpu.memory_space<vmem>>, vector<16x64xf32>
    tpu.vector_store %arg10[%swap3A_1279, %swap3A_1280], %logistic3A_1278 {strides = array<i32>} : memref<16x4096xf32, #tpu.memory_space<vmem>>, vector<16x64xf32>,
    %slice3A_1282 = vector.extract_strided_slice %add3A_1051 {offsets = [0, 1344], sizes = [16, 64], strides = [1, 1]} : vector<16x4096xf32> to vector<16x64xf32>
    %add3A_1283 = arith.addf %add3A_1272, %slice3A_1282 : vector<16x64xf32>
    %logistic3A_1284 = arith.negf %add3A_1283 : vector<16x64xf32>
    %logistic3A_1285 = math.exp %logistic3A_1284 : vector<16x64xf32>
    %logistic3A_1286 = arith.constant 1.000000e+00 : f32
    %logistic3A_1287 = vector.broadcast %logistic3A_1286 : f32 to vector<16x64xf32>
    %logistic3A_1288 = arith.addf %logistic3A_1287, %logistic3A_1285 : vector<16x64xf32>
    %logistic3A_1289 = arith.divf %logistic3A_1287, %logistic3A_1288 : vector<16x64xf32>
    %swap3A_1290 = arith.constant 0 : index
    %swap3A_1291 = arith.constant 1344 : index
    %swap3A_1292 = vector.load %arg10[%swap3A_1290, %swap3A_1291] : memref<16x4096xf32, #tpu.memory_space<vmem>>, vector<16x64xf32>
    tpu.vector_store %arg10[%swap3A_1290, %swap3A_1291], %logistic3A_1289 {strides = array<i32>} : memref<16x4096xf32, #tpu.memory_space<vmem>>, vector<16x64xf32>,
    %slice3A_1293 = vector.extract_strided_slice %add3A_1051 {offsets = [0, 1408], sizes = [16, 64], strides = [1, 1]} : vector<16x4096xf32> to vector<16x64xf32>
    %add3A_1294 = arith.addf %add3A_1283, %slice3A_1293 : vector<16x64xf32>
    %logistic3A_1295 = arith.negf %add3A_1294 : vector<16x64xf32>
    %logistic3A_1296 = math.exp %logistic3A_1295 : vector<16x64xf32>
    %logistic3A_1297 = arith.constant 1.000000e+00 : f32
    %logistic3A_1298 = vector.broadcast %logistic3A_1297 : f32 to vector<16x64xf32>
    %logistic3A_1299 = arith.addf %logistic3A_1298, %logistic3A_1296 : vector<16x64xf32>
    %logistic3A_1300 = arith.divf %logistic3A_1298, %logistic3A_1299 : vector<16x64xf32>
    %swap3A_1301 = arith.constant 0 : index
    %swap3A_1302 = arith.constant 1408 : index
    %swap3A_1303 = vector.load %arg10[%swap3A_1301, %swap3A_1302] : memref<16x4096xf32, #tpu.memory_space<vmem>>, vector<16x64xf32>
    tpu.vector_store %arg10[%swap3A_1301, %swap3A_1302], %logistic3A_1300 {strides = array<i32>} : memref<16x4096xf32, #tpu.memory_space<vmem>>, vector<16x64xf32>,
    %slice3A_1304 = vector.extract_strided_slice %add3A_1051 {offsets = [0, 1472], sizes = [16, 64], strides = [1, 1]} : vector<16x4096xf32> to vector<16x64xf32>
    %add3A_1305 = arith.addf %add3A_1294, %slice3A_1304 : vector<16x64xf32>
    %logistic3A_1306 = arith.negf %add3A_1305 : vector<16x64xf32>
    %logistic3A_1307 = math.exp %logistic3A_1306 : vector<16x64xf32>
    %logistic3A_1308 = arith.constant 1.000000e+00 : f32
    %logistic3A_1309 = vector.broadcast %logistic3A_1308 : f32 to vector<16x64xf32>
    %logistic3A_1310 = arith.addf %logistic3A_1309, %logistic3A_1307 : vector<16x64xf32>
    %logistic3A_1311 = arith.divf %logistic3A_1309, %logistic3A_1310 : vector<16x64xf32>
    %swap3A_1312 = arith.constant 0 : index
    %swap3A_1313 = arith.constant 1472 : index
    %swap3A_1314 = vector.load %arg10[%swap3A_1312, %swap3A_1313] : memref<16x4096xf32, #tpu.memory_space<vmem>>, vector<16x64xf32>
    tpu.vector_store %arg10[%swap3A_1312, %swap3A_1313], %logistic3A_1311 {strides = array<i32>} : memref<16x4096xf32, #tpu.memory_space<vmem>>, vector<16x64xf32>,
    %slice3A_1315 = vector.extract_strided_slice %add3A_1051 {offsets = [0, 1536], sizes = [16, 64], strides = [1, 1]} : vector<16x4096xf32> to vector<16x64xf32>
    %add3A_1316 = arith.addf %add3A_1305, %slice3A_1315 : vector<16x64xf32>
    %logistic3A_1317 = arith.negf %add3A_1316 : vector<16x64xf32>
    %logistic3A_1318 = math.exp %logistic3A_1317 : vector<16x64xf32>
    %logistic3A_1319 = arith.constant 1.000000e+00 : f32
    %logistic3A_1320 = vector.broadcast %logistic3A_1319 : f32 to vector<16x64xf32>
    %logistic3A_1321 = arith.addf %logistic3A_1320, %logistic3A_1318 : vector<16x64xf32>
    %logistic3A_1322 = arith.divf %logistic3A_1320, %logistic3A_1321 : vector<16x64xf32>
    %swap3A_1323 = arith.constant 0 : index
    %swap3A_1324 = arith.constant 1536 : index
    %swap3A_1325 = vector.load %arg10[%swap3A_1323, %swap3A_1324] : memref<16x4096xf32, #tpu.memory_space<vmem>>, vector<16x64xf32>
    tpu.vector_store %arg10[%swap3A_1323, %swap3A_1324], %logistic3A_1322 {strides = array<i32>} : memref<16x4096xf32, #tpu.memory_space<vmem>>, vector<16x64xf32>,
    %slice3A_1326 = vector.extract_strided_slice %add3A_1051 {offsets = [0, 1600], sizes = [16, 64], strides = [1, 1]} : vector<16x4096xf32> to vector<16x64xf32>
    %add3A_1327 = arith.addf %add3A_1316, %slice3A_1326 : vector<16x64xf32>
    %logistic3A_1328 = arith.negf %add3A_1327 : vector<16x64xf32>
    %logistic3A_1329 = math.exp %logistic3A_1328 : vector<16x64xf32>
    %logistic3A_1330 = arith.constant 1.000000e+00 : f32
    %logistic3A_1331 = vector.broadcast %logistic3A_1330 : f32 to vector<16x64xf32>
    %logistic3A_1332 = arith.addf %logistic3A_1331, %logistic3A_1329 : vector<16x64xf32>
    %logistic3A_1333 = arith.divf %logistic3A_1331, %logistic3A_1332 : vector<16x64xf32>
    %swap3A_1334 = arith.constant 0 : index
    %swap3A_1335 = arith.constant 1600 : index
    %swap3A_1336 = vector.load %arg10[%swap3A_1334, %swap3A_1335] : memref<16x4096xf32, #tpu.memory_space<vmem>>, vector<16x64xf32>
    tpu.vector_store %arg10[%swap3A_1334, %swap3A_1335], %logistic3A_1333 {strides = array<i32>} : memref<16x4096xf32, #tpu.memory_space<vmem>>, vector<16x64xf32>,
    %slice3A_1337 = vector.extract_strided_slice %add3A_1051 {offsets = [0, 1664], sizes = [16, 64], strides = [1, 1]} : vector<16x4096xf32> to vector<16x64xf32>
    %add3A_1338 = arith.addf %add3A_1327, %slice3A_1337 : vector<16x64xf32>
    %logistic3A_1339 = arith.negf %add3A_1338 : vector<16x64xf32>
    %logistic3A_1340 = math.exp %logistic3A_1339 : vector<16x64xf32>
    %logistic3A_1341 = arith.constant 1.000000e+00 : f32
    %logistic3A_1342 = vector.broadcast %logistic3A_1341 : f32 to vector<16x64xf32>
    %logistic3A_1343 = arith.addf %logistic3A_1342, %logistic3A_1340 : vector<16x64xf32>
    %logistic3A_1344 = arith.divf %logistic3A_1342, %logistic3A_1343 : vector<16x64xf32>
    %swap3A_1345 = arith.constant 0 : index
    %swap3A_1346 = arith.constant 1664 : index
    %swap3A_1347 = vector.load %arg10[%swap3A_1345, %swap3A_1346] : memref<16x4096xf32, #tpu.memory_space<vmem>>, vector<16x64xf32>
    tpu.vector_store %arg10[%swap3A_1345, %swap3A_1346], %logistic3A_1344 {strides = array<i32>} : memref<16x4096xf32, #tpu.memory_space<vmem>>, vector<16x64xf32>,
    %slice3A_1348 = vector.extract_strided_slice %add3A_1051 {offsets = [0, 1728], sizes = [16, 64], strides = [1, 1]} : vector<16x4096xf32> to vector<16x64xf32>
    %add3A_1349 = arith.addf %add3A_1338, %slice3A_1348 : vector<16x64xf32>
    %logistic3A_1350 = arith.negf %add3A_1349 : vector<16x64xf32>
    %logistic3A_1351 = math.exp %logistic3A_1350 : vector<16x64xf32>
    %logistic3A_1352 = arith.constant 1.000000e+00 : f32
    %logistic3A_1353 = vector.broadcast %logistic3A_1352 : f32 to vector<16x64xf32>
    %logistic3A_1354 = arith.addf %logistic3A_1353, %logistic3A_1351 : vector<16x64xf32>
    %logistic3A_1355 = arith.divf %logistic3A_1353, %logistic3A_1354 : vector<16x64xf32>
    %swap3A_1356 = arith.constant 0 : index
    %swap3A_1357 = arith.constant 1728 : index
    %swap3A_1358 = vector.load %arg10[%swap3A_1356, %swap3A_1357] : memref<16x4096xf32, #tpu.memory_space<vmem>>, vector<16x64xf32>
    tpu.vector_store %arg10[%swap3A_1356, %swap3A_1357], %logistic3A_1355 {strides = array<i32>} : memref<16x4096xf32, #tpu.memory_space<vmem>>, vector<16x64xf32>,
    %slice3A_1359 = vector.extract_strided_slice %add3A_1051 {offsets = [0, 1792], sizes = [16, 64], strides = [1, 1]} : vector<16x4096xf32> to vector<16x64xf32>
    %add3A_1360 = arith.addf %add3A_1349, %slice3A_1359 : vector<16x64xf32>
    %logistic3A_1361 = arith.negf %add3A_1360 : vector<16x64xf32>
    %logistic3A_1362 = math.exp %logistic3A_1361 : vector<16x64xf32>
    %logistic3A_1363 = arith.constant 1.000000e+00 : f32
    %logistic3A_1364 = vector.broadcast %logistic3A_1363 : f32 to vector<16x64xf32>
    %logistic3A_1365 = arith.addf %logistic3A_1364, %logistic3A_1362 : vector<16x64xf32>
    %logistic3A_1366 = arith.divf %logistic3A_1364, %logistic3A_1365 : vector<16x64xf32>
    %swap3A_1367 = arith.constant 0 : index
    %swap3A_1368 = arith.constant 1792 : index
    %swap3A_1369 = vector.load %arg10[%swap3A_1367, %swap3A_1368] : memref<16x4096xf32, #tpu.memory_space<vmem>>, vector<16x64xf32>
    tpu.vector_store %arg10[%swap3A_1367, %swap3A_1368], %logistic3A_1366 {strides = array<i32>} : memref<16x4096xf32, #tpu.memory_space<vmem>>, vector<16x64xf32>,
    %slice3A_1370 = vector.extract_strided_slice %add3A_1051 {offsets = [0, 1856], sizes = [16, 64], strides = [1, 1]} : vector<16x4096xf32> to vector<16x64xf32>
    %add3A_1371 = arith.addf %add3A_1360, %slice3A_1370 : vector<16x64xf32>
    %logistic3A_1372 = arith.negf %add3A_1371 : vector<16x64xf32>
    %logistic3A_1373 = math.exp %logistic3A_1372 : vector<16x64xf32>
    %logistic3A_1374 = arith.constant 1.000000e+00 : f32
    %logistic3A_1375 = vector.broadcast %logistic3A_1374 : f32 to vector<16x64xf32>
    %logistic3A_1376 = arith.addf %logistic3A_1375, %logistic3A_1373 : vector<16x64xf32>
    %logistic3A_1377 = arith.divf %logistic3A_1375, %logistic3A_1376 : vector<16x64xf32>
    %swap3A_1378 = arith.constant 0 : index
    %swap3A_1379 = arith.constant 1856 : index
    %swap3A_1380 = vector.load %arg10[%swap3A_1378, %swap3A_1379] : memref<16x4096xf32, #tpu.memory_space<vmem>>, vector<16x64xf32>
    tpu.vector_store %arg10[%swap3A_1378, %swap3A_1379], %logistic3A_1377 {strides = array<i32>} : memref<16x4096xf32, #tpu.memory_space<vmem>>, vector<16x64xf32>,
    %slice3A_1381 = vector.extract_strided_slice %add3A_1051 {offsets = [0, 1920], sizes = [16, 64], strides = [1, 1]} : vector<16x4096xf32> to vector<16x64xf32>
    %add3A_1382 = arith.addf %add3A_1371, %slice3A_1381 : vector<16x64xf32>
    %logistic3A_1383 = arith.negf %add3A_1382 : vector<16x64xf32>
    %logistic3A_1384 = math.exp %logistic3A_1383 : vector<16x64xf32>
    %logistic3A_1385 = arith.constant 1.000000e+00 : f32
    %logistic3A_1386 = vector.broadcast %logistic3A_1385 : f32 to vector<16x64xf32>
    %logistic3A_1387 = arith.addf %logistic3A_1386, %logistic3A_1384 : vector<16x64xf32>
    %logistic3A_1388 = arith.divf %logistic3A_1386, %logistic3A_1387 : vector<16x64xf32>
    %swap3A_1389 = arith.constant 0 : index
    %swap3A_1390 = arith.constant 1920 : index
    %swap3A_1391 = vector.load %arg10[%swap3A_1389, %swap3A_1390] : memref<16x4096xf32, #tpu.memory_space<vmem>>, vector<16x64xf32>
    tpu.vector_store %arg10[%swap3A_1389, %swap3A_1390], %logistic3A_1388 {strides = array<i32>} : memref<16x4096xf32, #tpu.memory_space<vmem>>, vector<16x64xf32>,
    %slice3A_1392 = vector.extract_strided_slice %add3A_1051 {offsets = [0, 1984], sizes = [16, 64], strides = [1, 1]} : vector<16x4096xf32> to vector<16x64xf32>
    %add3A_1393 = arith.addf %add3A_1382, %slice3A_1392 : vector<16x64xf32>
    %logistic3A_1394 = arith.negf %add3A_1393 : vector<16x64xf32>
    %logistic3A_1395 = math.exp %logistic3A_1394 : vector<16x64xf32>
    %logistic3A_1396 = arith.constant 1.000000e+00 : f32
    %logistic3A_1397 = vector.broadcast %logistic3A_1396 : f32 to vector<16x64xf32>
    %logistic3A_1398 = arith.addf %logistic3A_1397, %logistic3A_1395 : vector<16x64xf32>
    %logistic3A_1399 = arith.divf %logistic3A_1397, %logistic3A_1398 : vector<16x64xf32>
    %swap3A_1400 = arith.constant 0 : index
    %swap3A_1401 = arith.constant 1984 : index
    %swap3A_1402 = vector.load %arg10[%swap3A_1400, %swap3A_1401] : memref<16x4096xf32, #tpu.memory_space<vmem>>, vector<16x64xf32>
    tpu.vector_store %arg10[%swap3A_1400, %swap3A_1401], %logistic3A_1399 {strides = array<i32>} : memref<16x4096xf32, #tpu.memory_space<vmem>>, vector<16x64xf32>,
    %slice3A_1403 = vector.extract_strided_slice %add3A_1051 {offsets = [0, 2048], sizes = [16, 64], strides = [1, 1]} : vector<16x4096xf32> to vector<16x64xf32>
    %add3A_1404 = arith.addf %add3A_1393, %slice3A_1403 : vector<16x64xf32>
    %logistic3A_1405 = arith.negf %add3A_1404 : vector<16x64xf32>
    %logistic3A_1406 = math.exp %logistic3A_1405 : vector<16x64xf32>
    %logistic3A_1407 = arith.constant 1.000000e+00 : f32
    %logistic3A_1408 = vector.broadcast %logistic3A_1407 : f32 to vector<16x64xf32>
    %logistic3A_1409 = arith.addf %logistic3A_1408, %logistic3A_1406 : vector<16x64xf32>
    %logistic3A_1410 = arith.divf %logistic3A_1408, %logistic3A_1409 : vector<16x64xf32>
    %swap3A_1411 = arith.constant 0 : index
    %swap3A_1412 = arith.constant 2048 : index
    %swap3A_1413 = vector.load %arg10[%swap3A_1411, %swap3A_1412] : memref<16x4096xf32, #tpu.memory_space<vmem>>, vector<16x64xf32>
    tpu.vector_store %arg10[%swap3A_1411, %swap3A_1412], %logistic3A_1410 {strides = array<i32>} : memref<16x4096xf32, #tpu.memory_space<vmem>>, vector<16x64xf32>,
    %slice3A_1414 = vector.extract_strided_slice %add3A_1051 {offsets = [0, 2112], sizes = [16, 64], strides = [1, 1]} : vector<16x4096xf32> to vector<16x64xf32>
    %add3A_1415 = arith.addf %add3A_1404, %slice3A_1414 : vector<16x64xf32>
    %logistic3A_1416 = arith.negf %add3A_1415 : vector<16x64xf32>
    %logistic3A_1417 = math.exp %logistic3A_1416 : vector<16x64xf32>
    %logistic3A_1418 = arith.constant 1.000000e+00 : f32
    %logistic3A_1419 = vector.broadcast %logistic3A_1418 : f32 to vector<16x64xf32>
    %logistic3A_1420 = arith.addf %logistic3A_1419, %logistic3A_1417 : vector<16x64xf32>
    %logistic3A_1421 = arith.divf %logistic3A_1419, %logistic3A_1420 : vector<16x64xf32>
    %swap3A_1422 = arith.constant 0 : index
    %swap3A_1423 = arith.constant 2112 : index
    %swap3A_1424 = vector.load %arg10[%swap3A_1422, %swap3A_1423] : memref<16x4096xf32, #tpu.memory_space<vmem>>, vector<16x64xf32>
    tpu.vector_store %arg10[%swap3A_1422, %swap3A_1423], %logistic3A_1421 {strides = array<i32>} : memref<16x4096xf32, #tpu.memory_space<vmem>>, vector<16x64xf32>,
    %slice3A_1425 = vector.extract_strided_slice %add3A_1051 {offsets = [0, 2176], sizes = [16, 64], strides = [1, 1]} : vector<16x4096xf32> to vector<16x64xf32>
    %add3A_1426 = arith.addf %add3A_1415, %slice3A_1425 : vector<16x64xf32>
    %logistic3A_1427 = arith.negf %add3A_1426 : vector<16x64xf32>
    %logistic3A_1428 = math.exp %logistic3A_1427 : vector<16x64xf32>
    %logistic3A_1429 = arith.constant 1.000000e+00 : f32
    %logistic3A_1430 = vector.broadcast %logistic3A_1429 : f32 to vector<16x64xf32>
    %logistic3A_1431 = arith.addf %logistic3A_1430, %logistic3A_1428 : vector<16x64xf32>
    %logistic3A_1432 = arith.divf %logistic3A_1430, %logistic3A_1431 : vector<16x64xf32>
    %swap3A_1433 = arith.constant 0 : index
    %swap3A_1434 = arith.constant 2176 : index
    %swap3A_1435 = vector.load %arg10[%swap3A_1433, %swap3A_1434] : memref<16x4096xf32, #tpu.memory_space<vmem>>, vector<16x64xf32>
    tpu.vector_store %arg10[%swap3A_1433, %swap3A_1434], %logistic3A_1432 {strides = array<i32>} : memref<16x4096xf32, #tpu.memory_space<vmem>>, vector<16x64xf32>,
    %slice3A_1436 = vector.extract_strided_slice %add3A_1051 {offsets = [0, 2240], sizes = [16, 64], strides = [1, 1]} : vector<16x4096xf32> to vector<16x64xf32>
    %add3A_1437 = arith.addf %add3A_1426, %slice3A_1436 : vector<16x64xf32>
    %logistic3A_1438 = arith.negf %add3A_1437 : vector<16x64xf32>
    %logistic3A_1439 = math.exp %logistic3A_1438 : vector<16x64xf32>
    %logistic3A_1440 = arith.constant 1.000000e+00 : f32
    %logistic3A_1441 = vector.broadcast %logistic3A_1440 : f32 to vector<16x64xf32>
    %logistic3A_1442 = arith.addf %logistic3A_1441, %logistic3A_1439 : vector<16x64xf32>
    %logistic3A_1443 = arith.divf %logistic3A_1441, %logistic3A_1442 : vector<16x64xf32>
    %swap3A_1444 = arith.constant 0 : index
    %swap3A_1445 = arith.constant 2240 : index
    %swap3A_1446 = vector.load %arg10[%swap3A_1444, %swap3A_1445] : memref<16x4096xf32, #tpu.memory_space<vmem>>, vector<16x64xf32>
    tpu.vector_store %arg10[%swap3A_1444, %swap3A_1445], %logistic3A_1443 {strides = array<i32>} : memref<16x4096xf32, #tpu.memory_space<vmem>>, vector<16x64xf32>,
    %slice3A_1447 = vector.extract_strided_slice %add3A_1051 {offsets = [0, 2304], sizes = [16, 64], strides = [1, 1]} : vector<16x4096xf32> to vector<16x64xf32>
    %add3A_1448 = arith.addf %add3A_1437, %slice3A_1447 : vector<16x64xf32>
    %logistic3A_1449 = arith.negf %add3A_1448 : vector<16x64xf32>
    %logistic3A_1450 = math.exp %logistic3A_1449 : vector<16x64xf32>
    %logistic3A_1451 = arith.constant 1.000000e+00 : f32
    %logistic3A_1452 = vector.broadcast %logistic3A_1451 : f32 to vector<16x64xf32>
    %logistic3A_1453 = arith.addf %logistic3A_1452, %logistic3A_1450 : vector<16x64xf32>
    %logistic3A_1454 = arith.divf %logistic3A_1452, %logistic3A_1453 : vector<16x64xf32>
    %swap3A_1455 = arith.constant 0 : index
    %swap3A_1456 = arith.constant 2304 : index
    %swap3A_1457 = vector.load %arg10[%swap3A_1455, %swap3A_1456] : memref<16x4096xf32, #tpu.memory_space<vmem>>, vector<16x64xf32>
    tpu.vector_store %arg10[%swap3A_1455, %swap3A_1456], %logistic3A_1454 {strides = array<i32>} : memref<16x4096xf32, #tpu.memory_space<vmem>>, vector<16x64xf32>,
    %slice3A_1458 = vector.extract_strided_slice %add3A_1051 {offsets = [0, 2368], sizes = [16, 64], strides = [1, 1]} : vector<16x4096xf32> to vector<16x64xf32>
    %add3A_1459 = arith.addf %add3A_1448, %slice3A_1458 : vector<16x64xf32>
    %logistic3A_1460 = arith.negf %add3A_1459 : vector<16x64xf32>
    %logistic3A_1461 = math.exp %logistic3A_1460 : vector<16x64xf32>
    %logistic3A_1462 = arith.constant 1.000000e+00 : f32
    %logistic3A_1463 = vector.broadcast %logistic3A_1462 : f32 to vector<16x64xf32>
    %logistic3A_1464 = arith.addf %logistic3A_1463, %logistic3A_1461 : vector<16x64xf32>
    %logistic3A_1465 = arith.divf %logistic3A_1463, %logistic3A_1464 : vector<16x64xf32>
    %swap3A_1466 = arith.constant 0 : index
    %swap3A_1467 = arith.constant 2368 : index
    %swap3A_1468 = vector.load %arg10[%swap3A_1466, %swap3A_1467] : memref<16x4096xf32, #tpu.memory_space<vmem>>, vector<16x64xf32>
    tpu.vector_store %arg10[%swap3A_1466, %swap3A_1467], %logistic3A_1465 {strides = array<i32>} : memref<16x4096xf32, #tpu.memory_space<vmem>>, vector<16x64xf32>,
    %slice3A_1469 = vector.extract_strided_slice %add3A_1051 {offsets = [0, 2432], sizes = [16, 64], strides = [1, 1]} : vector<16x4096xf32> to vector<16x64xf32>
    %add3A_1470 = arith.addf %add3A_1459, %slice3A_1469 : vector<16x64xf32>
    %logistic3A_1471 = arith.negf %add3A_1470 : vector<16x64xf32>
    %logistic3A_1472 = math.exp %logistic3A_1471 : vector<16x64xf32>
    %logistic3A_1473 = arith.constant 1.000000e+00 : f32
    %logistic3A_1474 = vector.broadcast %logistic3A_1473 : f32 to vector<16x64xf32>
    %logistic3A_1475 = arith.addf %logistic3A_1474, %logistic3A_1472 : vector<16x64xf32>
    %logistic3A_1476 = arith.divf %logistic3A_1474, %logistic3A_1475 : vector<16x64xf32>
    %swap3A_1477 = arith.constant 0 : index
    %swap3A_1478 = arith.constant 2432 : index
    %swap3A_1479 = vector.load %arg10[%swap3A_1477, %swap3A_1478] : memref<16x4096xf32, #tpu.memory_space<vmem>>, vector<16x64xf32>
    tpu.vector_store %arg10[%swap3A_1477, %swap3A_1478], %logistic3A_1476 {strides = array<i32>} : memref<16x4096xf32, #tpu.memory_space<vmem>>, vector<16x64xf32>,
    %slice3A_1480 = vector.extract_strided_slice %add3A_1051 {offsets = [0, 2496], sizes = [16, 64], strides = [1, 1]} : vector<16x4096xf32> to vector<16x64xf32>
    %add3A_1481 = arith.addf %add3A_1470, %slice3A_1480 : vector<16x64xf32>
    %logistic3A_1482 = arith.negf %add3A_1481 : vector<16x64xf32>
    %logistic3A_1483 = math.exp %logistic3A_1482 : vector<16x64xf32>
    %logistic3A_1484 = arith.constant 1.000000e+00 : f32
    %logistic3A_1485 = vector.broadcast %logistic3A_1484 : f32 to vector<16x64xf32>
    %logistic3A_1486 = arith.addf %logistic3A_1485, %logistic3A_1483 : vector<16x64xf32>
    %logistic3A_1487 = arith.divf %logistic3A_1485, %logistic3A_1486 : vector<16x64xf32>
    %swap3A_1488 = arith.constant 0 : index
    %swap3A_1489 = arith.constant 2496 : index
    %swap3A_1490 = vector.load %arg10[%swap3A_1488, %swap3A_1489] : memref<16x4096xf32, #tpu.memory_space<vmem>>, vector<16x64xf32>
    tpu.vector_store %arg10[%swap3A_1488, %swap3A_1489], %logistic3A_1487 {strides = array<i32>} : memref<16x4096xf32, #tpu.memory_space<vmem>>, vector<16x64xf32>,
    %slice3A_1491 = vector.extract_strided_slice %add3A_1051 {offsets = [0, 2560], sizes = [16, 64], strides = [1, 1]} : vector<16x4096xf32> to vector<16x64xf32>
    %add3A_1492 = arith.addf %add3A_1481, %slice3A_1491 : vector<16x64xf32>
    %logistic3A_1493 = arith.negf %add3A_1492 : vector<16x64xf32>
    %logistic3A_1494 = math.exp %logistic3A_1493 : vector<16x64xf32>
    %logistic3A_1495 = arith.constant 1.000000e+00 : f32
    %logistic3A_1496 = vector.broadcast %logistic3A_1495 : f32 to vector<16x64xf32>
    %logistic3A_1497 = arith.addf %logistic3A_1496, %logistic3A_1494 : vector<16x64xf32>
    %logistic3A_1498 = arith.divf %logistic3A_1496, %logistic3A_1497 : vector<16x64xf32>
    %swap3A_1499 = arith.constant 0 : index
    %swap3A_1500 = arith.constant 2560 : index
    %swap3A_1501 = vector.load %arg10[%swap3A_1499, %swap3A_1500] : memref<16x4096xf32, #tpu.memory_space<vmem>>, vector<16x64xf32>
    tpu.vector_store %arg10[%swap3A_1499, %swap3A_1500], %logistic3A_1498 {strides = array<i32>} : memref<16x4096xf32, #tpu.memory_space<vmem>>, vector<16x64xf32>,
    %slice3A_1502 = vector.extract_strided_slice %add3A_1051 {offsets = [0, 2624], sizes = [16, 64], strides = [1, 1]} : vector<16x4096xf32> to vector<16x64xf32>
    %add3A_1503 = arith.addf %add3A_1492, %slice3A_1502 : vector<16x64xf32>
    %logistic3A_1504 = arith.negf %add3A_1503 : vector<16x64xf32>
    %logistic3A_1505 = math.exp %logistic3A_1504 : vector<16x64xf32>
    %logistic3A_1506 = arith.constant 1.000000e+00 : f32
    %logistic3A_1507 = vector.broadcast %logistic3A_1506 : f32 to vector<16x64xf32>
    %logistic3A_1508 = arith.addf %logistic3A_1507, %logistic3A_1505 : vector<16x64xf32>
    %logistic3A_1509 = arith.divf %logistic3A_1507, %logistic3A_1508 : vector<16x64xf32>
    %swap3A_1510 = arith.constant 0 : index
    %swap3A_1511 = arith.constant 2624 : index
    %swap3A_1512 = vector.load %arg10[%swap3A_1510, %swap3A_1511] : memref<16x4096xf32, #tpu.memory_space<vmem>>, vector<16x64xf32>
    tpu.vector_store %arg10[%swap3A_1510, %swap3A_1511], %logistic3A_1509 {strides = array<i32>} : memref<16x4096xf32, #tpu.memory_space<vmem>>, vector<16x64xf32>,
    %slice3A_1513 = vector.extract_strided_slice %add3A_1051 {offsets = [0, 2688], sizes = [16, 64], strides = [1, 1]} : vector<16x4096xf32> to vector<16x64xf32>
    %add3A_1514 = arith.addf %add3A_1503, %slice3A_1513 : vector<16x64xf32>
    %logistic3A_1515 = arith.negf %add3A_1514 : vector<16x64xf32>
    %logistic3A_1516 = math.exp %logistic3A_1515 : vector<16x64xf32>
    %logistic3A_1517 = arith.constant 1.000000e+00 : f32
    %logistic3A_1518 = vector.broadcast %logistic3A_1517 : f32 to vector<16x64xf32>
    %logistic3A_1519 = arith.addf %logistic3A_1518, %logistic3A_1516 : vector<16x64xf32>
    %logistic3A_1520 = arith.divf %logistic3A_1518, %logistic3A_1519 : vector<16x64xf32>
    %swap3A_1521 = arith.constant 0 : index
    %swap3A_1522 = arith.constant 2688 : index
    %swap3A_1523 = vector.load %arg10[%swap3A_1521, %swap3A_1522] : memref<16x4096xf32, #tpu.memory_space<vmem>>, vector<16x64xf32>
    tpu.vector_store %arg10[%swap3A_1521, %swap3A_1522], %logistic3A_1520 {strides = array<i32>} : memref<16x4096xf32, #tpu.memory_space<vmem>>, vector<16x64xf32>,
    %slice3A_1524 = vector.extract_strided_slice %add3A_1051 {offsets = [0, 2752], sizes = [16, 64], strides = [1, 1]} : vector<16x4096xf32> to vector<16x64xf32>
    %add3A_1525 = arith.addf %add3A_1514, %slice3A_1524 : vector<16x64xf32>
    %logistic3A_1526 = arith.negf %add3A_1525 : vector<16x64xf32>
    %logistic3A_1527 = math.exp %logistic3A_1526 : vector<16x64xf32>
    %logistic3A_1528 = arith.constant 1.000000e+00 : f32
    %logistic3A_1529 = vector.broadcast %logistic3A_1528 : f32 to vector<16x64xf32>
    %logistic3A_1530 = arith.addf %logistic3A_1529, %logistic3A_1527 : vector<16x64xf32>
    %logistic3A_1531 = arith.divf %logistic3A_1529, %logistic3A_1530 : vector<16x64xf32>
    %swap3A_1532 = arith.constant 0 : index
    %swap3A_1533 = arith.constant 2752 : index
    %swap3A_1534 = vector.load %arg10[%swap3A_1532, %swap3A_1533] : memref<16x4096xf32, #tpu.memory_space<vmem>>, vector<16x64xf32>
    tpu.vector_store %arg10[%swap3A_1532, %swap3A_1533], %logistic3A_1531 {strides = array<i32>} : memref<16x4096xf32, #tpu.memory_space<vmem>>, vector<16x64xf32>,
    %slice3A_1535 = vector.extract_strided_slice %add3A_1051 {offsets = [0, 2816], sizes = [16, 64], strides = [1, 1]} : vector<16x4096xf32> to vector<16x64xf32>
    %add3A_1536 = arith.addf %add3A_1525, %slice3A_1535 : vector<16x64xf32>
    %logistic3A_1537 = arith.negf %add3A_1536 : vector<16x64xf32>
    %logistic3A_1538 = math.exp %logistic3A_1537 : vector<16x64xf32>
    %logistic3A_1539 = arith.constant 1.000000e+00 : f32
    %logistic3A_1540 = vector.broadcast %logistic3A_1539 : f32 to vector<16x64xf32>
    %logistic3A_1541 = arith.addf %logistic3A_1540, %logistic3A_1538 : vector<16x64xf32>
    %logistic3A_1542 = arith.divf %logistic3A_1540, %logistic3A_1541 : vector<16x64xf32>
    %swap3A_1543 = arith.constant 0 : index
    %swap3A_1544 = arith.constant 2816 : index
    %swap3A_1545 = vector.load %arg10[%swap3A_1543, %swap3A_1544] : memref<16x4096xf32, #tpu.memory_space<vmem>>, vector<16x64xf32>
    tpu.vector_store %arg10[%swap3A_1543, %swap3A_1544], %logistic3A_1542 {strides = array<i32>} : memref<16x4096xf32, #tpu.memory_space<vmem>>, vector<16x64xf32>,
    %slice3A_1546 = vector.extract_strided_slice %add3A_1051 {offsets = [0, 2880], sizes = [16, 64], strides = [1, 1]} : vector<16x4096xf32> to vector<16x64xf32>
    %add3A_1547 = arith.addf %add3A_1536, %slice3A_1546 : vector<16x64xf32>
    %logistic3A_1548 = arith.negf %add3A_1547 : vector<16x64xf32>
    %logistic3A_1549 = math.exp %logistic3A_1548 : vector<16x64xf32>
    %logistic3A_1550 = arith.constant 1.000000e+00 : f32
    %logistic3A_1551 = vector.broadcast %logistic3A_1550 : f32 to vector<16x64xf32>
    %logistic3A_1552 = arith.addf %logistic3A_1551, %logistic3A_1549 : vector<16x64xf32>
    %logistic3A_1553 = arith.divf %logistic3A_1551, %logistic3A_1552 : vector<16x64xf32>
    %swap3A_1554 = arith.constant 0 : index
    %swap3A_1555 = arith.constant 2880 : index
    %swap3A_1556 = vector.load %arg10[%swap3A_1554, %swap3A_1555] : memref<16x4096xf32, #tpu.memory_space<vmem>>, vector<16x64xf32>
    tpu.vector_store %arg10[%swap3A_1554, %swap3A_1555], %logistic3A_1553 {strides = array<i32>} : memref<16x4096xf32, #tpu.memory_space<vmem>>, vector<16x64xf32>,
    %slice3A_1557 = vector.extract_strided_slice %add3A_1051 {offsets = [0, 2944], sizes = [16, 64], strides = [1, 1]} : vector<16x4096xf32> to vector<16x64xf32>
    %add3A_1558 = arith.addf %add3A_1547, %slice3A_1557 : vector<16x64xf32>
    %logistic3A_1559 = arith.negf %add3A_1558 : vector<16x64xf32>
    %logistic3A_1560 = math.exp %logistic3A_1559 : vector<16x64xf32>
    %logistic3A_1561 = arith.constant 1.000000e+00 : f32
    %logistic3A_1562 = vector.broadcast %logistic3A_1561 : f32 to vector<16x64xf32>
    %logistic3A_1563 = arith.addf %logistic3A_1562, %logistic3A_1560 : vector<16x64xf32>
    %logistic3A_1564 = arith.divf %logistic3A_1562, %logistic3A_1563 : vector<16x64xf32>
    %swap3A_1565 = arith.constant 0 : index
    %swap3A_1566 = arith.constant 2944 : index
    %swap3A_1567 = vector.load %arg10[%swap3A_1565, %swap3A_1566] : memref<16x4096xf32, #tpu.memory_space<vmem>>, vector<16x64xf32>
    tpu.vector_store %arg10[%swap3A_1565, %swap3A_1566], %logistic3A_1564 {strides = array<i32>} : memref<16x4096xf32, #tpu.memory_space<vmem>>, vector<16x64xf32>,
    %slice3A_1568 = vector.extract_strided_slice %add3A_1051 {offsets = [0, 3008], sizes = [16, 64], strides = [1, 1]} : vector<16x4096xf32> to vector<16x64xf32>
    %add3A_1569 = arith.addf %add3A_1558, %slice3A_1568 : vector<16x64xf32>
    %logistic3A_1570 = arith.negf %add3A_1569 : vector<16x64xf32>
    %logistic3A_1571 = math.exp %logistic3A_1570 : vector<16x64xf32>
    %logistic3A_1572 = arith.constant 1.000000e+00 : f32
    %logistic3A_1573 = vector.broadcast %logistic3A_1572 : f32 to vector<16x64xf32>
    %logistic3A_1574 = arith.addf %logistic3A_1573, %logistic3A_1571 : vector<16x64xf32>
    %logistic3A_1575 = arith.divf %logistic3A_1573, %logistic3A_1574 : vector<16x64xf32>
    %swap3A_1576 = arith.constant 0 : index
    %swap3A_1577 = arith.constant 3008 : index
    %swap3A_1578 = vector.load %arg10[%swap3A_1576, %swap3A_1577] : memref<16x4096xf32, #tpu.memory_space<vmem>>, vector<16x64xf32>
    tpu.vector_store %arg10[%swap3A_1576, %swap3A_1577], %logistic3A_1575 {strides = array<i32>} : memref<16x4096xf32, #tpu.memory_space<vmem>>, vector<16x64xf32>,
    %slice3A_1579 = vector.extract_strided_slice %add3A_1051 {offsets = [0, 3072], sizes = [16, 64], strides = [1, 1]} : vector<16x4096xf32> to vector<16x64xf32>
    %add3A_1580 = arith.addf %add3A_1569, %slice3A_1579 : vector<16x64xf32>
    %logistic3A_1581 = arith.negf %add3A_1580 : vector<16x64xf32>
    %logistic3A_1582 = math.exp %logistic3A_1581 : vector<16x64xf32>
    %logistic3A_1583 = arith.constant 1.000000e+00 : f32
    %logistic3A_1584 = vector.broadcast %logistic3A_1583 : f32 to vector<16x64xf32>
    %logistic3A_1585 = arith.addf %logistic3A_1584, %logistic3A_1582 : vector<16x64xf32>
    %logistic3A_1586 = arith.divf %logistic3A_1584, %logistic3A_1585 : vector<16x64xf32>
    %swap3A_1587 = arith.constant 0 : index
    %swap3A_1588 = arith.constant 3072 : index
    %swap3A_1589 = vector.load %arg10[%swap3A_1587, %swap3A_1588] : memref<16x4096xf32, #tpu.memory_space<vmem>>, vector<16x64xf32>
    tpu.vector_store %arg10[%swap3A_1587, %swap3A_1588], %logistic3A_1586 {strides = array<i32>} : memref<16x4096xf32, #tpu.memory_space<vmem>>, vector<16x64xf32>,
    %slice3A_1590 = vector.extract_strided_slice %add3A_1051 {offsets = [0, 3136], sizes = [16, 64], strides = [1, 1]} : vector<16x4096xf32> to vector<16x64xf32>
    %add3A_1591 = arith.addf %add3A_1580, %slice3A_1590 : vector<16x64xf32>
    %logistic3A_1592 = arith.negf %add3A_1591 : vector<16x64xf32>
    %logistic3A_1593 = math.exp %logistic3A_1592 : vector<16x64xf32>
    %logistic3A_1594 = arith.constant 1.000000e+00 : f32
    %logistic3A_1595 = vector.broadcast %logistic3A_1594 : f32 to vector<16x64xf32>
    %logistic3A_1596 = arith.addf %logistic3A_1595, %logistic3A_1593 : vector<16x64xf32>
    %logistic3A_1597 = arith.divf %logistic3A_1595, %logistic3A_1596 : vector<16x64xf32>
    %swap3A_1598 = arith.constant 0 : index
    %swap3A_1599 = arith.constant 3136 : index
    %swap3A_1600 = vector.load %arg10[%swap3A_1598, %swap3A_1599] : memref<16x4096xf32, #tpu.memory_space<vmem>>, vector<16x64xf32>
    tpu.vector_store %arg10[%swap3A_1598, %swap3A_1599], %logistic3A_1597 {strides = array<i32>} : memref<16x4096xf32, #tpu.memory_space<vmem>>, vector<16x64xf32>,
    %slice3A_1601 = vector.extract_strided_slice %add3A_1051 {offsets = [0, 3200], sizes = [16, 64], strides = [1, 1]} : vector<16x4096xf32> to vector<16x64xf32>
    %add3A_1602 = arith.addf %add3A_1591, %slice3A_1601 : vector<16x64xf32>
    %logistic3A_1603 = arith.negf %add3A_1602 : vector<16x64xf32>
    %logistic3A_1604 = math.exp %logistic3A_1603 : vector<16x64xf32>
    %logistic3A_1605 = arith.constant 1.000000e+00 : f32
    %logistic3A_1606 = vector.broadcast %logistic3A_1605 : f32 to vector<16x64xf32>
    %logistic3A_1607 = arith.addf %logistic3A_1606, %logistic3A_1604 : vector<16x64xf32>
    %logistic3A_1608 = arith.divf %logistic3A_1606, %logistic3A_1607 : vector<16x64xf32>
    %swap3A_1609 = arith.constant 0 : index
    %swap3A_1610 = arith.constant 3200 : index
    %swap3A_1611 = vector.load %arg10[%swap3A_1609, %swap3A_1610] : memref<16x4096xf32, #tpu.memory_space<vmem>>, vector<16x64xf32>
    tpu.vector_store %arg10[%swap3A_1609, %swap3A_1610], %logistic3A_1608 {strides = array<i32>} : memref<16x4096xf32, #tpu.memory_space<vmem>>, vector<16x64xf32>,
    %slice3A_1612 = vector.extract_strided_slice %add3A_1051 {offsets = [0, 3264], sizes = [16, 64], strides = [1, 1]} : vector<16x4096xf32> to vector<16x64xf32>
    %add3A_1613 = arith.addf %add3A_1602, %slice3A_1612 : vector<16x64xf32>
    %logistic3A_1614 = arith.negf %add3A_1613 : vector<16x64xf32>
    %logistic3A_1615 = math.exp %logistic3A_1614 : vector<16x64xf32>
    %logistic3A_1616 = arith.constant 1.000000e+00 : f32
    %logistic3A_1617 = vector.broadcast %logistic3A_1616 : f32 to vector<16x64xf32>
    %logistic3A_1618 = arith.addf %logistic3A_1617, %logistic3A_1615 : vector<16x64xf32>
    %logistic3A_1619 = arith.divf %logistic3A_1617, %logistic3A_1618 : vector<16x64xf32>
    %swap3A_1620 = arith.constant 0 : index
    %swap3A_1621 = arith.constant 3264 : index
    %swap3A_1622 = vector.load %arg10[%swap3A_1620, %swap3A_1621] : memref<16x4096xf32, #tpu.memory_space<vmem>>, vector<16x64xf32>
    tpu.vector_store %arg10[%swap3A_1620, %swap3A_1621], %logistic3A_1619 {strides = array<i32>} : memref<16x4096xf32, #tpu.memory_space<vmem>>, vector<16x64xf32>,
    %slice3A_1623 = vector.extract_strided_slice %add3A_1051 {offsets = [0, 3328], sizes = [16, 64], strides = [1, 1]} : vector<16x4096xf32> to vector<16x64xf32>
    %add3A_1624 = arith.addf %add3A_1613, %slice3A_1623 : vector<16x64xf32>
    %logistic3A_1625 = arith.negf %add3A_1624 : vector<16x64xf32>
    %logistic3A_1626 = math.exp %logistic3A_1625 : vector<16x64xf32>
    %logistic3A_1627 = arith.constant 1.000000e+00 : f32
    %logistic3A_1628 = vector.broadcast %logistic3A_1627 : f32 to vector<16x64xf32>
    %logistic3A_1629 = arith.addf %logistic3A_1628, %logistic3A_1626 : vector<16x64xf32>
    %logistic3A_1630 = arith.divf %logistic3A_1628, %logistic3A_1629 : vector<16x64xf32>
    %swap3A_1631 = arith.constant 0 : index
    %swap3A_1632 = arith.constant 3328 : index
    %swap3A_1633 = vector.load %arg10[%swap3A_1631, %swap3A_1632] : memref<16x4096xf32, #tpu.memory_space<vmem>>, vector<16x64xf32>
    tpu.vector_store %arg10[%swap3A_1631, %swap3A_1632], %logistic3A_1630 {strides = array<i32>} : memref<16x4096xf32, #tpu.memory_space<vmem>>, vector<16x64xf32>,
    %slice3A_1634 = vector.extract_strided_slice %add3A_1051 {offsets = [0, 3392], sizes = [16, 64], strides = [1, 1]} : vector<16x4096xf32> to vector<16x64xf32>
    %add3A_1635 = arith.addf %add3A_1624, %slice3A_1634 : vector<16x64xf32>
    %logistic3A_1636 = arith.negf %add3A_1635 : vector<16x64xf32>
    %logistic3A_1637 = math.exp %logistic3A_1636 : vector<16x64xf32>
    %logistic3A_1638 = arith.constant 1.000000e+00 : f32
    %logistic3A_1639 = vector.broadcast %logistic3A_1638 : f32 to vector<16x64xf32>
    %logistic3A_1640 = arith.addf %logistic3A_1639, %logistic3A_1637 : vector<16x64xf32>
    %logistic3A_1641 = arith.divf %logistic3A_1639, %logistic3A_1640 : vector<16x64xf32>
    %swap3A_1642 = arith.constant 0 : index
    %swap3A_1643 = arith.constant 3392 : index
    %swap3A_1644 = vector.load %arg10[%swap3A_1642, %swap3A_1643] : memref<16x4096xf32, #tpu.memory_space<vmem>>, vector<16x64xf32>
    tpu.vector_store %arg10[%swap3A_1642, %swap3A_1643], %logistic3A_1641 {strides = array<i32>} : memref<16x4096xf32, #tpu.memory_space<vmem>>, vector<16x64xf32>,
    %slice3A_1645 = vector.extract_strided_slice %add3A_1051 {offsets = [0, 3456], sizes = [16, 64], strides = [1, 1]} : vector<16x4096xf32> to vector<16x64xf32>
    %add3A_1646 = arith.addf %add3A_1635, %slice3A_1645 : vector<16x64xf32>
    %logistic3A_1647 = arith.negf %add3A_1646 : vector<16x64xf32>
    %logistic3A_1648 = math.exp %logistic3A_1647 : vector<16x64xf32>
    %logistic3A_1649 = arith.constant 1.000000e+00 : f32
    %logistic3A_1650 = vector.broadcast %logistic3A_1649 : f32 to vector<16x64xf32>
    %logistic3A_1651 = arith.addf %logistic3A_1650, %logistic3A_1648 : vector<16x64xf32>
    %logistic3A_1652 = arith.divf %logistic3A_1650, %logistic3A_1651 : vector<16x64xf32>
    %swap3A_1653 = arith.constant 0 : index
    %swap3A_1654 = arith.constant 3456 : index
    %swap3A_1655 = vector.load %arg10[%swap3A_1653, %swap3A_1654] : memref<16x4096xf32, #tpu.memory_space<vmem>>, vector<16x64xf32>
    tpu.vector_store %arg10[%swap3A_1653, %swap3A_1654], %logistic3A_1652 {strides = array<i32>} : memref<16x4096xf32, #tpu.memory_space<vmem>>, vector<16x64xf32>,
    %slice3A_1656 = vector.extract_strided_slice %add3A_1051 {offsets = [0, 3520], sizes = [16, 64], strides = [1, 1]} : vector<16x4096xf32> to vector<16x64xf32>
    %add3A_1657 = arith.addf %add3A_1646, %slice3A_1656 : vector<16x64xf32>
    %logistic3A_1658 = arith.negf %add3A_1657 : vector<16x64xf32>
    %logistic3A_1659 = math.exp %logistic3A_1658 : vector<16x64xf32>
    %logistic3A_1660 = arith.constant 1.000000e+00 : f32
    %logistic3A_1661 = vector.broadcast %logistic3A_1660 : f32 to vector<16x64xf32>
    %logistic3A_1662 = arith.addf %logistic3A_1661, %logistic3A_1659 : vector<16x64xf32>
    %logistic3A_1663 = arith.divf %logistic3A_1661, %logistic3A_1662 : vector<16x64xf32>
    %swap3A_1664 = arith.constant 0 : index
    %swap3A_1665 = arith.constant 3520 : index
    %swap3A_1666 = vector.load %arg10[%swap3A_1664, %swap3A_1665] : memref<16x4096xf32, #tpu.memory_space<vmem>>, vector<16x64xf32>
    tpu.vector_store %arg10[%swap3A_1664, %swap3A_1665], %logistic3A_1663 {strides = array<i32>} : memref<16x4096xf32, #tpu.memory_space<vmem>>, vector<16x64xf32>,
    %slice3A_1667 = vector.extract_strided_slice %add3A_1051 {offsets = [0, 3584], sizes = [16, 64], strides = [1, 1]} : vector<16x4096xf32> to vector<16x64xf32>
    %add3A_1668 = arith.addf %add3A_1657, %slice3A_1667 : vector<16x64xf32>
    %logistic3A_1669 = arith.negf %add3A_1668 : vector<16x64xf32>
    %logistic3A_1670 = math.exp %logistic3A_1669 : vector<16x64xf32>
    %logistic3A_1671 = arith.constant 1.000000e+00 : f32
    %logistic3A_1672 = vector.broadcast %logistic3A_1671 : f32 to vector<16x64xf32>
    %logistic3A_1673 = arith.addf %logistic3A_1672, %logistic3A_1670 : vector<16x64xf32>
    %logistic3A_1674 = arith.divf %logistic3A_1672, %logistic3A_1673 : vector<16x64xf32>
    %swap3A_1675 = arith.constant 0 : index
    %swap3A_1676 = arith.constant 3584 : index
    %swap3A_1677 = vector.load %arg10[%swap3A_1675, %swap3A_1676] : memref<16x4096xf32, #tpu.memory_space<vmem>>, vector<16x64xf32>
    tpu.vector_store %arg10[%swap3A_1675, %swap3A_1676], %logistic3A_1674 {strides = array<i32>} : memref<16x4096xf32, #tpu.memory_space<vmem>>, vector<16x64xf32>,
    %slice3A_1678 = vector.extract_strided_slice %add3A_1051 {offsets = [0, 3648], sizes = [16, 64], strides = [1, 1]} : vector<16x4096xf32> to vector<16x64xf32>
    %add3A_1679 = arith.addf %add3A_1668, %slice3A_1678 : vector<16x64xf32>
    %logistic3A_1680 = arith.negf %add3A_1679 : vector<16x64xf32>
    %logistic3A_1681 = math.exp %logistic3A_1680 : vector<16x64xf32>
    %logistic3A_1682 = arith.constant 1.000000e+00 : f32
    %logistic3A_1683 = vector.broadcast %logistic3A_1682 : f32 to vector<16x64xf32>
    %logistic3A_1684 = arith.addf %logistic3A_1683, %logistic3A_1681 : vector<16x64xf32>
    %logistic3A_1685 = arith.divf %logistic3A_1683, %logistic3A_1684 : vector<16x64xf32>
    %swap3A_1686 = arith.constant 0 : index
    %swap3A_1687 = arith.constant 3648 : index
    %swap3A_1688 = vector.load %arg10[%swap3A_1686, %swap3A_1687] : memref<16x4096xf32, #tpu.memory_space<vmem>>, vector<16x64xf32>
    tpu.vector_store %arg10[%swap3A_1686, %swap3A_1687], %logistic3A_1685 {strides = array<i32>} : memref<16x4096xf32, #tpu.memory_space<vmem>>, vector<16x64xf32>,
    %slice3A_1689 = vector.extract_strided_slice %add3A_1051 {offsets = [0, 3712], sizes = [16, 64], strides = [1, 1]} : vector<16x4096xf32> to vector<16x64xf32>
    %add3A_1690 = arith.addf %add3A_1679, %slice3A_1689 : vector<16x64xf32>
    %logistic3A_1691 = arith.negf %add3A_1690 : vector<16x64xf32>
    %logistic3A_1692 = math.exp %logistic3A_1691 : vector<16x64xf32>
    %logistic3A_1693 = arith.constant 1.000000e+00 : f32
    %logistic3A_1694 = vector.broadcast %logistic3A_1693 : f32 to vector<16x64xf32>
    %logistic3A_1695 = arith.addf %logistic3A_1694, %logistic3A_1692 : vector<16x64xf32>
    %logistic3A_1696 = arith.divf %logistic3A_1694, %logistic3A_1695 : vector<16x64xf32>
    %swap3A_1697 = arith.constant 0 : index
    %swap3A_1698 = arith.constant 3712 : index
    %swap3A_1699 = vector.load %arg10[%swap3A_1697, %swap3A_1698] : memref<16x4096xf32, #tpu.memory_space<vmem>>, vector<16x64xf32>
    tpu.vector_store %arg10[%swap3A_1697, %swap3A_1698], %logistic3A_1696 {strides = array<i32>} : memref<16x4096xf32, #tpu.memory_space<vmem>>, vector<16x64xf32>,
    %slice3A_1700 = vector.extract_strided_slice %add3A_1051 {offsets = [0, 3776], sizes = [16, 64], strides = [1, 1]} : vector<16x4096xf32> to vector<16x64xf32>
    %add3A_1701 = arith.addf %add3A_1690, %slice3A_1700 : vector<16x64xf32>
    %logistic3A_1702 = arith.negf %add3A_1701 : vector<16x64xf32>
    %logistic3A_1703 = math.exp %logistic3A_1702 : vector<16x64xf32>
    %logistic3A_1704 = arith.constant 1.000000e+00 : f32
    %logistic3A_1705 = vector.broadcast %logistic3A_1704 : f32 to vector<16x64xf32>
    %logistic3A_1706 = arith.addf %logistic3A_1705, %logistic3A_1703 : vector<16x64xf32>
    %logistic3A_1707 = arith.divf %logistic3A_1705, %logistic3A_1706 : vector<16x64xf32>
    %swap3A_1708 = arith.constant 0 : index
    %swap3A_1709 = arith.constant 3776 : index
    %swap3A_1710 = vector.load %arg10[%swap3A_1708, %swap3A_1709] : memref<16x4096xf32, #tpu.memory_space<vmem>>, vector<16x64xf32>
    tpu.vector_store %arg10[%swap3A_1708, %swap3A_1709], %logistic3A_1707 {strides = array<i32>} : memref<16x4096xf32, #tpu.memory_space<vmem>>, vector<16x64xf32>,
    %slice3A_1711 = vector.extract_strided_slice %add3A_1051 {offsets = [0, 3840], sizes = [16, 64], strides = [1, 1]} : vector<16x4096xf32> to vector<16x64xf32>
    %add3A_1712 = arith.addf %add3A_1701, %slice3A_1711 : vector<16x64xf32>
    %logistic3A_1713 = arith.negf %add3A_1712 : vector<16x64xf32>
    %logistic3A_1714 = math.exp %logistic3A_1713 : vector<16x64xf32>
    %logistic3A_1715 = arith.constant 1.000000e+00 : f32
    %logistic3A_1716 = vector.broadcast %logistic3A_1715 : f32 to vector<16x64xf32>
    %logistic3A_1717 = arith.addf %logistic3A_1716, %logistic3A_1714 : vector<16x64xf32>
    %logistic3A_1718 = arith.divf %logistic3A_1716, %logistic3A_1717 : vector<16x64xf32>
    %swap3A_1719 = arith.constant 0 : index
    %swap3A_1720 = arith.constant 3840 : index
    %swap3A_1721 = vector.load %arg10[%swap3A_1719, %swap3A_1720] : memref<16x4096xf32, #tpu.memory_space<vmem>>, vector<16x64xf32>
    tpu.vector_store %arg10[%swap3A_1719, %swap3A_1720], %logistic3A_1718 {strides = array<i32>} : memref<16x4096xf32, #tpu.memory_space<vmem>>, vector<16x64xf32>,
    %slice3A_1722 = vector.extract_strided_slice %add3A_1051 {offsets = [0, 3904], sizes = [16, 64], strides = [1, 1]} : vector<16x4096xf32> to vector<16x64xf32>
    %add3A_1723 = arith.addf %add3A_1712, %slice3A_1722 : vector<16x64xf32>
    %logistic3A_1724 = arith.negf %add3A_1723 : vector<16x64xf32>
    %logistic3A_1725 = math.exp %logistic3A_1724 : vector<16x64xf32>
    %logistic3A_1726 = arith.constant 1.000000e+00 : f32
    %logistic3A_1727 = vector.broadcast %logistic3A_1726 : f32 to vector<16x64xf32>
    %logistic3A_1728 = arith.addf %logistic3A_1727, %logistic3A_1725 : vector<16x64xf32>
    %logistic3A_1729 = arith.divf %logistic3A_1727, %logistic3A_1728 : vector<16x64xf32>
    %swap3A_1730 = arith.constant 0 : index
    %swap3A_1731 = arith.constant 3904 : index
    %swap3A_1732 = vector.load %arg10[%swap3A_1730, %swap3A_1731] : memref<16x4096xf32, #tpu.memory_space<vmem>>, vector<16x64xf32>
    tpu.vector_store %arg10[%swap3A_1730, %swap3A_1731], %logistic3A_1729 {strides = array<i32>} : memref<16x4096xf32, #tpu.memory_space<vmem>>, vector<16x64xf32>,
    %slice3A_1733 = vector.extract_strided_slice %add3A_1051 {offsets = [0, 3968], sizes = [16, 64], strides = [1, 1]} : vector<16x4096xf32> to vector<16x64xf32>
    %add3A_1734 = arith.addf %add3A_1723, %slice3A_1733 : vector<16x64xf32>
    %logistic3A_1735 = arith.negf %add3A_1734 : vector<16x64xf32>
    %logistic3A_1736 = math.exp %logistic3A_1735 : vector<16x64xf32>
    %logistic3A_1737 = arith.constant 1.000000e+00 : f32
    %logistic3A_1738 = vector.broadcast %logistic3A_1737 : f32 to vector<16x64xf32>
    %logistic3A_1739 = arith.addf %logistic3A_1738, %logistic3A_1736 : vector<16x64xf32>
    %logistic3A_1740 = arith.divf %logistic3A_1738, %logistic3A_1739 : vector<16x64xf32>
    %swap3A_1741 = arith.constant 0 : index
    %swap3A_1742 = arith.constant 3968 : index
    %swap3A_1743 = vector.load %arg10[%swap3A_1741, %swap3A_1742] : memref<16x4096xf32, #tpu.memory_space<vmem>>, vector<16x64xf32>
    tpu.vector_store %arg10[%swap3A_1741, %swap3A_1742], %logistic3A_1740 {strides = array<i32>} : memref<16x4096xf32, #tpu.memory_space<vmem>>, vector<16x64xf32>,
    %slice3A_1744 = vector.extract_strided_slice %add3A_1051 {offsets = [0, 4032], sizes = [16, 64], strides = [1, 1]} : vector<16x4096xf32> to vector<16x64xf32>
    %add3A_1745 = arith.addf %add3A_1734, %slice3A_1744 : vector<16x64xf32>
    %logistic3A_1746 = arith.negf %add3A_1745 : vector<16x64xf32>
    %logistic3A_1747 = math.exp %logistic3A_1746 : vector<16x64xf32>
    %logistic3A_1748 = arith.constant 1.000000e+00 : f32
    %logistic3A_1749 = vector.broadcast %logistic3A_1748 : f32 to vector<16x64xf32>
    %logistic3A_1750 = arith.addf %logistic3A_1749, %logistic3A_1747 : vector<16x64xf32>
    %logistic3A_1751 = arith.divf %logistic3A_1749, %logistic3A_1750 : vector<16x64xf32>
    %swap3A_1752 = arith.constant 0 : index
    %swap3A_1753 = arith.constant 4032 : index
    %swap3A_1754 = vector.load %arg10[%swap3A_1752, %swap3A_1753] : memref<16x4096xf32, #tpu.memory_space<vmem>>, vector<16x64xf32>
    tpu.vector_store %arg10[%swap3A_1752, %swap3A_1753], %logistic3A_1751 {strides = array<i32>} : memref<16x4096xf32, #tpu.memory_space<vmem>>, vector<16x64xf32>,
    return
  }
}

</mosaic_0001>

<sc_bundles>
// kernel: kernel.7.cloned.1.call-start
scs
__scs_entry_jumppad:
0x0: {  	(pc) =	sbr.rel $0x88, $3  }
0x1: {  	(tag) =	ssettag $0x0;
	lr =	simm.s32 $0x1  }
0x2: {  	[smem:$0x3F91] =	sst lr;
	_ =	strace $0xD0000000  }
0x3: {  	_ = 	snop  }
0x4: {  	_ = 	snop  }
0x5: {  	_ = 	snop  }
0x6: {  	_ = 	snop  }
0x7: {  	_ = 	snop  }
__scs_overlays_trampoline_lowered:
0x8: {  	[smem:$0x3FA0] =	sst s0  }
0x9: {  	[smem:$0x3FA1] =	sst s1  }
0xa: {  	[smem:$0x3FA2] =	sst s2  }
0xb: {  	[smem:$0x3FA3] =	sst s3  }
0xc: {  	[smem:$0x3FA4] =	sst s4  }
0xd: {  	[smem:$0x3FA5] =	sst s5  }
0xe: {  	[smem:$0x3FA6] =	sst s6  }
0xf: {  	[smem:$0x3FA7] =	sst s7  }
0x10: {  	[smem:$0x3FA8] =	sst s8  }
0x11: {  	[smem:$0x3FA9] =	sst s9;
	s0 =	simm.s32 @!p0 $0x0  }
0x12: {  	s1 =	sld [smem:$0x3F8F];
	s0 =	simm.s32 @p0 $0x1  }
0x13: {  	[smem:$0x3FAA] =	sst s0;
	s0 =	simm.s32 @!p1 $0x0  }
0x14: {  	s2 =	sld [smem:$0x3F8E];
	s0 =	simm.s32 @p1 $0x1  }
0x15: {  	[smem:$0x3FAB] =	sst s0;
	s0 =	simm.s32 @!p2 $0x0  }
0x16: {  	s3 =	sld [smem:$0x3FDB];
	s0 =	simm.s32 @p2 $0x1  }
0x17: {  	s4 =	simm.s32 $0x1BF5;
	[smem:$0x3FAD] =	sst s0  }
0x18: {  	s0 =	sld [smem:$0x3F90];
	_ =	swait.ge [sflag:s4], $0x0  }
0x19: {  	s7 =	sld [smem:$0x3F91]  }
0x1a: {  	s8 =	sadd.s32 $0xFFFFE003, lr  }
0x1b: {  	s9 =	sadd.s32 $0xFFFFFEF7, lr;
	s5 =	simm.s32 $0xFFFFFFFF;
	p2 =	slt.u32 s8, $0xFFFFF086  }
0x1c: {  	p1 =	slt.u32 s9, $0xF7A;
	s5 =	simm.s32 @!p2 $0x0  }
0x1d: {  	s5 =	simm.s32 @p1 $0x1;
	p0 =	seq.s32 s7, s2  }
0x1e: {  	s7 =	smul.u32 @!p0 $0xF7A, s2;
	p2 =	seq.s32 @!p0 s5, $0x0  }
0x1f: {  	s9 =	smul.u32 $0xF7A, s1;
	s8 =	simm.s32 @!p0 $0x1BF5;
	p2 =	por !p2, p0  }
0x20: {  	[sflag:s8] =	ssyncset.s32 @!p0 $0xFFFFF086;
	s6 =	sadd.s32 @!p0 s3, s7;
	s7 =	simm.s32 @!p0 $0x108  }
0x21: {  	s3 =	sadd.s32 s3, s9;
	s6 =	sadd.s32 @!p0 $0x88, s6;
	s7 =	simm.s32 @p2 $0x1082  }
0x22: {  	[simem:s7], [sflag:s8] =	dma.local @!p0 [hbm:s6], $0xF7A  }
0x23: {  	s9 =	sor.u32 $0xD0000000, s2;
	s6 =	simm.s32 $0x108;
	_ =	swait.ge @!p0 [sflag:s8], $0x0  }
0x24: {  	s3 =	sadd.s32 $0x88, s3;
	s6 =	simm.s32 @!p1 $0x1082;
	[sflag:s4] =	ssyncset.s32 $0xFFFFF086  }
0x25: {  	[simem:s6], [sflag:s4] =	dma.local [hbm:s3], $0xF7A  }
0x26: {  	[smem:$0x3F91] =	sst s1;
	(tag) =	ssettag s2;
	_ =	strace s9  }
0x27: {  	s1 =	sld [smem:$0x3FA1]  }
0x28: {  	s2 =	sld [smem:$0x3FA2]  }
0x29: {  	s4 =	sld [smem:$0x3FA4]  }
0x2a: {  	p0 =	seq.s32 s5, $0x0;
	s5 =	sld [smem:$0x3FA5]  }
0x2b: {  	s6 =	sld [smem:$0x3FA6]  }
0x2c: {  	s7 =	sld [smem:$0x3FA7]  }
0x2d: {  	s3 =	simm.s32 $0x108;
	s8 =	sld [smem:$0x3FA8]  }
0x2e: {  	s3 =	simm.s32 @!p0 $0x1082;
	s9 =	sld [smem:$0x3FA9]  }
0x2f: {  	lr =	sadd.s32 s0, s3;
	s0 =	sld [smem:$0x3FA0]  }
0x30: {  	s3 =	sld [smem:$0x3FA3]  }
0x31: {  	[smem:$0x3FAC] =	sst s10  }
0x32: {  	s10 =	sld [smem:$0x3FAA];
	_ =	sdelay $0x3  }
0x33: {  	p0 =	seq.s32 s10, $0x1;
	s10 =	sld [smem:$0x3FAC];
	_ =	sdelay $0x3  }
0x34: {  	[smem:$0x3FAC] =	sst s10  }
0x35: {  	s10 =	sld [smem:$0x3FAB];
	_ =	sdelay $0x3  }
0x36: {  	p1 =	seq.s32 s10, $0x1;
	s10 =	sld [smem:$0x3FAC];
	_ =	sdelay $0x3  }
0x37: {  	[smem:$0x3FAC] =	sst s10  }
0x38: {  	s10 =	sld [smem:$0x3FAD]  }
0x39: {  	_ = 	snop;
	(pc) =	sbr.ind lr, $3  }
0x3a: {  	_ = 	snop  }
0x3b: {  	_ = 	snop  }
0x3c: {  	p2 =	seq.s32 s10, $0x1;
	s10 =	sld [smem:$0x3FAC]  }
0x3d: {  	_ =	shalt  }
0x3e: {  	_ =	shalt  }
0x3f: {  	_ =	shalt  }
0x40: {  	_ =	shalt  }
0x41: {  	_ =	shalt  }
0x42: {  	_ =	shalt  }
0x43: {  	_ =	shalt  }
0x44: {  	_ =	shalt  }
0x45: {  	_ =	shalt  }
0x46: {  	_ =	shalt  }
0x47: {  	_ =	shalt  }
0x48: {  	_ =	shalt  }
0x49: {  	_ =	shalt  }
0x4a: {  	_ =	shalt  }
0x4b: {  	_ =	shalt  }
0x4c: {  	_ =	shalt  }
0x4d: {  	_ =	shalt  }
0x4e: {  	_ =	shalt  }
0x4f: {  	_ =	shalt  }
0x50: {  	_ =	shalt  }
0x51: {  	_ =	shalt  }
0x52: {  	_ =	shalt  }
0x53: {  	_ =	shalt  }
0x54: {  	_ =	shalt  }
0x55: {  	_ =	shalt  }
0x56: {  	_ =	shalt  }
0x57: {  	_ =	shalt  }
0x58: {  	_ =	shalt  }
0x59: {  	_ =	shalt  }
0x5a: {  	_ =	shalt  }
0x5b: {  	_ =	shalt  }
0x5c: {  	_ =	shalt  }
0x5d: {  	_ =	shalt  }
0x5e: {  	_ =	shalt  }
0x5f: {  	_ =	shalt  }
0x60: {  	_ =	shalt  }
0x61: {  	_ =	shalt  }
0x62: {  	_ =	shalt  }
0x63: {  	_ =	shalt  }
0x64: {  	_ =	shalt  }
0x65: {  	_ =	shalt  }
0x66: {  	_ =	shalt  }
0x67: {  	_ =	shalt  }
0x68: {  	_ =	shalt  }
0x69: {  	_ =	shalt  }
0x6a: {  	_ =	shalt  }
0x6b: {  	_ =	shalt  }
0x6c: {  	_ =	shalt  }
0x6d: {  	_ =	shalt  }
0x6e: {  	_ =	shalt  }
0x6f: {  	_ =	shalt  }
0x70: {  	_ =	shalt  }
0x71: {  	_ =	shalt  }
0x72: {  	_ =	shalt  }
0x73: {  	_ =	shalt  }
0x74: {  	_ =	shalt  }
0x75: {  	_ =	shalt  }
0x76: {  	_ =	shalt  }
0x77: {  	_ =	shalt  }
0x78: {  	_ =	shalt  }
0x79: {  	_ =	shalt  }
0x7a: {  	_ =	shalt  }
0x7b: {  	_ =	shalt  }
0x7c: {  	_ =	shalt  }
0x7d: {  	_ =	shalt  }
0x7e: {  	_ =	shalt  }
0x7f: {  	_ =	shalt  }
0x80: {  	_ =	shalt  }
0x81: {  	_ =	shalt  }
0x82: {  	_ =	shalt  }
0x83: {  	_ =	shalt  }
0x84: {  	_ =	shalt  }
0x85: {  	_ =	shalt  }
0x86: {  	_ =	shalt  }
0x87: {  	_ =	shalt  }
.Lfunc_end0:
.L_simem_size_0:
called_computation_lowered:
.L_overlay_start_0:
0x88: {  	s0 =	sld [smem:$0x3FD9]  }
0x89: {  	s1 =	sld [smem:$0x3FFE];
	_ =	sdelay $0x3  }
0x8a: {  	s0 =	sadd.s32 s1, s0  }
0x8b: {  	[smem:$0x3FB8] =	sst s0  }
0x8c: {  	_ = 	snop  }
0x8d: {  	s0 =	sld [smem:$0x3FD0];
	(tm) =	ssettm $0x1  }
0x8e: {  	s16 =	sld [smem:$0x3FFB];
	_ =	sdelay $0x3  }
0x8f: {  	_ =	strace s16  }
0x90: {  	s1 =	sld [smem:$0x3FFC];
	_ =	sdelay $0x3  }
0x91: {  	_ =	strace s1  }
0x92: {  	s1 =	sld [smem:$0x3FFD];
	_ =	sdelay $0x3  }
0x93: {  	_ =	strace s1  }
0x94: {  	_ =	strace $0x8FFFFFFF  }
0x95: {  	s17 =	sld [smem:$0x3FDB];
	_ =	sdelay $0x1  }
0x96: {  	s2 =	simm.s32 $_scs_section_size  }
0x97: {  	s3 =	simm.s32 $_size__tile_overlayer_lowered;
	s4 =	simm.s32 $_tile_overlayer_lowered  }
0x98: {  	s20 =	simm.s32 $0x1BFF;
	s19 =	sshll.u32 s4, $0x1;
	s1 =	sadd.s32 s2, s17  }
0x99: {  	s5 =	simm.s32 $0x0;
	s18 =	sshll.u32 s3, $0x1;
	s3 =	sadd.s32 s19, s1  }
0x9a: {  	[timem:s5], [sflag:s20] =	dma.local [hbm:s3], s18  }
0x9b: {  	_ =	swait.ge [sflag:s20], s18  }
0x9c: {  	s2 =	ssub.s32 $0x0, s18;
	[sflag:s20] =	ssyncset.done $0x0  }
0x9d: {  	[sflag:s20] =	ssyncadd.s32 s2;
	_ =	sdelay $0x1  }
0x9e: {  	s21 =	simm.s32 $0x1B8B  }
0x9f: {  	_ =	swait.ge [sflag:s21], $0x1  }
0xa0: {  	[sflag:s21] =	ssyncset.done $0x0  }
0xa1: {  	s23 =	simm.s32 $0x1B8E;
	s22 =	sld [smem:$0x3FFE];
	[sflag:s21] =	ssyncadd.s32 $0xFFFFFFFF  }
0xa2: {  	s24 =	simm.s32 $execute0_lowered;
	[smem:$0x3FD2] =	sst s23  }
0xa3: {  	s3 =	sshll.u32 s24, $0x1;
	_ =	strace $0x80000046;
	[dreg:$0x1] =	wrdreg $0xFFFFFFFF  }
0xa4: {  	s25 =	simm.s32 $_size_execute0_lowered;
	s1 =	sadd.s32 s1, s3;
	[dreg:$0x0] =	wrdreg $0x0  }
0xa5: {  	s3 =	sshll.u32 s25, $0x1;
	[dreg:$0x2] =	wrdreg s1  }
0xa6: {  	[dreg:$0x3] =	wrdreg s3  }
0xa7: {  	[dreg:$0x4] =	wrdreg $0xC0  }
0xa8: {  	_ =	task [dreg:s5], $0x5FFFF  }
0xa9: {  	[dreg:$0x1] =	wrdreg $0xFFFFFFFF  }
0xaa: {  	[dreg:$0x0] =	wrdreg $0x60  }
0xab: {  	[dreg:$0x2] =	wrdreg s22  }
0xac: {  	[dreg:$0x3] =	wrdreg s0  }
0xad: {  	[dreg:$0x4] =	wrdreg $0x9  }
0xae: {  	_ =	task.clear_ibuf [dreg:s5], $0x5FFFF;
	_ =	strace $0x90000046  }
0xaf: {  	s26 =	simm.s32 $0x9;
	_ =	strace $0x80000048  }
0xb0: {  	_ =	swait.ge [sflag:s26], $0x1  }
0xb1: {  	[sflag:s26] =	ssyncadd.s32 $0xFFFFFFFF  }
0xb2: {  	_ =	strace $0x90000048  }
0xb3: {  	_ =	sfence  }
0xb4: {  	s28 =	sld [smem:$0x0];
	_ =	sdelay $0x1  }
0xb5: {  	s29 =	srdreg.scid  }
0xb6: {  	s30 =	sshll.u32 s29, $0xD;
	s31 =	sshrl.u32 s29, $0x2  }
0xb7: {  	s2 =	sand.u32 $0x4000, s30;
	s1 =	sand.u32 $0x1, s29;
	s0 =	sadd.s32 s31, s28  }
0xb8: {  	s1 =	sor.u32 s2, s1;
	s0 =	sshll.u32 s0, $0x11  }
0xb9: {  	s0 =	sor.u32 s0, s1  }
0xba: {  	s0 =	sadd.s32 $0x8F2B, s0  }
0xbb: {  	[sflag:s0] =	ssyncadd.remote.s32 $0x1  }
0xbc: {  	_ =	sfence.sel $0xFFFF  }
0xbd: {  	[dreg:$0x0] =	wrdreg $0xFFFFFFFF;
	(pc) =	sbr.abs _section_cstart, $3  }
0xbe: {  	[dreg:$0x1] =	wrdreg $0xFFFFFFFF  }
0xbf: {  	_ =	task.clear_ibuf [dreg:s5], $0x2FFFF;
	_ =	strace $0x9FFFFFFF  }
0xc0: {  	(tm) =	ssettm $0x7FFFFFFF  }
0xc1: {  	_ =	shalt  }
tec
execute0_lowered:
.L_overlay_start_1:
0x0: {  	(tag) =	ssettag $0x1  }
0x1: {  	s3 =	rddreg [dreg:$0x0]  }
0x2: {  	s2 =	rddreg [dreg:$0x1];
	s1 =	stileid.u32  }
0x3: {  	s0 =	rddreg [dreg:$0x2];
	s4 =	simm.s32 $0x0;
	s5 =	sshll.u32 s1, $0x7  }
0x4: {  	[smem:$0x7FF] =	sst s4;
	s5 =	sadd.s32 s5, s3  }
0x5: {  	s29 =	simm.s32 $0x1;
	_ =	strace $0x80000047;
	s6 =	sadd.s32 $0x1C00, s5  }
0x6: {  	[tilespmem:s4], [sflag:$0x1] =	stream.linear.gather [hbm4b:s6+s4], $0x200, $0x38;
	[tilespmem:$0x1400] =	vst v63  }
0x7: {  	_ =	swait.ge [sflag:s29], $0x200  }
0x8: {  	[sflag:s29] =	ssyncset.done $0x0  }
0x9: {  	s7 =	simm.s32 $0x200;
	s5 =	sadd.s32 $0x1C40, s5;
	[sflag:s29] =	ssyncadd.s32 $0xFFFFFE00  }
0xa: {  	[tilespmem:s7], [sflag:$0x1] =	stream.linear.gather [hbm4b:s5+s4], $0x200, $0x38;
	[tilespmem:$0x1400] =	vst v63  }
0xb: {  	_ =	swait.ge [sflag:s29], $0x200  }
0xc: {  	[sflag:s29] =	ssyncset.done $0x0  }
0xd: {  	s30 =	sadd.s32 $0x2400, s3;
	s3 =	simm.s32 $0x400;
	[sflag:s29] =	ssyncadd.s32 $0xFFFFFE00  }
0xe: {  	[tilespmem:s3], [sflag:$0x1] =	stream.linear.gather [hbm4b:s30+s4], $0x1000, $0x38;
	[tilespmem:$0x1400] =	vst v63  }
0xf: {  	_ =	swait.ge [sflag:s29], $0x1000  }
0x10: {  	[sflag:s29] =	ssyncset.done $0x0  }
0x11: {  	v1 =	vimm.s32 $0x6;
	v0 =	vimm.s32 $0x0;
	s31 =	simm.s32 $0x0;
	[sflag:s29] =	ssyncadd.s32 $0xFFFFF000  }
0x12: {  	vm2 =	vcmask $0x3F04;
	v2 =	vimm.s32 $0x1;
	vm4 =	vcmask $0x3F08;
	v6 =	vld [tilespmem:s31+$0x200]  }
0x13: {  	v3 =	vimm.s32 $0x2;
	vm5 =	vcmask $0x3F0C;
	v4 =	vimm.s32 $0x3;
	v13 =	vld [tilespmem:s31+$0x0]  }
0x14: {  	vm7 =	vcmask $0x3F10;
	v5 =	vimm.s32 $0x4;
	vm8 =	vcmask $0x3F14  }
0x15: {  	v7 =	vimm.s32 $0x5;
	vm9 =	vcmask $0x3F18;
	vm10 =	vcmask $0x3F1C  }
0x16: {  	v8 =	vimm.s32 $0x7;
	vm11 =	vcmask $0x3F20;
	v9 =	vimm.s32 $0x8  }
0x17: {  	vm12 =	vcmask $0x3F24;
	v10 =	vimm.s32 $0x9;
	v6 =	vshll.u32 v6, $0x6  }
0x18: {  	vm13 =	vcmask $0x3F28;
	v11 =	vimm.s32 $0xA;
	v6 =	vadd.s32 v13, v6  }
0x19: {  	vm6 =	vcmask $0x3F2C;
	v12 =	vimm.s32 $0xB;
	v15 =	vperm.xlane v6, v0  }
0x1a: {  	vm3 =	vcmask $0x3F30;
	v16 =	vperm.xlane v6, v2;
	v17 =	vperm.xlane v6, v3  }
0x1b: {  	v14 =	vimm.s32 $0xD;
	v22 =	vperm.xlane v6, v1;
	v24 =	vperm.xlane v6, v8  }
0x1c: {  	v13 =	vimm.s32 $0xC;
	v62 =	vperm.xlane v6, v14;
	v26 =	vperm.xlane v6, v12  }
0x1d: {  	v63 =	vperm.xlane v6, v11;
	vm0 =	veq.s32 v6, v15;
	vm1 =	veq.s32 v6, v16  }
0x1e: {  	v15 =	vperm.xlane v6, v4;
	v16 =	vperm.xlane v6, v5;
	vm15 =	veq.s32 v6, v62  }
0x1f: {  	vm2 =	vmand vm0, vm2;
	v18 =	vsel vm0, $0x1, v0;
	vm0 =	vmand vm1, vm4  }
0x20: {  	v19 =	vsel vm1, $0x1, v0;
	vm4 =	vcmask $0x3F38;
	vm0 =	vmor vm2, vm0  }
0x21: {  	vm2 =	veq.s32 v6, v17;
	vm1 =	veq.s32 v6, v15;
	v15 =	vperm.xlane v6, v7  }
0x22: {  	v18 =	vadd.s32 v19, v18;
	v19 =	vperm.xlane v6, v9;
	vm14 =	vmmov vm4  }
0x23: {  	v17 =	vsel vm2, $0x1, v0;
	vm2 =	vmand vm2, vm5;
	v20 =	vsel vm1, $0x1, v0  }
0x24: {  	vm1 =	vmand vm1, vm7;
	vm0 =	vmor vm0, vm2;
	v17 =	vadd.s32 v17, v18  }
0x25: {  	v18 =	vperm.xlane v6, v10;
	vm0 =	vmor vm0, vm1;
	vm1 =	veq.s32 v6, v16  }
0x26: {  	vm2 =	veq.s32 v6, v26;
	v21 =	vsel vm1, $0x1, v0;
	vm1 =	vmand vm1, vm8  }
0x27: {  	v16 =	vimm.s32 $0xE;
	vm0 =	vmor vm0, vm1;
	vm1 =	veq.s32 v6, v15  }
0x28: {  	v17 =	vadd.s32 v20, v17;
	v23 =	vsel vm1, $0x1, v0;
	vm1 =	vmand vm1, vm9  }
0x29: {  	v15 =	vimm.s32 $0xF;
	vm0 =	vmor vm0, vm1;
	vm1 =	veq.s32 v6, v22  }
0x2a: {  	v17 =	vadd.s32 v21, v17;
	v25 =	vsel vm1, $0x1, v0;
	vm1 =	vmand vm1, vm10  }
0x2b: {  	v17 =	vadd.s32 v23, v17;
	vm0 =	vmor vm0, vm1;
	vm1 =	veq.s32 v6, v24  }
0x2c: {  	v17 =	vadd.s32 v25, v17;
	v27 =	vsel vm1, $0x1, v0;
	vm1 =	vmand vm1, vm11  }
0x2d: {  	vm0 =	vmor vm0, vm1;
	vm1 =	veq.s32 v6, v19;
	v17 =	vadd.s32 v27, v17  }
0x2e: {  	v19 =	vsel vm1, $0x1, v0;
	vm1 =	vmand vm1, vm12;
	vm12 =	vmmov vm3  }
0x2f: {  	vm3 =	vmand vm2, vm3;
	vm0 =	vmor vm0, vm1;
	vm1 =	veq.s32 v6, v18  }
0x30: {  	v19 =	vadd.s32 v19, v17;
	v20 =	vsel vm1, $0x1, v0;
	vm1 =	vmand vm1, vm13  }
0x31: {  	v17 =	vperm.xlane v6, v13;
	vm0 =	vmor vm0, vm1;
	vm1 =	veq.s32 v6, v63  }
0x32: {  	vm13 =	vmmov vm6;
	v18 =	vsel vm1, $0x1, v0;
	vm1 =	vmand vm1, vm6  }
0x33: {  	s4 =	simm.s32 $0x40;
	v19 =	vadd.s32 v20, v19;
	vm1 =	vmor vm0, vm1;
	vm0 =	vmand vm15, vm4  }
.LBB2_1:
0x34: {  	v20 =	vsel vm2, $0x1, v0;
	vm2 =	veq.s32 v6, v17  }
0x35: {  	v17 =	vperm.xlane v6, v16;
	vm1 =	vmor vm1, vm3;
	vm3 =	vcmask $0x3F34  }
0x36: {  	p0 =	sne.s32 s4, $0x7C0;
	s5 =	smov.u32 s4;
	s4 =	sadd.s32 $0x40, s4;
	v21 =	vsel vm2, $0x1, v0;
	vm2 =	vmand vm2, vm3  }
0x37: {  	vm1 =	vmor vm1, vm2;
	vm2 =	veq.s32 v6, v17  }
0x38: {  	v17 =	vperm.xlane v6, v15;
	vm0 =	vmor vm1, vm0;
	vm1 =	vcmask $0x3F3C  }
0x39: {  	v18 =	vadd.s32 v18, v19;
	vm1 =	vmand vm2, vm1  }
0x3a: {  	v18 =	vadd.s32 v20, v18;
	vm0 =	vmor vm0, vm1;
	vm1 =	veq.s32 v6, v17  }
0x3b: {  	v17 =	vadd.s32 v21, v18;
	v18 =	vsel vm15, $0x1, v0;
	vm0 =	vmneg vm0  }
0x3c: {  	v17 =	vadd.s32 v18, v17;
	v18 =	vsel vm2, $0x1, v0  }
0x3d: {  	v17 =	vadd.s32 v18, v17;
	v18 =	vsel vm1, $0x1, v0  }
0x3e: {  	v17 =	vadd.s32 v18, v17  }
0x3f: {  	v17 =	vcvt.s32.f32 v17;
	_ =	sdelay $0x1  }
0x40: {  	s5 =	sshra.s32 s5, $0x2;
	[tilespmem:v6+s3+$0x0] =	vst.idx.add.f32.msk vm0, v17  }
0x41: {  	v6 =	vld [tilespmem:s5+$0x200]  }
0x42: {  	v17 =	vld [tilespmem:s5+$0x0];
	_ =	sdelay $0x3  }
0x43: {  	v6 =	vshll.u32 v6, $0x6  }
0x44: {  	v6 =	vadd.s32 v17, v6  }
0x45: {  	vm9 =	vcmask $0x3F1C;
	v17 =	vperm.xlane v6, v0;
	v18 =	vperm.xlane v6, v14  }
0x46: {  	vm10 =	vcmask $0x3F20;
	v19 =	vperm.xlane v6, v3;
	v20 =	vperm.xlane v6, v12  }
0x47: {  	vm11 =	vcmask $0x3F10;
	v21 =	vperm.xlane v6, v11;
	v22 =	vperm.xlane v6, v2  }
0x48: {  	vm0 =	vcmask $0x3F04;
	v23 =	vperm.xlane v6, v9;
	v25 =	vperm.xlane v6, v7  }
0x49: {  	vm1 =	veq.s32 v6, v17;
	v17 =	vperm.xlane v6, v5;
	vm15 =	veq.s32 v6, v18  }
0x4a: {  	vm4 =	veq.s32 v6, v19;
	v18 =	vperm.xlane v6, v1;
	vm5 =	veq.s32 v6, v22  }
0x4b: {  	v19 =	vperm.xlane v6, v10;
	vm3 =	vmand vm1, vm0;
	vm0 =	vmand vm15, vm14  }
0x4c: {  	v22 =	vsel vm1, $0x1, v0;
	vm1 =	vcmask $0x3F14;
	vm6 =	veq.s32 v6, v17  }
0x4d: {  	v24 =	vsel vm4, $0x1, v0;
	vm2 =	vmand vm6, vm1;
	vm1 =	vcmask $0x3F08  }
0x4e: {  	v26 =	vsel vm5, $0x1, v0;
	v17 =	vperm.xlane v6, v8;
	vm7 =	vmand vm5, vm1  }
0x4f: {  	vm1 =	veq.s32 v6, v21;
	vm3 =	vmor vm3, vm7;
	vm7 =	vcmask $0x3F0C  }
0x50: {  	v22 =	vadd.s32 v26, v22;
	v26 =	vperm.xlane v6, v4;
	vm4 =	vmand vm4, vm7  }
0x51: {  	v21 =	vsel vm6, $0x1, v0;
	vm5 =	veq.s32 v6, v25;
	vm3 =	vmor vm3, vm4  }
0x52: {  	vm6 =	vcmask $0x3F18;
	vm4 =	veq.s32 v6, v17;
	v17 =	vperm.xlane v6, v13  }
0x53: {  	v22 =	vadd.s32 v24, v22;
	vm8 =	veq.s32 v6, v26;
	vm6 =	vmand vm5, vm6  }
0x54: {  	vm11 =	vmand vm8, vm11;
	v26 =	vsel vm5, $0x1, v0;
	vm7 =	veq.s32 v6, v18  }
0x55: {  	vm5 =	veq.s32 v6, v19;
	vm9 =	vmand vm7, vm9;
	vm10 =	vmand vm4, vm10  }
0x56: {  	v24 =	vsel vm7, $0x1, v0;
	v18 =	vsel vm4, $0x1, v0;
	vm4 =	veq.s32 v6, v23  }
0x57: {  	v23 =	vsel vm8, $0x1, v0;
	vm3 =	vmor vm3, vm11;
	v25 =	vsel vm4, $0x1, v0  }
0x58: {  	v19 =	vadd.s32 v23, v22;
	vm2 =	vmor vm3, vm2;
	vm3 =	vcmask $0x3F28  }
0x59: {  	vm3 =	vmand vm5, vm3;
	vm2 =	vmor vm2, vm6;
	vm6 =	vcmask $0x3F24  }
0x5a: {  	v19 =	vadd.s32 v21, v19;
	vm4 =	vmand vm4, vm6  }
.Ltmp0:
0x5b: {  	v21 =	vsel vm5, $0x1, v0;
	v19 =	vadd.s32 v26, v19;
	vm2 =	vmor vm2, vm9;
	(pc) =	sbr.rel @p0 .LBB2_1-.Ltmp0, $4  }
0x5c: {  	vm5 =	vmand vm1, vm13;
	v19 =	vadd.s32 v24, v19;
	vm2 =	vmor vm2, vm10  }
0x5d: {  	v18 =	vadd.s32 v18, v19;
	vm4 =	vmor vm2, vm4;
	vm2 =	veq.s32 v6, v20  }
0x5e: {  	v19 =	vadd.s32 v25, v18;
	vm3 =	vmor vm4, vm3;
	v18 =	vsel vm1, $0x1, v0  }
0x5f: {  	v19 =	vadd.s32 v21, v19;
	vm1 =	vmor vm3, vm5;
	vm3 =	vmand vm2, vm12  }
0x60: {  	vm4 =	veq.s32 v6, v17  }
0x61: {  	v1 =	vperm.xlane v6, v16;
	v2 =	vsel vm2, $0x1, v0;
	vm12 =	vcmask $0x3F34  }
0x62: {  	vm1 =	vmor vm1, vm3;
	v60 =	vadd.s32 v18, v19;
	vm2 =	vmand vm4, vm12  }
0x63: {  	vm14 =	vcmask $0x3F3C;
	vm1 =	vmor vm1, vm2;
	vm13 =	veq.s32 v6, v1  }
0x64: {  	v4 =	vperm.xlane v6, v15;
	vm0 =	vmor vm1, vm0;
	vm1 =	vmand vm13, vm14  }
0x65: {  	v3 =	vsel vm4, $0x1, v0;
	v1 =	vadd.s32 v2, v60;
	vm0 =	vmor vm0, vm1  }
0x66: {  	v61 =	vsel vm15, $0x1, v0;
	v1 =	vadd.s32 v3, v1;
	vm0 =	vmneg vm0  }
0x67: {  	vm15 =	veq.s32 v6, v4;
	v62 =	vsel vm13, $0x1, v0;
	v1 =	vadd.s32 v61, v1  }
0x68: {  	v63 =	vsel vm15, $0x1, v0;
	v1 =	vadd.s32 v62, v1  }
0x69: {  	v0 =	vadd.s32 v63, v1  }
0x6a: {  	v0 =	vcvt.s32.f32 v0  }
0x6b: {  	s4 =	sshll.u32 s1, $0x9;
	s29 =	simm.s32 $0x0  }
0x6c: {  	s30 =	simm.s32 $0x400;
	s31 =	simm.s32 $0x1;
	s2 =	sadd.s32 s2, s4;
	[tilespmem:v6+s3+$0x0] =	vst.idx.add.f32.msk vm0, v0  }
0x6d: {  	[hbm4b:s2+s29] =	stream.linear.scatter [tilespmem:s30], [sflag:$0x1], $0x1000, $0x38;
	[tilespmem:$0x1400] =	vst v63  }
0x6e: {  	_ =	swait.ge [sflag:s31], $0x1000  }
0x6f: {  	[sflag:s31] =	ssyncset.done $0x0  }
0x70: {  	[sflag:s31] =	ssyncadd.s32 $0xFFFFF000  }
0x71: {  	_ =	sfence.sel $0x180000  }
0x72: {  	[bflag:$0x0] =	sbarrier.arrive $0xFFFF  }
0x73: {  	p0 =	sne.s32 s1, $0x0;
	_ =	strace $0x90000047  }
0x74: {  	s0 =	sadd.s32 @!p0 $0x100000, s0;
	[bflag:$0x2] =	sbarrier.arrive $0xFFFF  }
0x75: {  	[sflag:s0] =	ssyncadd.tile.s32 @!p0 $0x1;
	_ =	shalt  }
.Lfunc_end2:
_tile_overlayer_lowered:
.L_overlay_start_2:
0x76: {  	(tag) =	ssettag $0x2  }
0x77: {  	s0 =	rddreg [dreg:$0x0];
	s2 =	stileid.u32  }
0x78: {  	s1 =	rddreg [dreg:$0x1];
	p0 =	sne.s32 s2, $0x0  }
0x79: {  	s3 =	rddreg [dreg:$0x2];
	[bflag:$0x3] =	sbarrier.arrive $0xFFFF;
	s2 =	simm.s32 @!p0 $0x1C01  }
0x7a: {  	[timem:s3], [sflag:s2] =	dma.local @!p0 [hbm:s0], s1  }
0x7b: {  	s0 =	simm.s32 @!p0 $0x1  }
0x7c: {  	_ =	swait.ge @!p0 [sflag:s0], s1  }
0x7d: {  	s1 =	ssub.s32 @!p0 $0x0, s1;
	[sflag:s0] =	ssyncset.done @!p0 $0x0  }
0x7e: {  	[sflag:s0] =	ssyncadd.s32 @!p0 s1  }
0x7f: {  	[bflag:$0x3] =	sbarrier.arrive $0xFFFF  }
0x80: {  	_ =	shalt  }

</sc_bundles>
